<compile_context>
chip_gen: v7x
topology: tpu7x:2x2x1
jax: 0.10.2.dev20260603
libtpu: 0.0.44.dev20260713+nightly
codegen_flags: <defaults>
</compile_context>

<pallas_src>
import functools

import jax
import jax.numpy as jnp
from jax import lax
from jax.experimental import pallas as pl
from jax.experimental.pallas import tpu as pltpu
from jax.experimental.pallas import tpu_sc as plsc

N_ITEMS = 1000000
N_CATS = 1000
EMB = 64
CAT_EMB = 16
BATCH = 16384

NC = 2
NS = 16
NW = NC * NS
LANES = 16
NBUF = 8
B_PER_W = BATCH // NW
HALF = B_PER_W // 2


def _sc_gather(item_tblT, item_ids, cat_ids, cat_tblT):
    @functools.partial(
        pl.kernel,
        out_type=(
            jax.ShapeDtypeStruct((BATCH, EMB), jnp.float32),
            jax.ShapeDtypeStruct((CAT_EMB, BATCH), jnp.float32),
        ),
        mesh=plsc.VectorSubcoreMesh(core_axis_name="c", subcore_axis_name="s"),
        scratch_types=[
            pltpu.VMEM((B_PER_W,), jnp.int32),
            pltpu.VMEM((B_PER_W,), jnp.int32),
            pltpu.VMEM((NBUF, EMB, 128), jnp.float32),
            pltpu.VMEM((HALF, EMB), jnp.float32),
            pltpu.VMEM((CAT_EMB, N_CATS), jnp.float32),
            pltpu.VMEM((CAT_EMB, B_PER_W), jnp.float32),
        ] + [pltpu.SemaphoreType.DMA] * NBUF,
        compiler_params=pltpu.CompilerParams(needs_layout_passes=False),
    )
    def k(tblT_hbm, ids_hbm, cids_hbm, ctblT_hbm, ie_hbm, ceT_hbm,
          idx_v, cidx_v, stg_v, rows_v, cat_v, cdst_v, *sems):
        wid = lax.axis_index("s") * NC + lax.axis_index("c")
        base = wid * B_PER_W
        pltpu.sync_copy(ids_hbm.at[pl.ds(base, B_PER_W)], idx_v)
        iota = lax.iota(jnp.int32, LANES)

        def scalar_id(j):
            chunk = idx_v[pl.ds((j >> 4) << 4, LANES)]
            sel = jnp.where(iota == (j & 15), chunk, 0)
            return jnp.sum(sel)

        def fire(j, slot):
            tc = scalar_id(j) >> 7
            col = pl.multiple_of(tc * 128, 128)
            pltpu.async_copy(
                tblT_hbm.at[:, pl.ds(col, 128)], stg_v.at[slot], sems[slot]
            )

        def extract(j, slot):
            pltpu.make_async_copy(
                tblT_hbm.at[:, pl.ds(0, 128)], stg_v.at[slot], sems[slot]
            ).wait()
            lane = jnp.full((LANES,), scalar_id(j) & 127, dtype=jnp.int32)
            for q in range(EMB // LANES):
                vals = plsc.load_gather(
                    stg_v.at[slot], [iota + (q * LANES), lane]
                )
                rows_v[j & (HALF - 1), pl.ds(q * LANES, LANES)] = vals

        for b in range(NBUF):
            fire(b, b)

        pltpu.sync_copy(cids_hbm.at[pl.ds(base, B_PER_W)], cidx_v)
        pltpu.sync_copy(ctblT_hbm, cat_v)

        @pl.loop(0, CAT_EMB)
        def _(f):
            fvec = jnp.full((LANES,), f, dtype=jnp.int32)

            @pl.loop(0, B_PER_W // LANES)
            def _(c):
                cvec = cidx_v[pl.ds(c * LANES, LANES)]
                vals = plsc.load_gather(cat_v, [fvec, cvec])
                cdst_v[f, pl.ds(c * LANES, LANES)] = vals

        pltpu.sync_copy(cdst_v, ceT_hbm.at[:, pl.ds(base, B_PER_W)])

        @pl.loop(0, B_PER_W // NBUF - 1)
        def _(g):
            for b in range(NBUF):
                j = g * NBUF + b
                extract(j, b)
                fire(j + NBUF, b)

            @pl.when(g == HALF // NBUF - 1)
            def _():
                pltpu.sync_copy(rows_v, ie_hbm.at[pl.ds(base, HALF)])

        for b in range(NBUF):
            extract(B_PER_W - NBUF + b, b)

        pltpu.sync_copy(rows_v, ie_hbm.at[pl.ds(base + HALF, HALF)])

    return k(item_tblT, item_ids, cat_ids, cat_tblT)


def _mlp_body(ie_ref, ceT_ref, w1a_ref, w1b_ref, b1_ref, w2_ref, b2_ref,
              out_ref):
    ieT = lax.dot_general(
        w1a_ref[...], ie_ref[...],
        dimension_numbers=(((1,), (1,)), ((), ())),
        preferred_element_type=jnp.float32,
    )
    h = ieT + jnp.dot(w1b_ref[...], ceT_ref[...],
                      preferred_element_type=jnp.float32)
    h = jnp.maximum(h + b1_ref[...], 0.0)
    out_ref[...] = (
        jnp.dot(w2_ref[...], h, preferred_element_type=jnp.float32)
        + b2_ref[...]
    )


def _tc_mlp(ie, ceT, W1a, W1b, b1c, W2, b2c):
    blk = 2048
    grid = (BATCH // blk,)
    return pl.pallas_call(
        _mlp_body,
        grid=grid,
        in_specs=[
            pl.BlockSpec((blk, EMB), lambda i: (i, 0)),
            pl.BlockSpec((CAT_EMB, blk), lambda i: (0, i)),
            pl.BlockSpec((EMB, EMB), lambda i: (0, 0)),
            pl.BlockSpec((EMB, CAT_EMB), lambda i: (0, 0)),
            pl.BlockSpec((EMB, 1), lambda i: (0, 0)),
            pl.BlockSpec((EMB, EMB), lambda i: (0, 0)),
            pl.BlockSpec((EMB, 1), lambda i: (0, 0)),
        ],
        out_specs=pl.BlockSpec((EMB, blk), lambda i: (0, i)),
        out_shape=jax.ShapeDtypeStruct((EMB, BATCH), jnp.float32),
        compiler_params=pltpu.CompilerParams(
            dimension_semantics=("arbitrary",),
        ),
    )(ie, ceT, W1a, W1b, b1c, W2, b2c)


@jax.jit
def kernel(item_ids, cat_ids, item_table, cat_table, W1, b1, W2, b2):
    ie, ceT = _sc_gather(item_table.T, item_ids, cat_ids, cat_table.T)
    W1a = W1[:, :EMB]
    W1b = W1[:, EMB:]
    outT = _tc_mlp(ie, ceT, W1a, W1b, b1.reshape(EMB, 1), W2,
                   b2.reshape(EMB, 1))
    return outT.T

# --- scband reference (transcript-rebuilt; emitter-appended) ---
"""Pipeline reference for scband-item-tower-34694745817458 (READ-ONLY COPY).

The authoritative reference and input builder live on the scoring server;
editing this copy changes nothing except your own understanding.
"""

import jax, jax.numpy as jnp
import numpy as np

N_ITEMS = 1000000
N_CATS = 1000
EMB = 64
CAT_EMB = 16
BATCH = 16384


def setup_inputs(seed: int = 0) -> dict:
    key = jax.random.key(seed)
    k1, k2, k3, k4, k5, k6, k7, k8 = jax.random.split(key, 8)
    item_ids = jax.random.randint(k1, (BATCH,), 0, N_ITEMS, dtype=jnp.int64 if jax.config.jax_enable_x64 else jnp.int32)
    cat_ids = jax.random.randint(k2, (BATCH,), 0, N_CATS, dtype=jnp.int64 if jax.config.jax_enable_x64 else jnp.int32)
    item_table = jax.random.normal(k3, (N_ITEMS, EMB), dtype=jnp.float32) * 0.02
    item_table = item_table.at[0].set(0.0)  # padding_idx=0
    cat_table = jax.random.normal(k4, (N_CATS, CAT_EMB), dtype=jnp.float32) * 0.02
    cat_table = cat_table.at[0].set(0.0)  # padding_idx=0
    in_dim = EMB + CAT_EMB
    W1 = jax.random.normal(k5, (EMB, in_dim), dtype=jnp.float32) * (1.0 / np.sqrt(in_dim))
    b1 = jax.random.normal(k6, (EMB,), dtype=jnp.float32) * 0.01
    W2 = jax.random.normal(k7, (EMB, EMB), dtype=jnp.float32) * (1.0 / np.sqrt(EMB))
    b2 = jax.random.normal(k8, (EMB,), dtype=jnp.float32) * 0.01
    return {"item_ids": item_ids, "cat_ids": cat_ids, "item_table": item_table, "cat_table": cat_table, "W1": W1, "b1": b1, "W2": W2, "b2": b2}


def reference(item_ids, cat_ids, item_table, cat_table, W1, b1, W2, b2):
    ie = jnp.take(item_table, item_ids, axis=0)
    ce = jnp.take(cat_table, cat_ids, axis=0)
    h = jnp.concatenate([ie, ce], axis=-1)
    h = jnp.maximum(h @ W1.T + b1, 0.0)
    out = h @ W2.T + b2
    return out

if __name__ == "__main__":
    import jax
    _d = setup_inputs()
    print(jax.jit(kernel)(*tuple(_d.values())))

</pallas_src>

<mosaic_0001>
#map = affine_map<(d0, d1) -> (0, 0)>
#map1 = affine_map<(d0, d1) -> (0)>
module attributes {stable_mosaic.version = 14 : i64} {
  func.func @k(%arg0: i32, %arg1: i32, %arg2: memref<64x1000000xf32, #tpu.memory_space<hbm>>, %arg3: memref<16384xi32, #tpu.memory_space<hbm>>, %arg4: memref<16384xi32, #tpu.memory_space<hbm>>, %arg5: memref<16x1000xf32, #tpu.memory_space<hbm>>, %arg6: memref<16384x64xf32, #tpu.memory_space<hbm>>, %arg7: memref<16x16384xf32, #tpu.memory_space<hbm>>, %arg8: memref<512xi32, #tpu.memory_space<vmem>>, %arg9: memref<512xi32, #tpu.memory_space<vmem>>, %arg10: memref<8x64x128xf32, #tpu.memory_space<vmem>>, %arg11: memref<256x64xf32, #tpu.memory_space<vmem>>, %arg12: memref<16x1000xf32, #tpu.memory_space<vmem>>, %arg13: memref<16x512xf32, #tpu.memory_space<vmem>>, %arg14: memref<!tpu.dma_semaphore, #tpu.memory_space<semaphore_mem>>, %arg15: memref<!tpu.dma_semaphore, #tpu.memory_space<semaphore_mem>>, %arg16: memref<!tpu.dma_semaphore, #tpu.memory_space<semaphore_mem>>, %arg17: memref<!tpu.dma_semaphore, #tpu.memory_space<semaphore_mem>>, %arg18: memref<!tpu.dma_semaphore, #tpu.memory_space<semaphore_mem>>, %arg19: memref<!tpu.dma_semaphore, #tpu.memory_space<semaphore_mem>>, %arg20: memref<!tpu.dma_semaphore, #tpu.memory_space<semaphore_mem>>, %arg21: memref<!tpu.dma_semaphore, #tpu.memory_space<semaphore_mem>>) attributes {dimension_semantics = [#tpu.dimension_semantics<core_parallel>, #tpu.dimension_semantics<subcore_parallel>], iteration_bounds = array<i64: 2, 16>, scalar_prefetch = 0 : i64, scratch_operands = 14 : i64, tpu.core_type = #tpu.core_type<sc_vector_subcore>, window_params = [{transform_indices = #map}, {transform_indices = #map1}, {transform_indices = #map1}, {transform_indices = #map}, {transform_indices = #map}, {transform_indices = #map}]} {
    %mul3A = arith.constant 2 : i32
    %mul3A_0 = arith.muli %arg1, %mul3A : i32
    %add3A = arith.addi %mul3A_0, %arg0 : i32
    %mul3A_1 = arith.constant 512 : i32
    %mul3A_2 = arith.muli %add3A, %mul3A_1 : i32
    "tpu.region"() ({
      %run_scoped3A = tpu.sem_alloc : memref<!tpu.dma_semaphore, #tpu.memory_space<semaphore_mem>>
      %dma_start3A_897 = tpu.memref_slice %arg3[%mul3A_2] : memref<16384xi32, #tpu.memory_space<hbm>> -> memref<512xi32, #tpu.memory_space<hbm>>
      %dma_start3A_898 = tpu.memref_slice %arg3[%mul3A_2] : memref<16384xi32, #tpu.memory_space<hbm>> -> memref<512xi32, #tpu.memory_space<hbm>>
      tpu.enqueue_dma source(%dma_start3A_898 : memref<512xi32, #tpu.memory_space<hbm>>) target(%arg8 : memref<512xi32, #tpu.memory_space<vmem>>) target_semaphore(%run_scoped3A : memref<!tpu.dma_semaphore, #tpu.memory_space<semaphore_mem>>)
      %dma_wait3A_899 = tpu.memref_slice %arg3[%mul3A_2] : memref<16384xi32, #tpu.memory_space<hbm>> -> memref<512xi32, #tpu.memory_space<hbm>>
      %dma_wait3A_900 = tpu.memref_slice %arg3[%mul3A_2] : memref<16384xi32, #tpu.memory_space<hbm>> -> memref<512xi32, #tpu.memory_space<hbm>>
      tpu.wait_dma2 semaphore(%run_scoped3A : memref<!tpu.dma_semaphore, #tpu.memory_space<semaphore_mem>>) src(%dma_wait3A_900 : memref<512xi32, #tpu.memory_space<hbm>>) dst(%arg8 : memref<512xi32, #tpu.memory_space<vmem>>)
      tpu.yield
    }) : () -> ()
    %iota3A = tpu.iota {dimensions = array<i32: 0>} : vector<16xi32>
    %get3A = arith.constant 0 : index
    %get3A_3 = tpu.vector_load %arg8[%get3A] {strides = array<i32>} : memref<512xi32, #tpu.memory_space<vmem>>, vector<16xi32>,
    %eq3A = arith.constant 0 : i32
    %eq3A_4 = vector.broadcast %eq3A : i32 to vector<16xi32>
    %eq3A_5 = arith.cmpi eq, %iota3A, %eq3A_4 : vector<16xi32>
    %jit3A = arith.constant 0 : i32
    %broadcast_in_dim3A = vector.broadcast %jit3A : i32 to vector<16xi32>
    %select_n3A = arith.select %eq3A_5, %get3A_3, %broadcast_in_dim3A : vector<16xi1>, vector<16xi32>
    %reduce_sum3A = arith.constant true
    %reduce_sum3A_6 = vector.broadcast %reduce_sum3A : i1 to vector<16xi1>
    %reduce_sum3A_7 = tpu.scan <sum>, %select_n3A masked %reduce_sum3A_6 : vector<16xi32>, vector<16xi1> -> vector<16xi32>
    %reduce_sum3A_8 = vector.extract %reduce_sum3A_7[15] : i32 from vector<16xi32>
    %shift_right_arithmetic3A = arith.constant 7 : i32
    %shift_right_arithmetic3A_9 = arith.shrsi %reduce_sum3A_8, %shift_right_arithmetic3A : i32
    %mul3A_10 = arith.constant 128 : i32
    %mul3A_11 = arith.muli %shift_right_arithmetic3A_9, %mul3A_10 : i32
    %multiple_of3A = tpu.assume_multiple %mul3A_11, 128 : i32
    %dma_start3A = arith.constant 0 : i32
    %dma_start3A_12 = arith.constant 0 : i32
    %dma_start3A_13 = arith.constant 0 : i32
    %dma_start3A_14 = tpu.memref_slice %arg10[%dma_start3A, %dma_start3A_12, %dma_start3A_13] : memref<8x64x128xf32, #tpu.memory_space<vmem>> -> memref<1x64x128xf32, #tpu.memory_space<vmem>>
    %dma_start3A_15 = tpu.memref_squeeze %dma_start3A_14 : memref<1x64x128xf32, #tpu.memory_space<vmem>> -> memref<64x128xf32, #tpu.memory_space<vmem>>
    %dma_start3A_16 = arith.constant 0 : i32
    %dma_start3A_17 = tpu.memref_slice %arg2[%dma_start3A_16, %multiple_of3A] : memref<64x1000000xf32, #tpu.memory_space<hbm>> -> memref<64x128xf32, #tpu.memory_space<hbm>>
    %dma_start3A_18 = arith.constant 0 : i32
    %dma_start3A_19 = arith.constant 0 : i32
    %dma_start3A_20 = tpu.memref_slice %arg10[%dma_start3A, %dma_start3A_18, %dma_start3A_19] : memref<8x64x128xf32, #tpu.memory_space<vmem>> -> memref<1x64x128xf32, #tpu.memory_space<vmem>>
    %dma_start3A_21 = tpu.memref_squeeze %dma_start3A_20 : memref<1x64x128xf32, #tpu.memory_space<vmem>> -> memref<64x128xf32, #tpu.memory_space<vmem>>
    %dma_start3A_22 = arith.constant 0 : i32
    %dma_start3A_23 = tpu.memref_slice %arg2[%dma_start3A_22, %multiple_of3A] : memref<64x1000000xf32, #tpu.memory_space<hbm>> -> memref<64x128xf32, #tpu.memory_space<hbm>>
    tpu.enqueue_dma source(%dma_start3A_23 : memref<64x128xf32, #tpu.memory_space<hbm>>) target(%dma_start3A_21 : memref<64x128xf32, #tpu.memory_space<vmem>>) target_semaphore(%arg14 : memref<!tpu.dma_semaphore, #tpu.memory_space<semaphore_mem>>)
    %get3A_24 = arith.constant 0 : index
    %get3A_25 = tpu.vector_load %arg8[%get3A_24] {strides = array<i32>} : memref<512xi32, #tpu.memory_space<vmem>>, vector<16xi32>,
    %eq3A_26 = arith.constant 1 : i32
    %eq3A_27 = vector.broadcast %eq3A_26 : i32 to vector<16xi32>
    %eq3A_28 = arith.cmpi eq, %iota3A, %eq3A_27 : vector<16xi32>
    %jit3A_29 = arith.constant 0 : i32
    %broadcast_in_dim3A_30 = vector.broadcast %jit3A_29 : i32 to vector<16xi32>
    %select_n3A_31 = arith.select %eq3A_28, %get3A_25, %broadcast_in_dim3A_30 : vector<16xi1>, vector<16xi32>
    %reduce_sum3A_32 = arith.constant true
    %reduce_sum3A_33 = vector.broadcast %reduce_sum3A_32 : i1 to vector<16xi1>
    %reduce_sum3A_34 = tpu.scan <sum>, %select_n3A_31 masked %reduce_sum3A_33 : vector<16xi32>, vector<16xi1> -> vector<16xi32>
    %reduce_sum3A_35 = vector.extract %reduce_sum3A_34[15] : i32 from vector<16xi32>
    %shift_right_arithmetic3A_36 = arith.constant 7 : i32
    %shift_right_arithmetic3A_37 = arith.shrsi %reduce_sum3A_35, %shift_right_arithmetic3A_36 : i32
    %mul3A_38 = arith.constant 128 : i32
    %mul3A_39 = arith.muli %shift_right_arithmetic3A_37, %mul3A_38 : i32
    %multiple_of3A_40 = tpu.assume_multiple %mul3A_39, 128 : i32
    %dma_start3A_41 = arith.constant 1 : i32
    %dma_start3A_42 = arith.constant 0 : i32
    %dma_start3A_43 = arith.constant 0 : i32
    %dma_start3A_44 = tpu.memref_slice %arg10[%dma_start3A_41, %dma_start3A_42, %dma_start3A_43] : memref<8x64x128xf32, #tpu.memory_space<vmem>> -> memref<1x64x128xf32, #tpu.memory_space<vmem>>
    %dma_start3A_45 = tpu.memref_squeeze %dma_start3A_44 : memref<1x64x128xf32, #tpu.memory_space<vmem>> -> memref<64x128xf32, #tpu.memory_space<vmem>>
    %dma_start3A_46 = arith.constant 0 : i32
    %dma_start3A_47 = tpu.memref_slice %arg2[%dma_start3A_46, %multiple_of3A_40] : memref<64x1000000xf32, #tpu.memory_space<hbm>> -> memref<64x128xf32, #tpu.memory_space<hbm>>
    %dma_start3A_48 = arith.constant 0 : i32
    %dma_start3A_49 = arith.constant 0 : i32
    %dma_start3A_50 = tpu.memref_slice %arg10[%dma_start3A_41, %dma_start3A_48, %dma_start3A_49] : memref<8x64x128xf32, #tpu.memory_space<vmem>> -> memref<1x64x128xf32, #tpu.memory_space<vmem>>
    %dma_start3A_51 = tpu.memref_squeeze %dma_start3A_50 : memref<1x64x128xf32, #tpu.memory_space<vmem>> -> memref<64x128xf32, #tpu.memory_space<vmem>>
    %dma_start3A_52 = arith.constant 0 : i32
    %dma_start3A_53 = tpu.memref_slice %arg2[%dma_start3A_52, %multiple_of3A_40] : memref<64x1000000xf32, #tpu.memory_space<hbm>> -> memref<64x128xf32, #tpu.memory_space<hbm>>
    tpu.enqueue_dma source(%dma_start3A_53 : memref<64x128xf32, #tpu.memory_space<hbm>>) target(%dma_start3A_51 : memref<64x128xf32, #tpu.memory_space<vmem>>) target_semaphore(%arg15 : memref<!tpu.dma_semaphore, #tpu.memory_space<semaphore_mem>>)
    %get3A_54 = arith.constant 0 : index
    %get3A_55 = tpu.vector_load %arg8[%get3A_54] {strides = array<i32>} : memref<512xi32, #tpu.memory_space<vmem>>, vector<16xi32>,
    %eq3A_56 = arith.constant 2 : i32
    %eq3A_57 = vector.broadcast %eq3A_56 : i32 to vector<16xi32>
    %eq3A_58 = arith.cmpi eq, %iota3A, %eq3A_57 : vector<16xi32>
    %jit3A_59 = arith.constant 0 : i32
    %broadcast_in_dim3A_60 = vector.broadcast %jit3A_59 : i32 to vector<16xi32>
    %select_n3A_61 = arith.select %eq3A_58, %get3A_55, %broadcast_in_dim3A_60 : vector<16xi1>, vector<16xi32>
    %reduce_sum3A_62 = arith.constant true
    %reduce_sum3A_63 = vector.broadcast %reduce_sum3A_62 : i1 to vector<16xi1>
    %reduce_sum3A_64 = tpu.scan <sum>, %select_n3A_61 masked %reduce_sum3A_63 : vector<16xi32>, vector<16xi1> -> vector<16xi32>
    %reduce_sum3A_65 = vector.extract %reduce_sum3A_64[15] : i32 from vector<16xi32>
    %shift_right_arithmetic3A_66 = arith.constant 7 : i32
    %shift_right_arithmetic3A_67 = arith.shrsi %reduce_sum3A_65, %shift_right_arithmetic3A_66 : i32
    %mul3A_68 = arith.constant 128 : i32
    %mul3A_69 = arith.muli %shift_right_arithmetic3A_67, %mul3A_68 : i32
    %multiple_of3A_70 = tpu.assume_multiple %mul3A_69, 128 : i32
    %dma_start3A_71 = arith.constant 2 : i32
    %dma_start3A_72 = arith.constant 0 : i32
    %dma_start3A_73 = arith.constant 0 : i32
    %dma_start3A_74 = tpu.memref_slice %arg10[%dma_start3A_71, %dma_start3A_72, %dma_start3A_73] : memref<8x64x128xf32, #tpu.memory_space<vmem>> -> memref<1x64x128xf32, #tpu.memory_space<vmem>>
    %dma_start3A_75 = tpu.memref_squeeze %dma_start3A_74 : memref<1x64x128xf32, #tpu.memory_space<vmem>> -> memref<64x128xf32, #tpu.memory_space<vmem>>
    %dma_start3A_76 = arith.constant 0 : i32
    %dma_start3A_77 = tpu.memref_slice %arg2[%dma_start3A_76, %multiple_of3A_70] : memref<64x1000000xf32, #tpu.memory_space<hbm>> -> memref<64x128xf32, #tpu.memory_space<hbm>>
    %dma_start3A_78 = arith.constant 0 : i32
    %dma_start3A_79 = arith.constant 0 : i32
    %dma_start3A_80 = tpu.memref_slice %arg10[%dma_start3A_71, %dma_start3A_78, %dma_start3A_79] : memref<8x64x128xf32, #tpu.memory_space<vmem>> -> memref<1x64x128xf32, #tpu.memory_space<vmem>>
    %dma_start3A_81 = tpu.memref_squeeze %dma_start3A_80 : memref<1x64x128xf32, #tpu.memory_space<vmem>> -> memref<64x128xf32, #tpu.memory_space<vmem>>
    %dma_start3A_82 = arith.constant 0 : i32
    %dma_start3A_83 = tpu.memref_slice %arg2[%dma_start3A_82, %multiple_of3A_70] : memref<64x1000000xf32, #tpu.memory_space<hbm>> -> memref<64x128xf32, #tpu.memory_space<hbm>>
    tpu.enqueue_dma source(%dma_start3A_83 : memref<64x128xf32, #tpu.memory_space<hbm>>) target(%dma_start3A_81 : memref<64x128xf32, #tpu.memory_space<vmem>>) target_semaphore(%arg16 : memref<!tpu.dma_semaphore, #tpu.memory_space<semaphore_mem>>)
    %get3A_84 = arith.constant 0 : index
    %get3A_85 = tpu.vector_load %arg8[%get3A_84] {strides = array<i32>} : memref<512xi32, #tpu.memory_space<vmem>>, vector<16xi32>,
    %eq3A_86 = arith.constant 3 : i32
    %eq3A_87 = vector.broadcast %eq3A_86 : i32 to vector<16xi32>
    %eq3A_88 = arith.cmpi eq, %iota3A, %eq3A_87 : vector<16xi32>
    %jit3A_89 = arith.constant 0 : i32
    %broadcast_in_dim3A_90 = vector.broadcast %jit3A_89 : i32 to vector<16xi32>
    %select_n3A_91 = arith.select %eq3A_88, %get3A_85, %broadcast_in_dim3A_90 : vector<16xi1>, vector<16xi32>
    %reduce_sum3A_92 = arith.constant true
    %reduce_sum3A_93 = vector.broadcast %reduce_sum3A_92 : i1 to vector<16xi1>
    %reduce_sum3A_94 = tpu.scan <sum>, %select_n3A_91 masked %reduce_sum3A_93 : vector<16xi32>, vector<16xi1> -> vector<16xi32>
    %reduce_sum3A_95 = vector.extract %reduce_sum3A_94[15] : i32 from vector<16xi32>
    %shift_right_arithmetic3A_96 = arith.constant 7 : i32
    %shift_right_arithmetic3A_97 = arith.shrsi %reduce_sum3A_95, %shift_right_arithmetic3A_96 : i32
    %mul3A_98 = arith.constant 128 : i32
    %mul3A_99 = arith.muli %shift_right_arithmetic3A_97, %mul3A_98 : i32
    %multiple_of3A_100 = tpu.assume_multiple %mul3A_99, 128 : i32
    %dma_start3A_101 = arith.constant 3 : i32
    %dma_start3A_102 = arith.constant 0 : i32
    %dma_start3A_103 = arith.constant 0 : i32
    %dma_start3A_104 = tpu.memref_slice %arg10[%dma_start3A_101, %dma_start3A_102, %dma_start3A_103] : memref<8x64x128xf32, #tpu.memory_space<vmem>> -> memref<1x64x128xf32, #tpu.memory_space<vmem>>
    %dma_start3A_105 = tpu.memref_squeeze %dma_start3A_104 : memref<1x64x128xf32, #tpu.memory_space<vmem>> -> memref<64x128xf32, #tpu.memory_space<vmem>>
    %dma_start3A_106 = arith.constant 0 : i32
    %dma_start3A_107 = tpu.memref_slice %arg2[%dma_start3A_106, %multiple_of3A_100] : memref<64x1000000xf32, #tpu.memory_space<hbm>> -> memref<64x128xf32, #tpu.memory_space<hbm>>
    %dma_start3A_108 = arith.constant 0 : i32
    %dma_start3A_109 = arith.constant 0 : i32
    %dma_start3A_110 = tpu.memref_slice %arg10[%dma_start3A_101, %dma_start3A_108, %dma_start3A_109] : memref<8x64x128xf32, #tpu.memory_space<vmem>> -> memref<1x64x128xf32, #tpu.memory_space<vmem>>
    %dma_start3A_111 = tpu.memref_squeeze %dma_start3A_110 : memref<1x64x128xf32, #tpu.memory_space<vmem>> -> memref<64x128xf32, #tpu.memory_space<vmem>>
    %dma_start3A_112 = arith.constant 0 : i32
    %dma_start3A_113 = tpu.memref_slice %arg2[%dma_start3A_112, %multiple_of3A_100] : memref<64x1000000xf32, #tpu.memory_space<hbm>> -> memref<64x128xf32, #tpu.memory_space<hbm>>
    tpu.enqueue_dma source(%dma_start3A_113 : memref<64x128xf32, #tpu.memory_space<hbm>>) target(%dma_start3A_111 : memref<64x128xf32, #tpu.memory_space<vmem>>) target_semaphore(%arg17 : memref<!tpu.dma_semaphore, #tpu.memory_space<semaphore_mem>>)
    %get3A_114 = arith.constant 0 : index
    %get3A_115 = tpu.vector_load %arg8[%get3A_114] {strides = array<i32>} : memref<512xi32, #tpu.memory_space<vmem>>, vector<16xi32>,
    %eq3A_116 = arith.constant 4 : i32
    %eq3A_117 = vector.broadcast %eq3A_116 : i32 to vector<16xi32>
    %eq3A_118 = arith.cmpi eq, %iota3A, %eq3A_117 : vector<16xi32>
    %jit3A_119 = arith.constant 0 : i32
    %broadcast_in_dim3A_120 = vector.broadcast %jit3A_119 : i32 to vector<16xi32>
    %select_n3A_121 = arith.select %eq3A_118, %get3A_115, %broadcast_in_dim3A_120 : vector<16xi1>, vector<16xi32>
    %reduce_sum3A_122 = arith.constant true
    %reduce_sum3A_123 = vector.broadcast %reduce_sum3A_122 : i1 to vector<16xi1>
    %reduce_sum3A_124 = tpu.scan <sum>, %select_n3A_121 masked %reduce_sum3A_123 : vector<16xi32>, vector<16xi1> -> vector<16xi32>
    %reduce_sum3A_125 = vector.extract %reduce_sum3A_124[15] : i32 from vector<16xi32>
    %shift_right_arithmetic3A_126 = arith.constant 7 : i32
    %shift_right_arithmetic3A_127 = arith.shrsi %reduce_sum3A_125, %shift_right_arithmetic3A_126 : i32
    %mul3A_128 = arith.constant 128 : i32
    %mul3A_129 = arith.muli %shift_right_arithmetic3A_127, %mul3A_128 : i32
    %multiple_of3A_130 = tpu.assume_multiple %mul3A_129, 128 : i32
    %dma_start3A_131 = arith.constant 4 : i32
    %dma_start3A_132 = arith.constant 0 : i32
    %dma_start3A_133 = arith.constant 0 : i32
    %dma_start3A_134 = tpu.memref_slice %arg10[%dma_start3A_131, %dma_start3A_132, %dma_start3A_133] : memref<8x64x128xf32, #tpu.memory_space<vmem>> -> memref<1x64x128xf32, #tpu.memory_space<vmem>>
    %dma_start3A_135 = tpu.memref_squeeze %dma_start3A_134 : memref<1x64x128xf32, #tpu.memory_space<vmem>> -> memref<64x128xf32, #tpu.memory_space<vmem>>
    %dma_start3A_136 = arith.constant 0 : i32
    %dma_start3A_137 = tpu.memref_slice %arg2[%dma_start3A_136, %multiple_of3A_130] : memref<64x1000000xf32, #tpu.memory_space<hbm>> -> memref<64x128xf32, #tpu.memory_space<hbm>>
    %dma_start3A_138 = arith.constant 0 : i32
    %dma_start3A_139 = arith.constant 0 : i32
    %dma_start3A_140 = tpu.memref_slice %arg10[%dma_start3A_131, %dma_start3A_138, %dma_start3A_139] : memref<8x64x128xf32, #tpu.memory_space<vmem>> -> memref<1x64x128xf32, #tpu.memory_space<vmem>>
    %dma_start3A_141 = tpu.memref_squeeze %dma_start3A_140 : memref<1x64x128xf32, #tpu.memory_space<vmem>> -> memref<64x128xf32, #tpu.memory_space<vmem>>
    %dma_start3A_142 = arith.constant 0 : i32
    %dma_start3A_143 = tpu.memref_slice %arg2[%dma_start3A_142, %multiple_of3A_130] : memref<64x1000000xf32, #tpu.memory_space<hbm>> -> memref<64x128xf32, #tpu.memory_space<hbm>>
    tpu.enqueue_dma source(%dma_start3A_143 : memref<64x128xf32, #tpu.memory_space<hbm>>) target(%dma_start3A_141 : memref<64x128xf32, #tpu.memory_space<vmem>>) target_semaphore(%arg18 : memref<!tpu.dma_semaphore, #tpu.memory_space<semaphore_mem>>)
    %get3A_144 = arith.constant 0 : index
    %get3A_145 = tpu.vector_load %arg8[%get3A_144] {strides = array<i32>} : memref<512xi32, #tpu.memory_space<vmem>>, vector<16xi32>,
    %eq3A_146 = arith.constant 5 : i32
    %eq3A_147 = vector.broadcast %eq3A_146 : i32 to vector<16xi32>
    %eq3A_148 = arith.cmpi eq, %iota3A, %eq3A_147 : vector<16xi32>
    %jit3A_149 = arith.constant 0 : i32
    %broadcast_in_dim3A_150 = vector.broadcast %jit3A_149 : i32 to vector<16xi32>
    %select_n3A_151 = arith.select %eq3A_148, %get3A_145, %broadcast_in_dim3A_150 : vector<16xi1>, vector<16xi32>
    %reduce_sum3A_152 = arith.constant true
    %reduce_sum3A_153 = vector.broadcast %reduce_sum3A_152 : i1 to vector<16xi1>
    %reduce_sum3A_154 = tpu.scan <sum>, %select_n3A_151 masked %reduce_sum3A_153 : vector<16xi32>, vector<16xi1> -> vector<16xi32>
    %reduce_sum3A_155 = vector.extract %reduce_sum3A_154[15] : i32 from vector<16xi32>
    %shift_right_arithmetic3A_156 = arith.constant 7 : i32
    %shift_right_arithmetic3A_157 = arith.shrsi %reduce_sum3A_155, %shift_right_arithmetic3A_156 : i32
    %mul3A_158 = arith.constant 128 : i32
    %mul3A_159 = arith.muli %shift_right_arithmetic3A_157, %mul3A_158 : i32
    %multiple_of3A_160 = tpu.assume_multiple %mul3A_159, 128 : i32
    %dma_start3A_161 = arith.constant 5 : i32
    %dma_start3A_162 = arith.constant 0 : i32
    %dma_start3A_163 = arith.constant 0 : i32
    %dma_start3A_164 = tpu.memref_slice %arg10[%dma_start3A_161, %dma_start3A_162, %dma_start3A_163] : memref<8x64x128xf32, #tpu.memory_space<vmem>> -> memref<1x64x128xf32, #tpu.memory_space<vmem>>
    %dma_start3A_165 = tpu.memref_squeeze %dma_start3A_164 : memref<1x64x128xf32, #tpu.memory_space<vmem>> -> memref<64x128xf32, #tpu.memory_space<vmem>>
    %dma_start3A_166 = arith.constant 0 : i32
    %dma_start3A_167 = tpu.memref_slice %arg2[%dma_start3A_166, %multiple_of3A_160] : memref<64x1000000xf32, #tpu.memory_space<hbm>> -> memref<64x128xf32, #tpu.memory_space<hbm>>
    %dma_start3A_168 = arith.constant 0 : i32
    %dma_start3A_169 = arith.constant 0 : i32
    %dma_start3A_170 = tpu.memref_slice %arg10[%dma_start3A_161, %dma_start3A_168, %dma_start3A_169] : memref<8x64x128xf32, #tpu.memory_space<vmem>> -> memref<1x64x128xf32, #tpu.memory_space<vmem>>
    %dma_start3A_171 = tpu.memref_squeeze %dma_start3A_170 : memref<1x64x128xf32, #tpu.memory_space<vmem>> -> memref<64x128xf32, #tpu.memory_space<vmem>>
    %dma_start3A_172 = arith.constant 0 : i32
    %dma_start3A_173 = tpu.memref_slice %arg2[%dma_start3A_172, %multiple_of3A_160] : memref<64x1000000xf32, #tpu.memory_space<hbm>> -> memref<64x128xf32, #tpu.memory_space<hbm>>
    tpu.enqueue_dma source(%dma_start3A_173 : memref<64x128xf32, #tpu.memory_space<hbm>>) target(%dma_start3A_171 : memref<64x128xf32, #tpu.memory_space<vmem>>) target_semaphore(%arg19 : memref<!tpu.dma_semaphore, #tpu.memory_space<semaphore_mem>>)
    %get3A_174 = arith.constant 0 : index
    %get3A_175 = tpu.vector_load %arg8[%get3A_174] {strides = array<i32>} : memref<512xi32, #tpu.memory_space<vmem>>, vector<16xi32>,
    %eq3A_176 = arith.constant 6 : i32
    %eq3A_177 = vector.broadcast %eq3A_176 : i32 to vector<16xi32>
    %eq3A_178 = arith.cmpi eq, %iota3A, %eq3A_177 : vector<16xi32>
    %jit3A_179 = arith.constant 0 : i32
    %broadcast_in_dim3A_180 = vector.broadcast %jit3A_179 : i32 to vector<16xi32>
    %select_n3A_181 = arith.select %eq3A_178, %get3A_175, %broadcast_in_dim3A_180 : vector<16xi1>, vector<16xi32>
    %reduce_sum3A_182 = arith.constant true
    %reduce_sum3A_183 = vector.broadcast %reduce_sum3A_182 : i1 to vector<16xi1>
    %reduce_sum3A_184 = tpu.scan <sum>, %select_n3A_181 masked %reduce_sum3A_183 : vector<16xi32>, vector<16xi1> -> vector<16xi32>
    %reduce_sum3A_185 = vector.extract %reduce_sum3A_184[15] : i32 from vector<16xi32>
    %shift_right_arithmetic3A_186 = arith.constant 7 : i32
    %shift_right_arithmetic3A_187 = arith.shrsi %reduce_sum3A_185, %shift_right_arithmetic3A_186 : i32
    %mul3A_188 = arith.constant 128 : i32
    %mul3A_189 = arith.muli %shift_right_arithmetic3A_187, %mul3A_188 : i32
    %multiple_of3A_190 = tpu.assume_multiple %mul3A_189, 128 : i32
    %dma_start3A_191 = arith.constant 6 : i32
    %dma_start3A_192 = arith.constant 0 : i32
    %dma_start3A_193 = arith.constant 0 : i32
    %dma_start3A_194 = tpu.memref_slice %arg10[%dma_start3A_191, %dma_start3A_192, %dma_start3A_193] : memref<8x64x128xf32, #tpu.memory_space<vmem>> -> memref<1x64x128xf32, #tpu.memory_space<vmem>>
    %dma_start3A_195 = tpu.memref_squeeze %dma_start3A_194 : memref<1x64x128xf32, #tpu.memory_space<vmem>> -> memref<64x128xf32, #tpu.memory_space<vmem>>
    %dma_start3A_196 = arith.constant 0 : i32
    %dma_start3A_197 = tpu.memref_slice %arg2[%dma_start3A_196, %multiple_of3A_190] : memref<64x1000000xf32, #tpu.memory_space<hbm>> -> memref<64x128xf32, #tpu.memory_space<hbm>>
    %dma_start3A_198 = arith.constant 0 : i32
    %dma_start3A_199 = arith.constant 0 : i32
    %dma_start3A_200 = tpu.memref_slice %arg10[%dma_start3A_191, %dma_start3A_198, %dma_start3A_199] : memref<8x64x128xf32, #tpu.memory_space<vmem>> -> memref<1x64x128xf32, #tpu.memory_space<vmem>>
    %dma_start3A_201 = tpu.memref_squeeze %dma_start3A_200 : memref<1x64x128xf32, #tpu.memory_space<vmem>> -> memref<64x128xf32, #tpu.memory_space<vmem>>
    %dma_start3A_202 = arith.constant 0 : i32
    %dma_start3A_203 = tpu.memref_slice %arg2[%dma_start3A_202, %multiple_of3A_190] : memref<64x1000000xf32, #tpu.memory_space<hbm>> -> memref<64x128xf32, #tpu.memory_space<hbm>>
    tpu.enqueue_dma source(%dma_start3A_203 : memref<64x128xf32, #tpu.memory_space<hbm>>) target(%dma_start3A_201 : memref<64x128xf32, #tpu.memory_space<vmem>>) target_semaphore(%arg20 : memref<!tpu.dma_semaphore, #tpu.memory_space<semaphore_mem>>)
    %get3A_204 = arith.constant 0 : index
    %get3A_205 = tpu.vector_load %arg8[%get3A_204] {strides = array<i32>} : memref<512xi32, #tpu.memory_space<vmem>>, vector<16xi32>,
    %eq3A_206 = arith.constant 7 : i32
    %eq3A_207 = vector.broadcast %eq3A_206 : i32 to vector<16xi32>
    %eq3A_208 = arith.cmpi eq, %iota3A, %eq3A_207 : vector<16xi32>
    %jit3A_209 = arith.constant 0 : i32
    %broadcast_in_dim3A_210 = vector.broadcast %jit3A_209 : i32 to vector<16xi32>
    %select_n3A_211 = arith.select %eq3A_208, %get3A_205, %broadcast_in_dim3A_210 : vector<16xi1>, vector<16xi32>
    %reduce_sum3A_212 = arith.constant true
    %reduce_sum3A_213 = vector.broadcast %reduce_sum3A_212 : i1 to vector<16xi1>
    %reduce_sum3A_214 = tpu.scan <sum>, %select_n3A_211 masked %reduce_sum3A_213 : vector<16xi32>, vector<16xi1> -> vector<16xi32>
    %reduce_sum3A_215 = vector.extract %reduce_sum3A_214[15] : i32 from vector<16xi32>
    %shift_right_arithmetic3A_216 = arith.constant 7 : i32
    %shift_right_arithmetic3A_217 = arith.shrsi %reduce_sum3A_215, %shift_right_arithmetic3A_216 : i32
    %mul3A_218 = arith.constant 128 : i32
    %mul3A_219 = arith.muli %shift_right_arithmetic3A_217, %mul3A_218 : i32
    %multiple_of3A_220 = tpu.assume_multiple %mul3A_219, 128 : i32
    %dma_start3A_221 = arith.constant 7 : i32
    %dma_start3A_222 = arith.constant 0 : i32
    %dma_start3A_223 = arith.constant 0 : i32
    %dma_start3A_224 = tpu.memref_slice %arg10[%dma_start3A_221, %dma_start3A_222, %dma_start3A_223] : memref<8x64x128xf32, #tpu.memory_space<vmem>> -> memref<1x64x128xf32, #tpu.memory_space<vmem>>
    %dma_start3A_225 = tpu.memref_squeeze %dma_start3A_224 : memref<1x64x128xf32, #tpu.memory_space<vmem>> -> memref<64x128xf32, #tpu.memory_space<vmem>>
    %dma_start3A_226 = arith.constant 0 : i32
    %dma_start3A_227 = tpu.memref_slice %arg2[%dma_start3A_226, %multiple_of3A_220] : memref<64x1000000xf32, #tpu.memory_space<hbm>> -> memref<64x128xf32, #tpu.memory_space<hbm>>
    %dma_start3A_228 = arith.constant 0 : i32
    %dma_start3A_229 = arith.constant 0 : i32
    %dma_start3A_230 = tpu.memref_slice %arg10[%dma_start3A_221, %dma_start3A_228, %dma_start3A_229] : memref<8x64x128xf32, #tpu.memory_space<vmem>> -> memref<1x64x128xf32, #tpu.memory_space<vmem>>
    %dma_start3A_231 = tpu.memref_squeeze %dma_start3A_230 : memref<1x64x128xf32, #tpu.memory_space<vmem>> -> memref<64x128xf32, #tpu.memory_space<vmem>>
    %dma_start3A_232 = arith.constant 0 : i32
    %dma_start3A_233 = tpu.memref_slice %arg2[%dma_start3A_232, %multiple_of3A_220] : memref<64x1000000xf32, #tpu.memory_space<hbm>> -> memref<64x128xf32, #tpu.memory_space<hbm>>
    tpu.enqueue_dma source(%dma_start3A_233 : memref<64x128xf32, #tpu.memory_space<hbm>>) target(%dma_start3A_231 : memref<64x128xf32, #tpu.memory_space<vmem>>) target_semaphore(%arg21 : memref<!tpu.dma_semaphore, #tpu.memory_space<semaphore_mem>>)
    "tpu.region"() ({
      %run_scoped3A = tpu.sem_alloc : memref<!tpu.dma_semaphore, #tpu.memory_space<semaphore_mem>>
      %dma_start3A_897 = tpu.memref_slice %arg4[%mul3A_2] : memref<16384xi32, #tpu.memory_space<hbm>> -> memref<512xi32, #tpu.memory_space<hbm>>
      %dma_start3A_898 = tpu.memref_slice %arg4[%mul3A_2] : memref<16384xi32, #tpu.memory_space<hbm>> -> memref<512xi32, #tpu.memory_space<hbm>>
      tpu.enqueue_dma source(%dma_start3A_898 : memref<512xi32, #tpu.memory_space<hbm>>) target(%arg9 : memref<512xi32, #tpu.memory_space<vmem>>) target_semaphore(%run_scoped3A : memref<!tpu.dma_semaphore, #tpu.memory_space<semaphore_mem>>)
      %dma_wait3A_899 = tpu.memref_slice %arg4[%mul3A_2] : memref<16384xi32, #tpu.memory_space<hbm>> -> memref<512xi32, #tpu.memory_space<hbm>>
      %dma_wait3A_900 = tpu.memref_slice %arg4[%mul3A_2] : memref<16384xi32, #tpu.memory_space<hbm>> -> memref<512xi32, #tpu.memory_space<hbm>>
      tpu.wait_dma2 semaphore(%run_scoped3A : memref<!tpu.dma_semaphore, #tpu.memory_space<semaphore_mem>>) src(%dma_wait3A_900 : memref<512xi32, #tpu.memory_space<hbm>>) dst(%arg9 : memref<512xi32, #tpu.memory_space<vmem>>)
      tpu.yield
    }) : () -> ()
    "tpu.region"() ({
      %run_scoped3A = tpu.sem_alloc : memref<!tpu.dma_semaphore, #tpu.memory_space<semaphore_mem>>
      tpu.enqueue_dma source(%arg5 : memref<16x1000xf32, #tpu.memory_space<hbm>>) target(%arg12 : memref<16x1000xf32, #tpu.memory_space<vmem>>) target_semaphore(%run_scoped3A : memref<!tpu.dma_semaphore, #tpu.memory_space<semaphore_mem>>)
      tpu.wait_dma2 semaphore(%run_scoped3A : memref<!tpu.dma_semaphore, #tpu.memory_space<semaphore_mem>>) src(%arg5 : memref<16x1000xf32, #tpu.memory_space<hbm>>) dst(%arg12 : memref<16x1000xf32, #tpu.memory_space<vmem>>)
      tpu.yield
    }) : () -> ()
    %scan3A = arith.constant 0 : i32
    %scan3A_234 = arith.constant 16 : i32
    %scan3A_235 = arith.addi %scan3A, %scan3A_234 : i32
    %scan3A_236 = arith.constant 1 : i32
    scf.for %scan3A_897 = %scan3A to %scan3A_235 step %scan3A_236  : i32 {
      %mul3A_898 = arith.constant 1 : i32
      %mul3A_899 = arith.muli %scan3A_897, %mul3A_898 : i32
      %add3A_900 = arith.constant 0 : i32
      %add3A_901 = arith.addi %add3A_900, %mul3A_899 : i32
      %broadcast_in_dim3A_902 = vector.broadcast %add3A_901 : i32 to vector<16xi32>
      %scan3A_903 = arith.constant 0 : i32
      %scan3A_904 = arith.constant 32 : i32
      %scan3A_905 = arith.addi %scan3A_903, %scan3A_904 : i32
      %scan3A_906 = arith.constant 1 : i32
      scf.for %scan3A_908 = %scan3A_903 to %scan3A_905 step %scan3A_906  : i32 {
        %mul3A_909 = arith.constant 1 : i32
        %mul3A_910 = arith.muli %scan3A_908, %mul3A_909 : i32
        %add3A_911 = arith.constant 0 : i32
        %add3A_912 = arith.addi %add3A_911, %mul3A_910 : i32
        %mul3A_913 = arith.constant 16 : i32
        %mul3A_914 = arith.muli %add3A_912, %mul3A_913 : i32
        %get3A_915 = arith.index_cast %mul3A_914 : i32 to index
        %get3A_916 = tpu.vector_load %arg9[%get3A_915] {strides = array<i32>} : memref<512xi32, #tpu.memory_space<vmem>>, vector<16xi32>,
        %gather3A_917 = tpu.vector_load_idx %arg12[%broadcast_in_dim3A_902, %get3A_916] : memref<16x1000xf32, #tpu.memory_space<vmem>>[vector<16xi32>, vector<16xi32>], vector<16xf32>,
        %mul3A_918 = arith.constant 16 : i32
        %mul3A_919 = arith.muli %add3A_912, %mul3A_918 : i32
        %swap3A_920 = arith.index_cast %add3A_901 : i32 to index
        %swap3A_921 = arith.index_cast %mul3A_919 : i32 to index
        %swap3A_922 = tpu.vector_load %arg13[%swap3A_920, %swap3A_921] {strides = array<i32>} : memref<16x512xf32, #tpu.memory_space<vmem>>, vector<16xf32>,
        tpu.vector_store %arg13[%swap3A_920, %swap3A_921], %gather3A_917 {strides = array<i32>} : memref<16x512xf32, #tpu.memory_space<vmem>>, vector<16xf32>,
      }
      %scan3A_907 = arith.constant 32 : i32
    }
    %scan3A_237 = arith.constant 16 : i32
    "tpu.region"() ({
      %run_scoped3A = tpu.sem_alloc : memref<!tpu.dma_semaphore, #tpu.memory_space<semaphore_mem>>
      %dma_start3A_897 = arith.constant 0 : i32
      %dma_start3A_898 = tpu.memref_slice %arg7[%dma_start3A_897, %mul3A_2] : memref<16x16384xf32, #tpu.memory_space<hbm>> -> memref<16x512xf32, #tpu.memory_space<hbm>>
      %dma_start3A_899 = arith.constant 0 : i32
      %dma_start3A_900 = tpu.memref_slice %arg7[%dma_start3A_899, %mul3A_2] : memref<16x16384xf32, #tpu.memory_space<hbm>> -> memref<16x512xf32, #tpu.memory_space<hbm>>
      tpu.enqueue_dma source(%arg13 : memref<16x512xf32, #tpu.memory_space<vmem>>) target(%dma_start3A_900 : memref<16x512xf32, #tpu.memory_space<hbm>>) target_semaphore(%run_scoped3A : memref<!tpu.dma_semaphore, #tpu.memory_space<semaphore_mem>>)
      %dma_wait3A_901 = arith.constant 0 : i32
      %dma_wait3A_902 = tpu.memref_slice %arg7[%dma_wait3A_901, %mul3A_2] : memref<16x16384xf32, #tpu.memory_space<hbm>> -> memref<16x512xf32, #tpu.memory_space<hbm>>
      %dma_wait3A_903 = arith.constant 0 : i32
      %dma_wait3A_904 = tpu.memref_slice %arg7[%dma_wait3A_903, %mul3A_2] : memref<16x16384xf32, #tpu.memory_space<hbm>> -> memref<16x512xf32, #tpu.memory_space<hbm>>
      tpu.wait_dma2 semaphore(%run_scoped3A : memref<!tpu.dma_semaphore, #tpu.memory_space<semaphore_mem>>) src(%arg13 : memref<16x512xf32, #tpu.memory_space<vmem>>) dst(%dma_wait3A_904 : memref<16x512xf32, #tpu.memory_space<hbm>>)
      tpu.yield
    }) : () -> ()
    %scan3A_238 = arith.constant 0 : i32
    %scan3A_239 = arith.constant 63 : i32
    %scan3A_240 = arith.addi %scan3A_238, %scan3A_239 : i32
    %scan3A_241 = arith.constant 1 : i32
    scf.for %scan3A_897 = %scan3A_238 to %scan3A_240 step %scan3A_241  : i32 {
      %mul3A_898 = arith.constant 1 : i32
      %mul3A_899 = arith.muli %scan3A_897, %mul3A_898 : i32
      %add3A_900 = arith.constant 0 : i32
      %add3A_901 = arith.addi %add3A_900, %mul3A_899 : i32
      %mul3A_902 = arith.constant 8 : i32
      %mul3A_903 = arith.muli %add3A_901, %mul3A_902 : i32
      %add3A_904 = arith.constant 0 : i32
      %add3A_905 = arith.addi %mul3A_903, %add3A_904 : i32
      %dma_wait3A_906 = arith.constant 0 : i32
      %dma_wait3A_907 = arith.constant 0 : i32
      %dma_wait3A_908 = arith.constant 0 : i32
      %dma_wait3A_909 = tpu.memref_slice %arg10[%dma_wait3A_906, %dma_wait3A_907, %dma_wait3A_908] : memref<8x64x128xf32, #tpu.memory_space<vmem>> -> memref<1x64x128xf32, #tpu.memory_space<vmem>>
      %dma_wait3A_910 = tpu.memref_squeeze %dma_wait3A_909 : memref<1x64x128xf32, #tpu.memory_space<vmem>> -> memref<64x128xf32, #tpu.memory_space<vmem>>
      %dma_wait3A_911 = arith.constant 0 : i32
      %dma_wait3A_912 = arith.constant 0 : i32
      %dma_wait3A_913 = tpu.memref_slice %arg2[%dma_wait3A_911, %dma_wait3A_912] : memref<64x1000000xf32, #tpu.memory_space<hbm>> -> memref<64x128xf32, #tpu.memory_space<hbm>>
      %dma_wait3A_914 = arith.constant 0 : i32
      %dma_wait3A_915 = arith.constant 0 : i32
      %dma_wait3A_916 = tpu.memref_slice %arg10[%dma_wait3A_906, %dma_wait3A_914, %dma_wait3A_915] : memref<8x64x128xf32, #tpu.memory_space<vmem>> -> memref<1x64x128xf32, #tpu.memory_space<vmem>>
      %dma_wait3A_917 = tpu.memref_squeeze %dma_wait3A_916 : memref<1x64x128xf32, #tpu.memory_space<vmem>> -> memref<64x128xf32, #tpu.memory_space<vmem>>
      %dma_wait3A_918 = arith.constant 0 : i32
      %dma_wait3A_919 = arith.constant 0 : i32
      %dma_wait3A_920 = tpu.memref_slice %arg2[%dma_wait3A_918, %dma_wait3A_919] : memref<64x1000000xf32, #tpu.memory_space<hbm>> -> memref<64x128xf32, #tpu.memory_space<hbm>>
      tpu.wait_dma2 semaphore(%arg14 : memref<!tpu.dma_semaphore, #tpu.memory_space<semaphore_mem>>) src(%dma_wait3A_920 : memref<64x128xf32, #tpu.memory_space<hbm>>) dst(%dma_wait3A_917 : memref<64x128xf32, #tpu.memory_space<vmem>>)
      %shift_right_arithmetic3A_921 = arith.constant 4 : i32
      %shift_right_arithmetic3A_922 = arith.shrsi %add3A_905, %shift_right_arithmetic3A_921 : i32
      %shift_left3A = arith.constant 4 : i32
      %shift_left3A_923 = arith.shli %shift_right_arithmetic3A_922, %shift_left3A : i32
      %get3A_924 = arith.index_cast %shift_left3A_923 : i32 to index
      %get3A_925 = tpu.vector_load %arg8[%get3A_924] {strides = array<i32>} : memref<512xi32, #tpu.memory_space<vmem>>, vector<16xi32>,
      %and3A_926 = arith.constant 15 : i32
      %and3A_927 = arith.andi %add3A_905, %and3A_926 : i32
      %eq3A_928 = vector.broadcast %and3A_927 : i32 to vector<16xi32>
      %eq3A_929 = arith.cmpi eq, %iota3A, %eq3A_928 : vector<16xi32>
      %jit3A_930 = arith.constant 0 : i32
      %broadcast_in_dim3A_931 = vector.broadcast %jit3A_930 : i32 to vector<16xi32>
      %select_n3A_932 = arith.select %eq3A_929, %get3A_925, %broadcast_in_dim3A_931 : vector<16xi1>, vector<16xi32>
      %reduce_sum3A_933 = arith.constant true
      %reduce_sum3A_934 = vector.broadcast %reduce_sum3A_933 : i1 to vector<16xi1>
      %reduce_sum3A_935 = tpu.scan <sum>, %select_n3A_932 masked %reduce_sum3A_934 : vector<16xi32>, vector<16xi1> -> vector<16xi32>
      %reduce_sum3A_936 = vector.extract %reduce_sum3A_935[15] : i32 from vector<16xi32>
      %and3A_937 = arith.constant 127 : i32
      %and3A_938 = arith.andi %reduce_sum3A_936, %and3A_937 : i32
      %broadcast_in_dim3A_939 = vector.broadcast %and3A_938 : i32 to vector<16xi32>
      %add3A_940 = arith.constant 0 : i32
      %add3A_941 = vector.broadcast %add3A_940 : i32 to vector<16xi32>
      %add3A_942 = arith.addi %iota3A, %add3A_941 : vector<16xi32>
      %gather3A_943 = arith.constant 0 : i32
      %gather3A_944 = arith.constant 0 : i32
      %gather3A_945 = arith.constant 0 : i32
      %gather3A_946 = tpu.memref_slice %arg10[%gather3A_943, %gather3A_944, %gather3A_945] : memref<8x64x128xf32, #tpu.memory_space<vmem>> -> memref<1x64x128xf32, #tpu.memory_space<vmem>>
      %gather3A_947 = tpu.memref_squeeze %gather3A_946 : memref<1x64x128xf32, #tpu.memory_space<vmem>> -> memref<64x128xf32, #tpu.memory_space<vmem>>
      %gather3A_948 = tpu.vector_load_idx %gather3A_947[%add3A_942, %broadcast_in_dim3A_939] : memref<64x128xf32, #tpu.memory_space<vmem>>[vector<16xi32>, vector<16xi32>], vector<16xf32>,
      %and3A_949 = arith.constant 255 : i32
      %and3A_950 = arith.andi %add3A_905, %and3A_949 : i32
      %swap3A_951 = arith.index_cast %and3A_950 : i32 to index
      %swap3A_952 = arith.constant 0 : index
      %swap3A_953 = tpu.vector_load %arg11[%swap3A_951, %swap3A_952] {strides = array<i32>} : memref<256x64xf32, #tpu.memory_space<vmem>>, vector<16xf32>,
      tpu.vector_store %arg11[%swap3A_951, %swap3A_952], %gather3A_948 {strides = array<i32>} : memref<256x64xf32, #tpu.memory_space<vmem>>, vector<16xf32>,
      %add3A_954 = arith.constant 16 : i32
      %add3A_955 = vector.broadcast %add3A_954 : i32 to vector<16xi32>
      %add3A_956 = arith.addi %iota3A, %add3A_955 : vector<16xi32>
      %gather3A_957 = arith.constant 0 : i32
      %gather3A_958 = arith.constant 0 : i32
      %gather3A_959 = arith.constant 0 : i32
      %gather3A_960 = tpu.memref_slice %arg10[%gather3A_957, %gather3A_958, %gather3A_959] : memref<8x64x128xf32, #tpu.memory_space<vmem>> -> memref<1x64x128xf32, #tpu.memory_space<vmem>>
      %gather3A_961 = tpu.memref_squeeze %gather3A_960 : memref<1x64x128xf32, #tpu.memory_space<vmem>> -> memref<64x128xf32, #tpu.memory_space<vmem>>
      %gather3A_962 = tpu.vector_load_idx %gather3A_961[%add3A_956, %broadcast_in_dim3A_939] : memref<64x128xf32, #tpu.memory_space<vmem>>[vector<16xi32>, vector<16xi32>], vector<16xf32>,
      %and3A_963 = arith.constant 255 : i32
      %and3A_964 = arith.andi %add3A_905, %and3A_963 : i32
      %swap3A_965 = arith.index_cast %and3A_964 : i32 to index
      %swap3A_966 = arith.constant 16 : index
      %swap3A_967 = tpu.vector_load %arg11[%swap3A_965, %swap3A_966] {strides = array<i32>} : memref<256x64xf32, #tpu.memory_space<vmem>>, vector<16xf32>,
      tpu.vector_store %arg11[%swap3A_965, %swap3A_966], %gather3A_962 {strides = array<i32>} : memref<256x64xf32, #tpu.memory_space<vmem>>, vector<16xf32>,
      %add3A_968 = arith.constant 32 : i32
      %add3A_969 = vector.broadcast %add3A_968 : i32 to vector<16xi32>
      %add3A_970 = arith.addi %iota3A, %add3A_969 : vector<16xi32>
      %gather3A_971 = arith.constant 0 : i32
      %gather3A_972 = arith.constant 0 : i32
      %gather3A_973 = arith.constant 0 : i32
      %gather3A_974 = tpu.memref_slice %arg10[%gather3A_971, %gather3A_972, %gather3A_973] : memref<8x64x128xf32, #tpu.memory_space<vmem>> -> memref<1x64x128xf32, #tpu.memory_space<vmem>>
      %gather3A_975 = tpu.memref_squeeze %gather3A_974 : memref<1x64x128xf32, #tpu.memory_space<vmem>> -> memref<64x128xf32, #tpu.memory_space<vmem>>
      %gather3A_976 = tpu.vector_load_idx %gather3A_975[%add3A_970, %broadcast_in_dim3A_939] : memref<64x128xf32, #tpu.memory_space<vmem>>[vector<16xi32>, vector<16xi32>], vector<16xf32>,
      %and3A_977 = arith.constant 255 : i32
      %and3A_978 = arith.andi %add3A_905, %and3A_977 : i32
      %swap3A_979 = arith.index_cast %and3A_978 : i32 to index
      %swap3A_980 = arith.constant 32 : index
      %swap3A_981 = tpu.vector_load %arg11[%swap3A_979, %swap3A_980] {strides = array<i32>} : memref<256x64xf32, #tpu.memory_space<vmem>>, vector<16xf32>,
      tpu.vector_store %arg11[%swap3A_979, %swap3A_980], %gather3A_976 {strides = array<i32>} : memref<256x64xf32, #tpu.memory_space<vmem>>, vector<16xf32>,
      %add3A_982 = arith.constant 48 : i32
      %add3A_983 = vector.broadcast %add3A_982 : i32 to vector<16xi32>
      %add3A_984 = arith.addi %iota3A, %add3A_983 : vector<16xi32>
      %gather3A_985 = arith.constant 0 : i32
      %gather3A_986 = arith.constant 0 : i32
      %gather3A_987 = arith.constant 0 : i32
      %gather3A_988 = tpu.memref_slice %arg10[%gather3A_985, %gather3A_986, %gather3A_987] : memref<8x64x128xf32, #tpu.memory_space<vmem>> -> memref<1x64x128xf32, #tpu.memory_space<vmem>>
      %gather3A_989 = tpu.memref_squeeze %gather3A_988 : memref<1x64x128xf32, #tpu.memory_space<vmem>> -> memref<64x128xf32, #tpu.memory_space<vmem>>
      %gather3A_990 = tpu.vector_load_idx %gather3A_989[%add3A_984, %broadcast_in_dim3A_939] : memref<64x128xf32, #tpu.memory_space<vmem>>[vector<16xi32>, vector<16xi32>], vector<16xf32>,
      %and3A_991 = arith.constant 255 : i32
      %and3A_992 = arith.andi %add3A_905, %and3A_991 : i32
      %swap3A_993 = arith.index_cast %and3A_992 : i32 to index
      %swap3A_994 = arith.constant 48 : index
      %swap3A_995 = tpu.vector_load %arg11[%swap3A_993, %swap3A_994] {strides = array<i32>} : memref<256x64xf32, #tpu.memory_space<vmem>>, vector<16xf32>,
      tpu.vector_store %arg11[%swap3A_993, %swap3A_994], %gather3A_990 {strides = array<i32>} : memref<256x64xf32, #tpu.memory_space<vmem>>, vector<16xf32>,
      %add3A_996 = arith.constant 8 : i32
      %add3A_997 = arith.addi %add3A_905, %add3A_996 : i32
      %shift_right_arithmetic3A_998 = arith.constant 4 : i32
      %shift_right_arithmetic3A_999 = arith.shrsi %add3A_997, %shift_right_arithmetic3A_998 : i32
      %shift_left3A_1000 = arith.constant 4 : i32
      %shift_left3A_1001 = arith.shli %shift_right_arithmetic3A_999, %shift_left3A_1000 : i32
      %get3A_1002 = arith.index_cast %shift_left3A_1001 : i32 to index
      %get3A_1003 = tpu.vector_load %arg8[%get3A_1002] {strides = array<i32>} : memref<512xi32, #tpu.memory_space<vmem>>, vector<16xi32>,
      %and3A_1004 = arith.constant 15 : i32
      %and3A_1005 = arith.andi %add3A_997, %and3A_1004 : i32
      %eq3A_1006 = vector.broadcast %and3A_1005 : i32 to vector<16xi32>
      %eq3A_1007 = arith.cmpi eq, %iota3A, %eq3A_1006 : vector<16xi32>
      %jit3A_1008 = arith.constant 0 : i32
      %broadcast_in_dim3A_1009 = vector.broadcast %jit3A_1008 : i32 to vector<16xi32>
      %select_n3A_1010 = arith.select %eq3A_1007, %get3A_1003, %broadcast_in_dim3A_1009 : vector<16xi1>, vector<16xi32>
      %reduce_sum3A_1011 = arith.constant true
      %reduce_sum3A_1012 = vector.broadcast %reduce_sum3A_1011 : i1 to vector<16xi1>
      %reduce_sum3A_1013 = tpu.scan <sum>, %select_n3A_1010 masked %reduce_sum3A_1012 : vector<16xi32>, vector<16xi1> -> vector<16xi32>
      %reduce_sum3A_1014 = vector.extract %reduce_sum3A_1013[15] : i32 from vector<16xi32>
      %shift_right_arithmetic3A_1015 = arith.constant 7 : i32
      %shift_right_arithmetic3A_1016 = arith.shrsi %reduce_sum3A_1014, %shift_right_arithmetic3A_1015 : i32
      %mul3A_1017 = arith.constant 128 : i32
      %mul3A_1018 = arith.muli %shift_right_arithmetic3A_1016, %mul3A_1017 : i32
      %multiple_of3A_1019 = tpu.assume_multiple %mul3A_1018, 128 : i32
      %dma_start3A_1020 = arith.constant 0 : i32
      %dma_start3A_1021 = arith.constant 0 : i32
      %dma_start3A_1022 = arith.constant 0 : i32
      %dma_start3A_1023 = tpu.memref_slice %arg10[%dma_start3A_1020, %dma_start3A_1021, %dma_start3A_1022] : memref<8x64x128xf32, #tpu.memory_space<vmem>> -> memref<1x64x128xf32, #tpu.memory_space<vmem>>
      %dma_start3A_1024 = tpu.memref_squeeze %dma_start3A_1023 : memref<1x64x128xf32, #tpu.memory_space<vmem>> -> memref<64x128xf32, #tpu.memory_space<vmem>>
      %dma_start3A_1025 = arith.constant 0 : i32
      %dma_start3A_1026 = tpu.memref_slice %arg2[%dma_start3A_1025, %multiple_of3A_1019] : memref<64x1000000xf32, #tpu.memory_space<hbm>> -> memref<64x128xf32, #tpu.memory_space<hbm>>
      %dma_start3A_1027 = arith.constant 0 : i32
      %dma_start3A_1028 = arith.constant 0 : i32
      %dma_start3A_1029 = tpu.memref_slice %arg10[%dma_start3A_1020, %dma_start3A_1027, %dma_start3A_1028] : memref<8x64x128xf32, #tpu.memory_space<vmem>> -> memref<1x64x128xf32, #tpu.memory_space<vmem>>
      %dma_start3A_1030 = tpu.memref_squeeze %dma_start3A_1029 : memref<1x64x128xf32, #tpu.memory_space<vmem>> -> memref<64x128xf32, #tpu.memory_space<vmem>>
      %dma_start3A_1031 = arith.constant 0 : i32
      %dma_start3A_1032 = tpu.memref_slice %arg2[%dma_start3A_1031, %multiple_of3A_1019] : memref<64x1000000xf32, #tpu.memory_space<hbm>> -> memref<64x128xf32, #tpu.memory_space<hbm>>
      tpu.enqueue_dma source(%dma_start3A_1032 : memref<64x128xf32, #tpu.memory_space<hbm>>) target(%dma_start3A_1030 : memref<64x128xf32, #tpu.memory_space<vmem>>) target_semaphore(%arg14 : memref<!tpu.dma_semaphore, #tpu.memory_space<semaphore_mem>>)
      %mul3A_1033 = arith.constant 8 : i32
      %mul3A_1034 = arith.muli %add3A_901, %mul3A_1033 : i32
      %add3A_1035 = arith.constant 1 : i32
      %add3A_1036 = arith.addi %mul3A_1034, %add3A_1035 : i32
      %dma_wait3A_1037 = arith.constant 1 : i32
      %dma_wait3A_1038 = arith.constant 0 : i32
      %dma_wait3A_1039 = arith.constant 0 : i32
      %dma_wait3A_1040 = tpu.memref_slice %arg10[%dma_wait3A_1037, %dma_wait3A_1038, %dma_wait3A_1039] : memref<8x64x128xf32, #tpu.memory_space<vmem>> -> memref<1x64x128xf32, #tpu.memory_space<vmem>>
      %dma_wait3A_1041 = tpu.memref_squeeze %dma_wait3A_1040 : memref<1x64x128xf32, #tpu.memory_space<vmem>> -> memref<64x128xf32, #tpu.memory_space<vmem>>
      %dma_wait3A_1042 = arith.constant 0 : i32
      %dma_wait3A_1043 = arith.constant 0 : i32
      %dma_wait3A_1044 = tpu.memref_slice %arg2[%dma_wait3A_1042, %dma_wait3A_1043] : memref<64x1000000xf32, #tpu.memory_space<hbm>> -> memref<64x128xf32, #tpu.memory_space<hbm>>
      %dma_wait3A_1045 = arith.constant 0 : i32
      %dma_wait3A_1046 = arith.constant 0 : i32
      %dma_wait3A_1047 = tpu.memref_slice %arg10[%dma_wait3A_1037, %dma_wait3A_1045, %dma_wait3A_1046] : memref<8x64x128xf32, #tpu.memory_space<vmem>> -> memref<1x64x128xf32, #tpu.memory_space<vmem>>
      %dma_wait3A_1048 = tpu.memref_squeeze %dma_wait3A_1047 : memref<1x64x128xf32, #tpu.memory_space<vmem>> -> memref<64x128xf32, #tpu.memory_space<vmem>>
      %dma_wait3A_1049 = arith.constant 0 : i32
      %dma_wait3A_1050 = arith.constant 0 : i32
      %dma_wait3A_1051 = tpu.memref_slice %arg2[%dma_wait3A_1049, %dma_wait3A_1050] : memref<64x1000000xf32, #tpu.memory_space<hbm>> -> memref<64x128xf32, #tpu.memory_space<hbm>>
      tpu.wait_dma2 semaphore(%arg15 : memref<!tpu.dma_semaphore, #tpu.memory_space<semaphore_mem>>) src(%dma_wait3A_1051 : memref<64x128xf32, #tpu.memory_space<hbm>>) dst(%dma_wait3A_1048 : memref<64x128xf32, #tpu.memory_space<vmem>>)
      %shift_right_arithmetic3A_1052 = arith.constant 4 : i32
      %shift_right_arithmetic3A_1053 = arith.shrsi %add3A_1036, %shift_right_arithmetic3A_1052 : i32
      %shift_left3A_1054 = arith.constant 4 : i32
      %shift_left3A_1055 = arith.shli %shift_right_arithmetic3A_1053, %shift_left3A_1054 : i32
      %get3A_1056 = arith.index_cast %shift_left3A_1055 : i32 to index
      %get3A_1057 = tpu.vector_load %arg8[%get3A_1056] {strides = array<i32>} : memref<512xi32, #tpu.memory_space<vmem>>, vector<16xi32>,
      %and3A_1058 = arith.constant 15 : i32
      %and3A_1059 = arith.andi %add3A_1036, %and3A_1058 : i32
      %eq3A_1060 = vector.broadcast %and3A_1059 : i32 to vector<16xi32>
      %eq3A_1061 = arith.cmpi eq, %iota3A, %eq3A_1060 : vector<16xi32>
      %jit3A_1062 = arith.constant 0 : i32
      %broadcast_in_dim3A_1063 = vector.broadcast %jit3A_1062 : i32 to vector<16xi32>
      %select_n3A_1064 = arith.select %eq3A_1061, %get3A_1057, %broadcast_in_dim3A_1063 : vector<16xi1>, vector<16xi32>
      %reduce_sum3A_1065 = arith.constant true
      %reduce_sum3A_1066 = vector.broadcast %reduce_sum3A_1065 : i1 to vector<16xi1>
      %reduce_sum3A_1067 = tpu.scan <sum>, %select_n3A_1064 masked %reduce_sum3A_1066 : vector<16xi32>, vector<16xi1> -> vector<16xi32>
      %reduce_sum3A_1068 = vector.extract %reduce_sum3A_1067[15] : i32 from vector<16xi32>
      %and3A_1069 = arith.constant 127 : i32
      %and3A_1070 = arith.andi %reduce_sum3A_1068, %and3A_1069 : i32
      %broadcast_in_dim3A_1071 = vector.broadcast %and3A_1070 : i32 to vector<16xi32>
      %add3A_1072 = arith.constant 0 : i32
      %add3A_1073 = vector.broadcast %add3A_1072 : i32 to vector<16xi32>
      %add3A_1074 = arith.addi %iota3A, %add3A_1073 : vector<16xi32>
      %gather3A_1075 = arith.constant 1 : i32
      %gather3A_1076 = arith.constant 0 : i32
      %gather3A_1077 = arith.constant 0 : i32
      %gather3A_1078 = tpu.memref_slice %arg10[%gather3A_1075, %gather3A_1076, %gather3A_1077] : memref<8x64x128xf32, #tpu.memory_space<vmem>> -> memref<1x64x128xf32, #tpu.memory_space<vmem>>
      %gather3A_1079 = tpu.memref_squeeze %gather3A_1078 : memref<1x64x128xf32, #tpu.memory_space<vmem>> -> memref<64x128xf32, #tpu.memory_space<vmem>>
      %gather3A_1080 = tpu.vector_load_idx %gather3A_1079[%add3A_1074, %broadcast_in_dim3A_1071] : memref<64x128xf32, #tpu.memory_space<vmem>>[vector<16xi32>, vector<16xi32>], vector<16xf32>,
      %and3A_1081 = arith.constant 255 : i32
      %and3A_1082 = arith.andi %add3A_1036, %and3A_1081 : i32
      %swap3A_1083 = arith.index_cast %and3A_1082 : i32 to index
      %swap3A_1084 = arith.constant 0 : index
      %swap3A_1085 = tpu.vector_load %arg11[%swap3A_1083, %swap3A_1084] {strides = array<i32>} : memref<256x64xf32, #tpu.memory_space<vmem>>, vector<16xf32>,
      tpu.vector_store %arg11[%swap3A_1083, %swap3A_1084], %gather3A_1080 {strides = array<i32>} : memref<256x64xf32, #tpu.memory_space<vmem>>, vector<16xf32>,
      %add3A_1086 = arith.constant 16 : i32
      %add3A_1087 = vector.broadcast %add3A_1086 : i32 to vector<16xi32>
      %add3A_1088 = arith.addi %iota3A, %add3A_1087 : vector<16xi32>
      %gather3A_1089 = arith.constant 1 : i32
      %gather3A_1090 = arith.constant 0 : i32
      %gather3A_1091 = arith.constant 0 : i32
      %gather3A_1092 = tpu.memref_slice %arg10[%gather3A_1089, %gather3A_1090, %gather3A_1091] : memref<8x64x128xf32, #tpu.memory_space<vmem>> -> memref<1x64x128xf32, #tpu.memory_space<vmem>>
      %gather3A_1093 = tpu.memref_squeeze %gather3A_1092 : memref<1x64x128xf32, #tpu.memory_space<vmem>> -> memref<64x128xf32, #tpu.memory_space<vmem>>
      %gather3A_1094 = tpu.vector_load_idx %gather3A_1093[%add3A_1088, %broadcast_in_dim3A_1071] : memref<64x128xf32, #tpu.memory_space<vmem>>[vector<16xi32>, vector<16xi32>], vector<16xf32>,
      %and3A_1095 = arith.constant 255 : i32
      %and3A_1096 = arith.andi %add3A_1036, %and3A_1095 : i32
      %swap3A_1097 = arith.index_cast %and3A_1096 : i32 to index
      %swap3A_1098 = arith.constant 16 : index
      %swap3A_1099 = tpu.vector_load %arg11[%swap3A_1097, %swap3A_1098] {strides = array<i32>} : memref<256x64xf32, #tpu.memory_space<vmem>>, vector<16xf32>,
      tpu.vector_store %arg11[%swap3A_1097, %swap3A_1098], %gather3A_1094 {strides = array<i32>} : memref<256x64xf32, #tpu.memory_space<vmem>>, vector<16xf32>,
      %add3A_1100 = arith.constant 32 : i32
      %add3A_1101 = vector.broadcast %add3A_1100 : i32 to vector<16xi32>
      %add3A_1102 = arith.addi %iota3A, %add3A_1101 : vector<16xi32>
      %gather3A_1103 = arith.constant 1 : i32
      %gather3A_1104 = arith.constant 0 : i32
      %gather3A_1105 = arith.constant 0 : i32
      %gather3A_1106 = tpu.memref_slice %arg10[%gather3A_1103, %gather3A_1104, %gather3A_1105] : memref<8x64x128xf32, #tpu.memory_space<vmem>> -> memref<1x64x128xf32, #tpu.memory_space<vmem>>
      %gather3A_1107 = tpu.memref_squeeze %gather3A_1106 : memref<1x64x128xf32, #tpu.memory_space<vmem>> -> memref<64x128xf32, #tpu.memory_space<vmem>>
      %gather3A_1108 = tpu.vector_load_idx %gather3A_1107[%add3A_1102, %broadcast_in_dim3A_1071] : memref<64x128xf32, #tpu.memory_space<vmem>>[vector<16xi32>, vector<16xi32>], vector<16xf32>,
      %and3A_1109 = arith.constant 255 : i32
      %and3A_1110 = arith.andi %add3A_1036, %and3A_1109 : i32
      %swap3A_1111 = arith.index_cast %and3A_1110 : i32 to index
      %swap3A_1112 = arith.constant 32 : index
      %swap3A_1113 = tpu.vector_load %arg11[%swap3A_1111, %swap3A_1112] {strides = array<i32>} : memref<256x64xf32, #tpu.memory_space<vmem>>, vector<16xf32>,
      tpu.vector_store %arg11[%swap3A_1111, %swap3A_1112], %gather3A_1108 {strides = array<i32>} : memref<256x64xf32, #tpu.memory_space<vmem>>, vector<16xf32>,
      %add3A_1114 = arith.constant 48 : i32
      %add3A_1115 = vector.broadcast %add3A_1114 : i32 to vector<16xi32>
      %add3A_1116 = arith.addi %iota3A, %add3A_1115 : vector<16xi32>
      %gather3A_1117 = arith.constant 1 : i32
      %gather3A_1118 = arith.constant 0 : i32
      %gather3A_1119 = arith.constant 0 : i32
      %gather3A_1120 = tpu.memref_slice %arg10[%gather3A_1117, %gather3A_1118, %gather3A_1119] : memref<8x64x128xf32, #tpu.memory_space<vmem>> -> memref<1x64x128xf32, #tpu.memory_space<vmem>>
      %gather3A_1121 = tpu.memref_squeeze %gather3A_1120 : memref<1x64x128xf32, #tpu.memory_space<vmem>> -> memref<64x128xf32, #tpu.memory_space<vmem>>
      %gather3A_1122 = tpu.vector_load_idx %gather3A_1121[%add3A_1116, %broadcast_in_dim3A_1071] : memref<64x128xf32, #tpu.memory_space<vmem>>[vector<16xi32>, vector<16xi32>], vector<16xf32>,
      %and3A_1123 = arith.constant 255 : i32
      %and3A_1124 = arith.andi %add3A_1036, %and3A_1123 : i32
      %swap3A_1125 = arith.index_cast %and3A_1124 : i32 to index
      %swap3A_1126 = arith.constant 48 : index
      %swap3A_1127 = tpu.vector_load %arg11[%swap3A_1125, %swap3A_1126] {strides = array<i32>} : memref<256x64xf32, #tpu.memory_space<vmem>>, vector<16xf32>,
      tpu.vector_store %arg11[%swap3A_1125, %swap3A_1126], %gather3A_1122 {strides = array<i32>} : memref<256x64xf32, #tpu.memory_space<vmem>>, vector<16xf32>,
      %add3A_1128 = arith.constant 8 : i32
      %add3A_1129 = arith.addi %add3A_1036, %add3A_1128 : i32
      %shift_right_arithmetic3A_1130 = arith.constant 4 : i32
      %shift_right_arithmetic3A_1131 = arith.shrsi %add3A_1129, %shift_right_arithmetic3A_1130 : i32
      %shift_left3A_1132 = arith.constant 4 : i32
      %shift_left3A_1133 = arith.shli %shift_right_arithmetic3A_1131, %shift_left3A_1132 : i32
      %get3A_1134 = arith.index_cast %shift_left3A_1133 : i32 to index
      %get3A_1135 = tpu.vector_load %arg8[%get3A_1134] {strides = array<i32>} : memref<512xi32, #tpu.memory_space<vmem>>, vector<16xi32>,
      %and3A_1136 = arith.constant 15 : i32
      %and3A_1137 = arith.andi %add3A_1129, %and3A_1136 : i32
      %eq3A_1138 = vector.broadcast %and3A_1137 : i32 to vector<16xi32>
      %eq3A_1139 = arith.cmpi eq, %iota3A, %eq3A_1138 : vector<16xi32>
      %jit3A_1140 = arith.constant 0 : i32
      %broadcast_in_dim3A_1141 = vector.broadcast %jit3A_1140 : i32 to vector<16xi32>
      %select_n3A_1142 = arith.select %eq3A_1139, %get3A_1135, %broadcast_in_dim3A_1141 : vector<16xi1>, vector<16xi32>
      %reduce_sum3A_1143 = arith.constant true
      %reduce_sum3A_1144 = vector.broadcast %reduce_sum3A_1143 : i1 to vector<16xi1>
      %reduce_sum3A_1145 = tpu.scan <sum>, %select_n3A_1142 masked %reduce_sum3A_1144 : vector<16xi32>, vector<16xi1> -> vector<16xi32>
      %reduce_sum3A_1146 = vector.extract %reduce_sum3A_1145[15] : i32 from vector<16xi32>
      %shift_right_arithmetic3A_1147 = arith.constant 7 : i32
      %shift_right_arithmetic3A_1148 = arith.shrsi %reduce_sum3A_1146, %shift_right_arithmetic3A_1147 : i32
      %mul3A_1149 = arith.constant 128 : i32
      %mul3A_1150 = arith.muli %shift_right_arithmetic3A_1148, %mul3A_1149 : i32
      %multiple_of3A_1151 = tpu.assume_multiple %mul3A_1150, 128 : i32
      %dma_start3A_1152 = arith.constant 1 : i32
      %dma_start3A_1153 = arith.constant 0 : i32
      %dma_start3A_1154 = arith.constant 0 : i32
      %dma_start3A_1155 = tpu.memref_slice %arg10[%dma_start3A_1152, %dma_start3A_1153, %dma_start3A_1154] : memref<8x64x128xf32, #tpu.memory_space<vmem>> -> memref<1x64x128xf32, #tpu.memory_space<vmem>>
      %dma_start3A_1156 = tpu.memref_squeeze %dma_start3A_1155 : memref<1x64x128xf32, #tpu.memory_space<vmem>> -> memref<64x128xf32, #tpu.memory_space<vmem>>
      %dma_start3A_1157 = arith.constant 0 : i32
      %dma_start3A_1158 = tpu.memref_slice %arg2[%dma_start3A_1157, %multiple_of3A_1151] : memref<64x1000000xf32, #tpu.memory_space<hbm>> -> memref<64x128xf32, #tpu.memory_space<hbm>>
      %dma_start3A_1159 = arith.constant 0 : i32
      %dma_start3A_1160 = arith.constant 0 : i32
      %dma_start3A_1161 = tpu.memref_slice %arg10[%dma_start3A_1152, %dma_start3A_1159, %dma_start3A_1160] : memref<8x64x128xf32, #tpu.memory_space<vmem>> -> memref<1x64x128xf32, #tpu.memory_space<vmem>>
      %dma_start3A_1162 = tpu.memref_squeeze %dma_start3A_1161 : memref<1x64x128xf32, #tpu.memory_space<vmem>> -> memref<64x128xf32, #tpu.memory_space<vmem>>
      %dma_start3A_1163 = arith.constant 0 : i32
      %dma_start3A_1164 = tpu.memref_slice %arg2[%dma_start3A_1163, %multiple_of3A_1151] : memref<64x1000000xf32, #tpu.memory_space<hbm>> -> memref<64x128xf32, #tpu.memory_space<hbm>>
      tpu.enqueue_dma source(%dma_start3A_1164 : memref<64x128xf32, #tpu.memory_space<hbm>>) target(%dma_start3A_1162 : memref<64x128xf32, #tpu.memory_space<vmem>>) target_semaphore(%arg15 : memref<!tpu.dma_semaphore, #tpu.memory_space<semaphore_mem>>)
      %mul3A_1165 = arith.constant 8 : i32
      %mul3A_1166 = arith.muli %add3A_901, %mul3A_1165 : i32
      %add3A_1167 = arith.constant 2 : i32
      %add3A_1168 = arith.addi %mul3A_1166, %add3A_1167 : i32
      %dma_wait3A_1169 = arith.constant 2 : i32
      %dma_wait3A_1170 = arith.constant 0 : i32
      %dma_wait3A_1171 = arith.constant 0 : i32
      %dma_wait3A_1172 = tpu.memref_slice %arg10[%dma_wait3A_1169, %dma_wait3A_1170, %dma_wait3A_1171] : memref<8x64x128xf32, #tpu.memory_space<vmem>> -> memref<1x64x128xf32, #tpu.memory_space<vmem>>
      %dma_wait3A_1173 = tpu.memref_squeeze %dma_wait3A_1172 : memref<1x64x128xf32, #tpu.memory_space<vmem>> -> memref<64x128xf32, #tpu.memory_space<vmem>>
      %dma_wait3A_1174 = arith.constant 0 : i32
      %dma_wait3A_1175 = arith.constant 0 : i32
      %dma_wait3A_1176 = tpu.memref_slice %arg2[%dma_wait3A_1174, %dma_wait3A_1175] : memref<64x1000000xf32, #tpu.memory_space<hbm>> -> memref<64x128xf32, #tpu.memory_space<hbm>>
      %dma_wait3A_1177 = arith.constant 0 : i32
      %dma_wait3A_1178 = arith.constant 0 : i32
      %dma_wait3A_1179 = tpu.memref_slice %arg10[%dma_wait3A_1169, %dma_wait3A_1177, %dma_wait3A_1178] : memref<8x64x128xf32, #tpu.memory_space<vmem>> -> memref<1x64x128xf32, #tpu.memory_space<vmem>>
      %dma_wait3A_1180 = tpu.memref_squeeze %dma_wait3A_1179 : memref<1x64x128xf32, #tpu.memory_space<vmem>> -> memref<64x128xf32, #tpu.memory_space<vmem>>
      %dma_wait3A_1181 = arith.constant 0 : i32
      %dma_wait3A_1182 = arith.constant 0 : i32
      %dma_wait3A_1183 = tpu.memref_slice %arg2[%dma_wait3A_1181, %dma_wait3A_1182] : memref<64x1000000xf32, #tpu.memory_space<hbm>> -> memref<64x128xf32, #tpu.memory_space<hbm>>
      tpu.wait_dma2 semaphore(%arg16 : memref<!tpu.dma_semaphore, #tpu.memory_space<semaphore_mem>>) src(%dma_wait3A_1183 : memref<64x128xf32, #tpu.memory_space<hbm>>) dst(%dma_wait3A_1180 : memref<64x128xf32, #tpu.memory_space<vmem>>)
      %shift_right_arithmetic3A_1184 = arith.constant 4 : i32
      %shift_right_arithmetic3A_1185 = arith.shrsi %add3A_1168, %shift_right_arithmetic3A_1184 : i32
      %shift_left3A_1186 = arith.constant 4 : i32
      %shift_left3A_1187 = arith.shli %shift_right_arithmetic3A_1185, %shift_left3A_1186 : i32
      %get3A_1188 = arith.index_cast %shift_left3A_1187 : i32 to index
      %get3A_1189 = tpu.vector_load %arg8[%get3A_1188] {strides = array<i32>} : memref<512xi32, #tpu.memory_space<vmem>>, vector<16xi32>,
      %and3A_1190 = arith.constant 15 : i32
      %and3A_1191 = arith.andi %add3A_1168, %and3A_1190 : i32
      %eq3A_1192 = vector.broadcast %and3A_1191 : i32 to vector<16xi32>
      %eq3A_1193 = arith.cmpi eq, %iota3A, %eq3A_1192 : vector<16xi32>
      %jit3A_1194 = arith.constant 0 : i32
      %broadcast_in_dim3A_1195 = vector.broadcast %jit3A_1194 : i32 to vector<16xi32>
      %select_n3A_1196 = arith.select %eq3A_1193, %get3A_1189, %broadcast_in_dim3A_1195 : vector<16xi1>, vector<16xi32>
      %reduce_sum3A_1197 = arith.constant true
      %reduce_sum3A_1198 = vector.broadcast %reduce_sum3A_1197 : i1 to vector<16xi1>
      %reduce_sum3A_1199 = tpu.scan <sum>, %select_n3A_1196 masked %reduce_sum3A_1198 : vector<16xi32>, vector<16xi1> -> vector<16xi32>
      %reduce_sum3A_1200 = vector.extract %reduce_sum3A_1199[15] : i32 from vector<16xi32>
      %and3A_1201 = arith.constant 127 : i32
      %and3A_1202 = arith.andi %reduce_sum3A_1200, %and3A_1201 : i32
      %broadcast_in_dim3A_1203 = vector.broadcast %and3A_1202 : i32 to vector<16xi32>
      %add3A_1204 = arith.constant 0 : i32
      %add3A_1205 = vector.broadcast %add3A_1204 : i32 to vector<16xi32>
      %add3A_1206 = arith.addi %iota3A, %add3A_1205 : vector<16xi32>
      %gather3A_1207 = arith.constant 2 : i32
      %gather3A_1208 = arith.constant 0 : i32
      %gather3A_1209 = arith.constant 0 : i32
      %gather3A_1210 = tpu.memref_slice %arg10[%gather3A_1207, %gather3A_1208, %gather3A_1209] : memref<8x64x128xf32, #tpu.memory_space<vmem>> -> memref<1x64x128xf32, #tpu.memory_space<vmem>>
      %gather3A_1211 = tpu.memref_squeeze %gather3A_1210 : memref<1x64x128xf32, #tpu.memory_space<vmem>> -> memref<64x128xf32, #tpu.memory_space<vmem>>
      %gather3A_1212 = tpu.vector_load_idx %gather3A_1211[%add3A_1206, %broadcast_in_dim3A_1203] : memref<64x128xf32, #tpu.memory_space<vmem>>[vector<16xi32>, vector<16xi32>], vector<16xf32>,
      %and3A_1213 = arith.constant 255 : i32
      %and3A_1214 = arith.andi %add3A_1168, %and3A_1213 : i32
      %swap3A_1215 = arith.index_cast %and3A_1214 : i32 to index
      %swap3A_1216 = arith.constant 0 : index
      %swap3A_1217 = tpu.vector_load %arg11[%swap3A_1215, %swap3A_1216] {strides = array<i32>} : memref<256x64xf32, #tpu.memory_space<vmem>>, vector<16xf32>,
      tpu.vector_store %arg11[%swap3A_1215, %swap3A_1216], %gather3A_1212 {strides = array<i32>} : memref<256x64xf32, #tpu.memory_space<vmem>>, vector<16xf32>,
      %add3A_1218 = arith.constant 16 : i32
      %add3A_1219 = vector.broadcast %add3A_1218 : i32 to vector<16xi32>
      %add3A_1220 = arith.addi %iota3A, %add3A_1219 : vector<16xi32>
      %gather3A_1221 = arith.constant 2 : i32
      %gather3A_1222 = arith.constant 0 : i32
      %gather3A_1223 = arith.constant 0 : i32
      %gather3A_1224 = tpu.memref_slice %arg10[%gather3A_1221, %gather3A_1222, %gather3A_1223] : memref<8x64x128xf32, #tpu.memory_space<vmem>> -> memref<1x64x128xf32, #tpu.memory_space<vmem>>
      %gather3A_1225 = tpu.memref_squeeze %gather3A_1224 : memref<1x64x128xf32, #tpu.memory_space<vmem>> -> memref<64x128xf32, #tpu.memory_space<vmem>>
      %gather3A_1226 = tpu.vector_load_idx %gather3A_1225[%add3A_1220, %broadcast_in_dim3A_1203] : memref<64x128xf32, #tpu.memory_space<vmem>>[vector<16xi32>, vector<16xi32>], vector<16xf32>,
      %and3A_1227 = arith.constant 255 : i32
      %and3A_1228 = arith.andi %add3A_1168, %and3A_1227 : i32
      %swap3A_1229 = arith.index_cast %and3A_1228 : i32 to index
      %swap3A_1230 = arith.constant 16 : index
      %swap3A_1231 = tpu.vector_load %arg11[%swap3A_1229, %swap3A_1230] {strides = array<i32>} : memref<256x64xf32, #tpu.memory_space<vmem>>, vector<16xf32>,
      tpu.vector_store %arg11[%swap3A_1229, %swap3A_1230], %gather3A_1226 {strides = array<i32>} : memref<256x64xf32, #tpu.memory_space<vmem>>, vector<16xf32>,
      %add3A_1232 = arith.constant 32 : i32
      %add3A_1233 = vector.broadcast %add3A_1232 : i32 to vector<16xi32>
      %add3A_1234 = arith.addi %iota3A, %add3A_1233 : vector<16xi32>
      %gather3A_1235 = arith.constant 2 : i32
      %gather3A_1236 = arith.constant 0 : i32
      %gather3A_1237 = arith.constant 0 : i32
      %gather3A_1238 = tpu.memref_slice %arg10[%gather3A_1235, %gather3A_1236, %gather3A_1237] : memref<8x64x128xf32, #tpu.memory_space<vmem>> -> memref<1x64x128xf32, #tpu.memory_space<vmem>>
      %gather3A_1239 = tpu.memref_squeeze %gather3A_1238 : memref<1x64x128xf32, #tpu.memory_space<vmem>> -> memref<64x128xf32, #tpu.memory_space<vmem>>
      %gather3A_1240 = tpu.vector_load_idx %gather3A_1239[%add3A_1234, %broadcast_in_dim3A_1203] : memref<64x128xf32, #tpu.memory_space<vmem>>[vector<16xi32>, vector<16xi32>], vector<16xf32>,
      %and3A_1241 = arith.constant 255 : i32
      %and3A_1242 = arith.andi %add3A_1168, %and3A_1241 : i32
      %swap3A_1243 = arith.index_cast %and3A_1242 : i32 to index
      %swap3A_1244 = arith.constant 32 : index
      %swap3A_1245 = tpu.vector_load %arg11[%swap3A_1243, %swap3A_1244] {strides = array<i32>} : memref<256x64xf32, #tpu.memory_space<vmem>>, vector<16xf32>,
      tpu.vector_store %arg11[%swap3A_1243, %swap3A_1244], %gather3A_1240 {strides = array<i32>} : memref<256x64xf32, #tpu.memory_space<vmem>>, vector<16xf32>,
      %add3A_1246 = arith.constant 48 : i32
      %add3A_1247 = vector.broadcast %add3A_1246 : i32 to vector<16xi32>
      %add3A_1248 = arith.addi %iota3A, %add3A_1247 : vector<16xi32>
      %gather3A_1249 = arith.constant 2 : i32
      %gather3A_1250 = arith.constant 0 : i32
      %gather3A_1251 = arith.constant 0 : i32
      %gather3A_1252 = tpu.memref_slice %arg10[%gather3A_1249, %gather3A_1250, %gather3A_1251] : memref<8x64x128xf32, #tpu.memory_space<vmem>> -> memref<1x64x128xf32, #tpu.memory_space<vmem>>
      %gather3A_1253 = tpu.memref_squeeze %gather3A_1252 : memref<1x64x128xf32, #tpu.memory_space<vmem>> -> memref<64x128xf32, #tpu.memory_space<vmem>>
      %gather3A_1254 = tpu.vector_load_idx %gather3A_1253[%add3A_1248, %broadcast_in_dim3A_1203] : memref<64x128xf32, #tpu.memory_space<vmem>>[vector<16xi32>, vector<16xi32>], vector<16xf32>,
      %and3A_1255 = arith.constant 255 : i32
      %and3A_1256 = arith.andi %add3A_1168, %and3A_1255 : i32
      %swap3A_1257 = arith.index_cast %and3A_1256 : i32 to index
      %swap3A_1258 = arith.constant 48 : index
      %swap3A_1259 = tpu.vector_load %arg11[%swap3A_1257, %swap3A_1258] {strides = array<i32>} : memref<256x64xf32, #tpu.memory_space<vmem>>, vector<16xf32>,
      tpu.vector_store %arg11[%swap3A_1257, %swap3A_1258], %gather3A_1254 {strides = array<i32>} : memref<256x64xf32, #tpu.memory_space<vmem>>, vector<16xf32>,
      %add3A_1260 = arith.constant 8 : i32
      %add3A_1261 = arith.addi %add3A_1168, %add3A_1260 : i32
      %shift_right_arithmetic3A_1262 = arith.constant 4 : i32
      %shift_right_arithmetic3A_1263 = arith.shrsi %add3A_1261, %shift_right_arithmetic3A_1262 : i32
      %shift_left3A_1264 = arith.constant 4 : i32
      %shift_left3A_1265 = arith.shli %shift_right_arithmetic3A_1263, %shift_left3A_1264 : i32
      %get3A_1266 = arith.index_cast %shift_left3A_1265 : i32 to index
      %get3A_1267 = tpu.vector_load %arg8[%get3A_1266] {strides = array<i32>} : memref<512xi32, #tpu.memory_space<vmem>>, vector<16xi32>,
      %and3A_1268 = arith.constant 15 : i32
      %and3A_1269 = arith.andi %add3A_1261, %and3A_1268 : i32
      %eq3A_1270 = vector.broadcast %and3A_1269 : i32 to vector<16xi32>
      %eq3A_1271 = arith.cmpi eq, %iota3A, %eq3A_1270 : vector<16xi32>
      %jit3A_1272 = arith.constant 0 : i32
      %broadcast_in_dim3A_1273 = vector.broadcast %jit3A_1272 : i32 to vector<16xi32>
      %select_n3A_1274 = arith.select %eq3A_1271, %get3A_1267, %broadcast_in_dim3A_1273 : vector<16xi1>, vector<16xi32>
      %reduce_sum3A_1275 = arith.constant true
      %reduce_sum3A_1276 = vector.broadcast %reduce_sum3A_1275 : i1 to vector<16xi1>
      %reduce_sum3A_1277 = tpu.scan <sum>, %select_n3A_1274 masked %reduce_sum3A_1276 : vector<16xi32>, vector<16xi1> -> vector<16xi32>
      %reduce_sum3A_1278 = vector.extract %reduce_sum3A_1277[15] : i32 from vector<16xi32>
      %shift_right_arithmetic3A_1279 = arith.constant 7 : i32
      %shift_right_arithmetic3A_1280 = arith.shrsi %reduce_sum3A_1278, %shift_right_arithmetic3A_1279 : i32
      %mul3A_1281 = arith.constant 128 : i32
      %mul3A_1282 = arith.muli %shift_right_arithmetic3A_1280, %mul3A_1281 : i32
      %multiple_of3A_1283 = tpu.assume_multiple %mul3A_1282, 128 : i32
      %dma_start3A_1284 = arith.constant 2 : i32
      %dma_start3A_1285 = arith.constant 0 : i32
      %dma_start3A_1286 = arith.constant 0 : i32
      %dma_start3A_1287 = tpu.memref_slice %arg10[%dma_start3A_1284, %dma_start3A_1285, %dma_start3A_1286] : memref<8x64x128xf32, #tpu.memory_space<vmem>> -> memref<1x64x128xf32, #tpu.memory_space<vmem>>
      %dma_start3A_1288 = tpu.memref_squeeze %dma_start3A_1287 : memref<1x64x128xf32, #tpu.memory_space<vmem>> -> memref<64x128xf32, #tpu.memory_space<vmem>>
      %dma_start3A_1289 = arith.constant 0 : i32
      %dma_start3A_1290 = tpu.memref_slice %arg2[%dma_start3A_1289, %multiple_of3A_1283] : memref<64x1000000xf32, #tpu.memory_space<hbm>> -> memref<64x128xf32, #tpu.memory_space<hbm>>
      %dma_start3A_1291 = arith.constant 0 : i32
      %dma_start3A_1292 = arith.constant 0 : i32
      %dma_start3A_1293 = tpu.memref_slice %arg10[%dma_start3A_1284, %dma_start3A_1291, %dma_start3A_1292] : memref<8x64x128xf32, #tpu.memory_space<vmem>> -> memref<1x64x128xf32, #tpu.memory_space<vmem>>
      %dma_start3A_1294 = tpu.memref_squeeze %dma_start3A_1293 : memref<1x64x128xf32, #tpu.memory_space<vmem>> -> memref<64x128xf32, #tpu.memory_space<vmem>>
      %dma_start3A_1295 = arith.constant 0 : i32
      %dma_start3A_1296 = tpu.memref_slice %arg2[%dma_start3A_1295, %multiple_of3A_1283] : memref<64x1000000xf32, #tpu.memory_space<hbm>> -> memref<64x128xf32, #tpu.memory_space<hbm>>
      tpu.enqueue_dma source(%dma_start3A_1296 : memref<64x128xf32, #tpu.memory_space<hbm>>) target(%dma_start3A_1294 : memref<64x128xf32, #tpu.memory_space<vmem>>) target_semaphore(%arg16 : memref<!tpu.dma_semaphore, #tpu.memory_space<semaphore_mem>>)
      %mul3A_1297 = arith.constant 8 : i32
      %mul3A_1298 = arith.muli %add3A_901, %mul3A_1297 : i32
      %add3A_1299 = arith.constant 3 : i32
      %add3A_1300 = arith.addi %mul3A_1298, %add3A_1299 : i32
      %dma_wait3A_1301 = arith.constant 3 : i32
      %dma_wait3A_1302 = arith.constant 0 : i32
      %dma_wait3A_1303 = arith.constant 0 : i32
      %dma_wait3A_1304 = tpu.memref_slice %arg10[%dma_wait3A_1301, %dma_wait3A_1302, %dma_wait3A_1303] : memref<8x64x128xf32, #tpu.memory_space<vmem>> -> memref<1x64x128xf32, #tpu.memory_space<vmem>>
      %dma_wait3A_1305 = tpu.memref_squeeze %dma_wait3A_1304 : memref<1x64x128xf32, #tpu.memory_space<vmem>> -> memref<64x128xf32, #tpu.memory_space<vmem>>
      %dma_wait3A_1306 = arith.constant 0 : i32
      %dma_wait3A_1307 = arith.constant 0 : i32
      %dma_wait3A_1308 = tpu.memref_slice %arg2[%dma_wait3A_1306, %dma_wait3A_1307] : memref<64x1000000xf32, #tpu.memory_space<hbm>> -> memref<64x128xf32, #tpu.memory_space<hbm>>
      %dma_wait3A_1309 = arith.constant 0 : i32
      %dma_wait3A_1310 = arith.constant 0 : i32
      %dma_wait3A_1311 = tpu.memref_slice %arg10[%dma_wait3A_1301, %dma_wait3A_1309, %dma_wait3A_1310] : memref<8x64x128xf32, #tpu.memory_space<vmem>> -> memref<1x64x128xf32, #tpu.memory_space<vmem>>
      %dma_wait3A_1312 = tpu.memref_squeeze %dma_wait3A_1311 : memref<1x64x128xf32, #tpu.memory_space<vmem>> -> memref<64x128xf32, #tpu.memory_space<vmem>>
      %dma_wait3A_1313 = arith.constant 0 : i32
      %dma_wait3A_1314 = arith.constant 0 : i32
      %dma_wait3A_1315 = tpu.memref_slice %arg2[%dma_wait3A_1313, %dma_wait3A_1314] : memref<64x1000000xf32, #tpu.memory_space<hbm>> -> memref<64x128xf32, #tpu.memory_space<hbm>>
      tpu.wait_dma2 semaphore(%arg17 : memref<!tpu.dma_semaphore, #tpu.memory_space<semaphore_mem>>) src(%dma_wait3A_1315 : memref<64x128xf32, #tpu.memory_space<hbm>>) dst(%dma_wait3A_1312 : memref<64x128xf32, #tpu.memory_space<vmem>>)
      %shift_right_arithmetic3A_1316 = arith.constant 4 : i32
      %shift_right_arithmetic3A_1317 = arith.shrsi %add3A_1300, %shift_right_arithmetic3A_1316 : i32
      %shift_left3A_1318 = arith.constant 4 : i32
      %shift_left3A_1319 = arith.shli %shift_right_arithmetic3A_1317, %shift_left3A_1318 : i32
      %get3A_1320 = arith.index_cast %shift_left3A_1319 : i32 to index
      %get3A_1321 = tpu.vector_load %arg8[%get3A_1320] {strides = array<i32>} : memref<512xi32, #tpu.memory_space<vmem>>, vector<16xi32>,
      %and3A_1322 = arith.constant 15 : i32
      %and3A_1323 = arith.andi %add3A_1300, %and3A_1322 : i32
      %eq3A_1324 = vector.broadcast %and3A_1323 : i32 to vector<16xi32>
      %eq3A_1325 = arith.cmpi eq, %iota3A, %eq3A_1324 : vector<16xi32>
      %jit3A_1326 = arith.constant 0 : i32
      %broadcast_in_dim3A_1327 = vector.broadcast %jit3A_1326 : i32 to vector<16xi32>
      %select_n3A_1328 = arith.select %eq3A_1325, %get3A_1321, %broadcast_in_dim3A_1327 : vector<16xi1>, vector<16xi32>
      %reduce_sum3A_1329 = arith.constant true
      %reduce_sum3A_1330 = vector.broadcast %reduce_sum3A_1329 : i1 to vector<16xi1>
      %reduce_sum3A_1331 = tpu.scan <sum>, %select_n3A_1328 masked %reduce_sum3A_1330 : vector<16xi32>, vector<16xi1> -> vector<16xi32>
      %reduce_sum3A_1332 = vector.extract %reduce_sum3A_1331[15] : i32 from vector<16xi32>
      %and3A_1333 = arith.constant 127 : i32
      %and3A_1334 = arith.andi %reduce_sum3A_1332, %and3A_1333 : i32
      %broadcast_in_dim3A_1335 = vector.broadcast %and3A_1334 : i32 to vector<16xi32>
      %add3A_1336 = arith.constant 0 : i32
      %add3A_1337 = vector.broadcast %add3A_1336 : i32 to vector<16xi32>
      %add3A_1338 = arith.addi %iota3A, %add3A_1337 : vector<16xi32>
      %gather3A_1339 = arith.constant 3 : i32
      %gather3A_1340 = arith.constant 0 : i32
      %gather3A_1341 = arith.constant 0 : i32
      %gather3A_1342 = tpu.memref_slice %arg10[%gather3A_1339, %gather3A_1340, %gather3A_1341] : memref<8x64x128xf32, #tpu.memory_space<vmem>> -> memref<1x64x128xf32, #tpu.memory_space<vmem>>
      %gather3A_1343 = tpu.memref_squeeze %gather3A_1342 : memref<1x64x128xf32, #tpu.memory_space<vmem>> -> memref<64x128xf32, #tpu.memory_space<vmem>>
      %gather3A_1344 = tpu.vector_load_idx %gather3A_1343[%add3A_1338, %broadcast_in_dim3A_1335] : memref<64x128xf32, #tpu.memory_space<vmem>>[vector<16xi32>, vector<16xi32>], vector<16xf32>,
      %and3A_1345 = arith.constant 255 : i32
      %and3A_1346 = arith.andi %add3A_1300, %and3A_1345 : i32
      %swap3A_1347 = arith.index_cast %and3A_1346 : i32 to index
      %swap3A_1348 = arith.constant 0 : index
      %swap3A_1349 = tpu.vector_load %arg11[%swap3A_1347, %swap3A_1348] {strides = array<i32>} : memref<256x64xf32, #tpu.memory_space<vmem>>, vector<16xf32>,
      tpu.vector_store %arg11[%swap3A_1347, %swap3A_1348], %gather3A_1344 {strides = array<i32>} : memref<256x64xf32, #tpu.memory_space<vmem>>, vector<16xf32>,
      %add3A_1350 = arith.constant 16 : i32
      %add3A_1351 = vector.broadcast %add3A_1350 : i32 to vector<16xi32>
      %add3A_1352 = arith.addi %iota3A, %add3A_1351 : vector<16xi32>
      %gather3A_1353 = arith.constant 3 : i32
      %gather3A_1354 = arith.constant 0 : i32
      %gather3A_1355 = arith.constant 0 : i32
      %gather3A_1356 = tpu.memref_slice %arg10[%gather3A_1353, %gather3A_1354, %gather3A_1355] : memref<8x64x128xf32, #tpu.memory_space<vmem>> -> memref<1x64x128xf32, #tpu.memory_space<vmem>>
      %gather3A_1357 = tpu.memref_squeeze %gather3A_1356 : memref<1x64x128xf32, #tpu.memory_space<vmem>> -> memref<64x128xf32, #tpu.memory_space<vmem>>
      %gather3A_1358 = tpu.vector_load_idx %gather3A_1357[%add3A_1352, %broadcast_in_dim3A_1335] : memref<64x128xf32, #tpu.memory_space<vmem>>[vector<16xi32>, vector<16xi32>], vector<16xf32>,
      %and3A_1359 = arith.constant 255 : i32
      %and3A_1360 = arith.andi %add3A_1300, %and3A_1359 : i32
      %swap3A_1361 = arith.index_cast %and3A_1360 : i32 to index
      %swap3A_1362 = arith.constant 16 : index
      %swap3A_1363 = tpu.vector_load %arg11[%swap3A_1361, %swap3A_1362] {strides = array<i32>} : memref<256x64xf32, #tpu.memory_space<vmem>>, vector<16xf32>,
      tpu.vector_store %arg11[%swap3A_1361, %swap3A_1362], %gather3A_1358 {strides = array<i32>} : memref<256x64xf32, #tpu.memory_space<vmem>>, vector<16xf32>,
      %add3A_1364 = arith.constant 32 : i32
      %add3A_1365 = vector.broadcast %add3A_1364 : i32 to vector<16xi32>
      %add3A_1366 = arith.addi %iota3A, %add3A_1365 : vector<16xi32>
      %gather3A_1367 = arith.constant 3 : i32
      %gather3A_1368 = arith.constant 0 : i32
      %gather3A_1369 = arith.constant 0 : i32
      %gather3A_1370 = tpu.memref_slice %arg10[%gather3A_1367, %gather3A_1368, %gather3A_1369] : memref<8x64x128xf32, #tpu.memory_space<vmem>> -> memref<1x64x128xf32, #tpu.memory_space<vmem>>
      %gather3A_1371 = tpu.memref_squeeze %gather3A_1370 : memref<1x64x128xf32, #tpu.memory_space<vmem>> -> memref<64x128xf32, #tpu.memory_space<vmem>>
      %gather3A_1372 = tpu.vector_load_idx %gather3A_1371[%add3A_1366, %broadcast_in_dim3A_1335] : memref<64x128xf32, #tpu.memory_space<vmem>>[vector<16xi32>, vector<16xi32>], vector<16xf32>,
      %and3A_1373 = arith.constant 255 : i32
      %and3A_1374 = arith.andi %add3A_1300, %and3A_1373 : i32
      %swap3A_1375 = arith.index_cast %and3A_1374 : i32 to index
      %swap3A_1376 = arith.constant 32 : index
      %swap3A_1377 = tpu.vector_load %arg11[%swap3A_1375, %swap3A_1376] {strides = array<i32>} : memref<256x64xf32, #tpu.memory_space<vmem>>, vector<16xf32>,
      tpu.vector_store %arg11[%swap3A_1375, %swap3A_1376], %gather3A_1372 {strides = array<i32>} : memref<256x64xf32, #tpu.memory_space<vmem>>, vector<16xf32>,
      %add3A_1378 = arith.constant 48 : i32
      %add3A_1379 = vector.broadcast %add3A_1378 : i32 to vector<16xi32>
      %add3A_1380 = arith.addi %iota3A, %add3A_1379 : vector<16xi32>
      %gather3A_1381 = arith.constant 3 : i32
      %gather3A_1382 = arith.constant 0 : i32
      %gather3A_1383 = arith.constant 0 : i32
      %gather3A_1384 = tpu.memref_slice %arg10[%gather3A_1381, %gather3A_1382, %gather3A_1383] : memref<8x64x128xf32, #tpu.memory_space<vmem>> -> memref<1x64x128xf32, #tpu.memory_space<vmem>>
      %gather3A_1385 = tpu.memref_squeeze %gather3A_1384 : memref<1x64x128xf32, #tpu.memory_space<vmem>> -> memref<64x128xf32, #tpu.memory_space<vmem>>
      %gather3A_1386 = tpu.vector_load_idx %gather3A_1385[%add3A_1380, %broadcast_in_dim3A_1335] : memref<64x128xf32, #tpu.memory_space<vmem>>[vector<16xi32>, vector<16xi32>], vector<16xf32>,
      %and3A_1387 = arith.constant 255 : i32
      %and3A_1388 = arith.andi %add3A_1300, %and3A_1387 : i32
      %swap3A_1389 = arith.index_cast %and3A_1388 : i32 to index
      %swap3A_1390 = arith.constant 48 : index
      %swap3A_1391 = tpu.vector_load %arg11[%swap3A_1389, %swap3A_1390] {strides = array<i32>} : memref<256x64xf32, #tpu.memory_space<vmem>>, vector<16xf32>,
      tpu.vector_store %arg11[%swap3A_1389, %swap3A_1390], %gather3A_1386 {strides = array<i32>} : memref<256x64xf32, #tpu.memory_space<vmem>>, vector<16xf32>,
      %add3A_1392 = arith.constant 8 : i32
      %add3A_1393 = arith.addi %add3A_1300, %add3A_1392 : i32
      %shift_right_arithmetic3A_1394 = arith.constant 4 : i32
      %shift_right_arithmetic3A_1395 = arith.shrsi %add3A_1393, %shift_right_arithmetic3A_1394 : i32
      %shift_left3A_1396 = arith.constant 4 : i32
      %shift_left3A_1397 = arith.shli %shift_right_arithmetic3A_1395, %shift_left3A_1396 : i32
      %get3A_1398 = arith.index_cast %shift_left3A_1397 : i32 to index
      %get3A_1399 = tpu.vector_load %arg8[%get3A_1398] {strides = array<i32>} : memref<512xi32, #tpu.memory_space<vmem>>, vector<16xi32>,
      %and3A_1400 = arith.constant 15 : i32
      %and3A_1401 = arith.andi %add3A_1393, %and3A_1400 : i32
      %eq3A_1402 = vector.broadcast %and3A_1401 : i32 to vector<16xi32>
      %eq3A_1403 = arith.cmpi eq, %iota3A, %eq3A_1402 : vector<16xi32>
      %jit3A_1404 = arith.constant 0 : i32
      %broadcast_in_dim3A_1405 = vector.broadcast %jit3A_1404 : i32 to vector<16xi32>
      %select_n3A_1406 = arith.select %eq3A_1403, %get3A_1399, %broadcast_in_dim3A_1405 : vector<16xi1>, vector<16xi32>
      %reduce_sum3A_1407 = arith.constant true
      %reduce_sum3A_1408 = vector.broadcast %reduce_sum3A_1407 : i1 to vector<16xi1>
      %reduce_sum3A_1409 = tpu.scan <sum>, %select_n3A_1406 masked %reduce_sum3A_1408 : vector<16xi32>, vector<16xi1> -> vector<16xi32>
      %reduce_sum3A_1410 = vector.extract %reduce_sum3A_1409[15] : i32 from vector<16xi32>
      %shift_right_arithmetic3A_1411 = arith.constant 7 : i32
      %shift_right_arithmetic3A_1412 = arith.shrsi %reduce_sum3A_1410, %shift_right_arithmetic3A_1411 : i32
      %mul3A_1413 = arith.constant 128 : i32
      %mul3A_1414 = arith.muli %shift_right_arithmetic3A_1412, %mul3A_1413 : i32
      %multiple_of3A_1415 = tpu.assume_multiple %mul3A_1414, 128 : i32
      %dma_start3A_1416 = arith.constant 3 : i32
      %dma_start3A_1417 = arith.constant 0 : i32
      %dma_start3A_1418 = arith.constant 0 : i32
      %dma_start3A_1419 = tpu.memref_slice %arg10[%dma_start3A_1416, %dma_start3A_1417, %dma_start3A_1418] : memref<8x64x128xf32, #tpu.memory_space<vmem>> -> memref<1x64x128xf32, #tpu.memory_space<vmem>>
      %dma_start3A_1420 = tpu.memref_squeeze %dma_start3A_1419 : memref<1x64x128xf32, #tpu.memory_space<vmem>> -> memref<64x128xf32, #tpu.memory_space<vmem>>
      %dma_start3A_1421 = arith.constant 0 : i32
      %dma_start3A_1422 = tpu.memref_slice %arg2[%dma_start3A_1421, %multiple_of3A_1415] : memref<64x1000000xf32, #tpu.memory_space<hbm>> -> memref<64x128xf32, #tpu.memory_space<hbm>>
      %dma_start3A_1423 = arith.constant 0 : i32
      %dma_start3A_1424 = arith.constant 0 : i32
      %dma_start3A_1425 = tpu.memref_slice %arg10[%dma_start3A_1416, %dma_start3A_1423, %dma_start3A_1424] : memref<8x64x128xf32, #tpu.memory_space<vmem>> -> memref<1x64x128xf32, #tpu.memory_space<vmem>>
      %dma_start3A_1426 = tpu.memref_squeeze %dma_start3A_1425 : memref<1x64x128xf32, #tpu.memory_space<vmem>> -> memref<64x128xf32, #tpu.memory_space<vmem>>
      %dma_start3A_1427 = arith.constant 0 : i32
      %dma_start3A_1428 = tpu.memref_slice %arg2[%dma_start3A_1427, %multiple_of3A_1415] : memref<64x1000000xf32, #tpu.memory_space<hbm>> -> memref<64x128xf32, #tpu.memory_space<hbm>>
      tpu.enqueue_dma source(%dma_start3A_1428 : memref<64x128xf32, #tpu.memory_space<hbm>>) target(%dma_start3A_1426 : memref<64x128xf32, #tpu.memory_space<vmem>>) target_semaphore(%arg17 : memref<!tpu.dma_semaphore, #tpu.memory_space<semaphore_mem>>)
      %mul3A_1429 = arith.constant 8 : i32
      %mul3A_1430 = arith.muli %add3A_901, %mul3A_1429 : i32
      %add3A_1431 = arith.constant 4 : i32
      %add3A_1432 = arith.addi %mul3A_1430, %add3A_1431 : i32
      %dma_wait3A_1433 = arith.constant 4 : i32
      %dma_wait3A_1434 = arith.constant 0 : i32
      %dma_wait3A_1435 = arith.constant 0 : i32
      %dma_wait3A_1436 = tpu.memref_slice %arg10[%dma_wait3A_1433, %dma_wait3A_1434, %dma_wait3A_1435] : memref<8x64x128xf32, #tpu.memory_space<vmem>> -> memref<1x64x128xf32, #tpu.memory_space<vmem>>
      %dma_wait3A_1437 = tpu.memref_squeeze %dma_wait3A_1436 : memref<1x64x128xf32, #tpu.memory_space<vmem>> -> memref<64x128xf32, #tpu.memory_space<vmem>>
      %dma_wait3A_1438 = arith.constant 0 : i32
      %dma_wait3A_1439 = arith.constant 0 : i32
      %dma_wait3A_1440 = tpu.memref_slice %arg2[%dma_wait3A_1438, %dma_wait3A_1439] : memref<64x1000000xf32, #tpu.memory_space<hbm>> -> memref<64x128xf32, #tpu.memory_space<hbm>>
      %dma_wait3A_1441 = arith.constant 0 : i32
      %dma_wait3A_1442 = arith.constant 0 : i32
      %dma_wait3A_1443 = tpu.memref_slice %arg10[%dma_wait3A_1433, %dma_wait3A_1441, %dma_wait3A_1442] : memref<8x64x128xf32, #tpu.memory_space<vmem>> -> memref<1x64x128xf32, #tpu.memory_space<vmem>>
      %dma_wait3A_1444 = tpu.memref_squeeze %dma_wait3A_1443 : memref<1x64x128xf32, #tpu.memory_space<vmem>> -> memref<64x128xf32, #tpu.memory_space<vmem>>
      %dma_wait3A_1445 = arith.constant 0 : i32
      %dma_wait3A_1446 = arith.constant 0 : i32
      %dma_wait3A_1447 = tpu.memref_slice %arg2[%dma_wait3A_1445, %dma_wait3A_1446] : memref<64x1000000xf32, #tpu.memory_space<hbm>> -> memref<64x128xf32, #tpu.memory_space<hbm>>
      tpu.wait_dma2 semaphore(%arg18 : memref<!tpu.dma_semaphore, #tpu.memory_space<semaphore_mem>>) src(%dma_wait3A_1447 : memref<64x128xf32, #tpu.memory_space<hbm>>) dst(%dma_wait3A_1444 : memref<64x128xf32, #tpu.memory_space<vmem>>)
      %shift_right_arithmetic3A_1448 = arith.constant 4 : i32
      %shift_right_arithmetic3A_1449 = arith.shrsi %add3A_1432, %shift_right_arithmetic3A_1448 : i32
      %shift_left3A_1450 = arith.constant 4 : i32
      %shift_left3A_1451 = arith.shli %shift_right_arithmetic3A_1449, %shift_left3A_1450 : i32
      %get3A_1452 = arith.index_cast %shift_left3A_1451 : i32 to index
      %get3A_1453 = tpu.vector_load %arg8[%get3A_1452] {strides = array<i32>} : memref<512xi32, #tpu.memory_space<vmem>>, vector<16xi32>,
      %and3A_1454 = arith.constant 15 : i32
      %and3A_1455 = arith.andi %add3A_1432, %and3A_1454 : i32
      %eq3A_1456 = vector.broadcast %and3A_1455 : i32 to vector<16xi32>
      %eq3A_1457 = arith.cmpi eq, %iota3A, %eq3A_1456 : vector<16xi32>
      %jit3A_1458 = arith.constant 0 : i32
      %broadcast_in_dim3A_1459 = vector.broadcast %jit3A_1458 : i32 to vector<16xi32>
      %select_n3A_1460 = arith.select %eq3A_1457, %get3A_1453, %broadcast_in_dim3A_1459 : vector<16xi1>, vector<16xi32>
      %reduce_sum3A_1461 = arith.constant true
      %reduce_sum3A_1462 = vector.broadcast %reduce_sum3A_1461 : i1 to vector<16xi1>
      %reduce_sum3A_1463 = tpu.scan <sum>, %select_n3A_1460 masked %reduce_sum3A_1462 : vector<16xi32>, vector<16xi1> -> vector<16xi32>
      %reduce_sum3A_1464 = vector.extract %reduce_sum3A_1463[15] : i32 from vector<16xi32>
      %and3A_1465 = arith.constant 127 : i32
      %and3A_1466 = arith.andi %reduce_sum3A_1464, %and3A_1465 : i32
      %broadcast_in_dim3A_1467 = vector.broadcast %and3A_1466 : i32 to vector<16xi32>
      %add3A_1468 = arith.constant 0 : i32
      %add3A_1469 = vector.broadcast %add3A_1468 : i32 to vector<16xi32>
      %add3A_1470 = arith.addi %iota3A, %add3A_1469 : vector<16xi32>
      %gather3A_1471 = arith.constant 4 : i32
      %gather3A_1472 = arith.constant 0 : i32
      %gather3A_1473 = arith.constant 0 : i32
      %gather3A_1474 = tpu.memref_slice %arg10[%gather3A_1471, %gather3A_1472, %gather3A_1473] : memref<8x64x128xf32, #tpu.memory_space<vmem>> -> memref<1x64x128xf32, #tpu.memory_space<vmem>>
      %gather3A_1475 = tpu.memref_squeeze %gather3A_1474 : memref<1x64x128xf32, #tpu.memory_space<vmem>> -> memref<64x128xf32, #tpu.memory_space<vmem>>
      %gather3A_1476 = tpu.vector_load_idx %gather3A_1475[%add3A_1470, %broadcast_in_dim3A_1467] : memref<64x128xf32, #tpu.memory_space<vmem>>[vector<16xi32>, vector<16xi32>], vector<16xf32>,
      %and3A_1477 = arith.constant 255 : i32
      %and3A_1478 = arith.andi %add3A_1432, %and3A_1477 : i32
      %swap3A_1479 = arith.index_cast %and3A_1478 : i32 to index
      %swap3A_1480 = arith.constant 0 : index
      %swap3A_1481 = tpu.vector_load %arg11[%swap3A_1479, %swap3A_1480] {strides = array<i32>} : memref<256x64xf32, #tpu.memory_space<vmem>>, vector<16xf32>,
      tpu.vector_store %arg11[%swap3A_1479, %swap3A_1480], %gather3A_1476 {strides = array<i32>} : memref<256x64xf32, #tpu.memory_space<vmem>>, vector<16xf32>,
      %add3A_1482 = arith.constant 16 : i32
      %add3A_1483 = vector.broadcast %add3A_1482 : i32 to vector<16xi32>
      %add3A_1484 = arith.addi %iota3A, %add3A_1483 : vector<16xi32>
      %gather3A_1485 = arith.constant 4 : i32
      %gather3A_1486 = arith.constant 0 : i32
      %gather3A_1487 = arith.constant 0 : i32
      %gather3A_1488 = tpu.memref_slice %arg10[%gather3A_1485, %gather3A_1486, %gather3A_1487] : memref<8x64x128xf32, #tpu.memory_space<vmem>> -> memref<1x64x128xf32, #tpu.memory_space<vmem>>
      %gather3A_1489 = tpu.memref_squeeze %gather3A_1488 : memref<1x64x128xf32, #tpu.memory_space<vmem>> -> memref<64x128xf32, #tpu.memory_space<vmem>>
      %gather3A_1490 = tpu.vector_load_idx %gather3A_1489[%add3A_1484, %broadcast_in_dim3A_1467] : memref<64x128xf32, #tpu.memory_space<vmem>>[vector<16xi32>, vector<16xi32>], vector<16xf32>,
      %and3A_1491 = arith.constant 255 : i32
      %and3A_1492 = arith.andi %add3A_1432, %and3A_1491 : i32
      %swap3A_1493 = arith.index_cast %and3A_1492 : i32 to index
      %swap3A_1494 = arith.constant 16 : index
      %swap3A_1495 = tpu.vector_load %arg11[%swap3A_1493, %swap3A_1494] {strides = array<i32>} : memref<256x64xf32, #tpu.memory_space<vmem>>, vector<16xf32>,
      tpu.vector_store %arg11[%swap3A_1493, %swap3A_1494], %gather3A_1490 {strides = array<i32>} : memref<256x64xf32, #tpu.memory_space<vmem>>, vector<16xf32>,
      %add3A_1496 = arith.constant 32 : i32
      %add3A_1497 = vector.broadcast %add3A_1496 : i32 to vector<16xi32>
      %add3A_1498 = arith.addi %iota3A, %add3A_1497 : vector<16xi32>
      %gather3A_1499 = arith.constant 4 : i32
      %gather3A_1500 = arith.constant 0 : i32
      %gather3A_1501 = arith.constant 0 : i32
      %gather3A_1502 = tpu.memref_slice %arg10[%gather3A_1499, %gather3A_1500, %gather3A_1501] : memref<8x64x128xf32, #tpu.memory_space<vmem>> -> memref<1x64x128xf32, #tpu.memory_space<vmem>>
      %gather3A_1503 = tpu.memref_squeeze %gather3A_1502 : memref<1x64x128xf32, #tpu.memory_space<vmem>> -> memref<64x128xf32, #tpu.memory_space<vmem>>
      %gather3A_1504 = tpu.vector_load_idx %gather3A_1503[%add3A_1498, %broadcast_in_dim3A_1467] : memref<64x128xf32, #tpu.memory_space<vmem>>[vector<16xi32>, vector<16xi32>], vector<16xf32>,
      %and3A_1505 = arith.constant 255 : i32
      %and3A_1506 = arith.andi %add3A_1432, %and3A_1505 : i32
      %swap3A_1507 = arith.index_cast %and3A_1506 : i32 to index
      %swap3A_1508 = arith.constant 32 : index
      %swap3A_1509 = tpu.vector_load %arg11[%swap3A_1507, %swap3A_1508] {strides = array<i32>} : memref<256x64xf32, #tpu.memory_space<vmem>>, vector<16xf32>,
      tpu.vector_store %arg11[%swap3A_1507, %swap3A_1508], %gather3A_1504 {strides = array<i32>} : memref<256x64xf32, #tpu.memory_space<vmem>>, vector<16xf32>,
      %add3A_1510 = arith.constant 48 : i32
      %add3A_1511 = vector.broadcast %add3A_1510 : i32 to vector<16xi32>
      %add3A_1512 = arith.addi %iota3A, %add3A_1511 : vector<16xi32>
      %gather3A_1513 = arith.constant 4 : i32
      %gather3A_1514 = arith.constant 0 : i32
      %gather3A_1515 = arith.constant 0 : i32
      %gather3A_1516 = tpu.memref_slice %arg10[%gather3A_1513, %gather3A_1514, %gather3A_1515] : memref<8x64x128xf32, #tpu.memory_space<vmem>> -> memref<1x64x128xf32, #tpu.memory_space<vmem>>
      %gather3A_1517 = tpu.memref_squeeze %gather3A_1516 : memref<1x64x128xf32, #tpu.memory_space<vmem>> -> memref<64x128xf32, #tpu.memory_space<vmem>>
      %gather3A_1518 = tpu.vector_load_idx %gather3A_1517[%add3A_1512, %broadcast_in_dim3A_1467] : memref<64x128xf32, #tpu.memory_space<vmem>>[vector<16xi32>, vector<16xi32>], vector<16xf32>,
      %and3A_1519 = arith.constant 255 : i32
      %and3A_1520 = arith.andi %add3A_1432, %and3A_1519 : i32
      %swap3A_1521 = arith.index_cast %and3A_1520 : i32 to index
      %swap3A_1522 = arith.constant 48 : index
      %swap3A_1523 = tpu.vector_load %arg11[%swap3A_1521, %swap3A_1522] {strides = array<i32>} : memref<256x64xf32, #tpu.memory_space<vmem>>, vector<16xf32>,
      tpu.vector_store %arg11[%swap3A_1521, %swap3A_1522], %gather3A_1518 {strides = array<i32>} : memref<256x64xf32, #tpu.memory_space<vmem>>, vector<16xf32>,
      %add3A_1524 = arith.constant 8 : i32
      %add3A_1525 = arith.addi %add3A_1432, %add3A_1524 : i32
      %shift_right_arithmetic3A_1526 = arith.constant 4 : i32
      %shift_right_arithmetic3A_1527 = arith.shrsi %add3A_1525, %shift_right_arithmetic3A_1526 : i32
      %shift_left3A_1528 = arith.constant 4 : i32
      %shift_left3A_1529 = arith.shli %shift_right_arithmetic3A_1527, %shift_left3A_1528 : i32
      %get3A_1530 = arith.index_cast %shift_left3A_1529 : i32 to index
      %get3A_1531 = tpu.vector_load %arg8[%get3A_1530] {strides = array<i32>} : memref<512xi32, #tpu.memory_space<vmem>>, vector<16xi32>,
      %and3A_1532 = arith.constant 15 : i32
      %and3A_1533 = arith.andi %add3A_1525, %and3A_1532 : i32
      %eq3A_1534 = vector.broadcast %and3A_1533 : i32 to vector<16xi32>
      %eq3A_1535 = arith.cmpi eq, %iota3A, %eq3A_1534 : vector<16xi32>
      %jit3A_1536 = arith.constant 0 : i32
      %broadcast_in_dim3A_1537 = vector.broadcast %jit3A_1536 : i32 to vector<16xi32>
      %select_n3A_1538 = arith.select %eq3A_1535, %get3A_1531, %broadcast_in_dim3A_1537 : vector<16xi1>, vector<16xi32>
      %reduce_sum3A_1539 = arith.constant true
      %reduce_sum3A_1540 = vector.broadcast %reduce_sum3A_1539 : i1 to vector<16xi1>
      %reduce_sum3A_1541 = tpu.scan <sum>, %select_n3A_1538 masked %reduce_sum3A_1540 : vector<16xi32>, vector<16xi1> -> vector<16xi32>
      %reduce_sum3A_1542 = vector.extract %reduce_sum3A_1541[15] : i32 from vector<16xi32>
      %shift_right_arithmetic3A_1543 = arith.constant 7 : i32
      %shift_right_arithmetic3A_1544 = arith.shrsi %reduce_sum3A_1542, %shift_right_arithmetic3A_1543 : i32
      %mul3A_1545 = arith.constant 128 : i32
      %mul3A_1546 = arith.muli %shift_right_arithmetic3A_1544, %mul3A_1545 : i32
      %multiple_of3A_1547 = tpu.assume_multiple %mul3A_1546, 128 : i32
      %dma_start3A_1548 = arith.constant 4 : i32
      %dma_start3A_1549 = arith.constant 0 : i32
      %dma_start3A_1550 = arith.constant 0 : i32
      %dma_start3A_1551 = tpu.memref_slice %arg10[%dma_start3A_1548, %dma_start3A_1549, %dma_start3A_1550] : memref<8x64x128xf32, #tpu.memory_space<vmem>> -> memref<1x64x128xf32, #tpu.memory_space<vmem>>
      %dma_start3A_1552 = tpu.memref_squeeze %dma_start3A_1551 : memref<1x64x128xf32, #tpu.memory_space<vmem>> -> memref<64x128xf32, #tpu.memory_space<vmem>>
      %dma_start3A_1553 = arith.constant 0 : i32
      %dma_start3A_1554 = tpu.memref_slice %arg2[%dma_start3A_1553, %multiple_of3A_1547] : memref<64x1000000xf32, #tpu.memory_space<hbm>> -> memref<64x128xf32, #tpu.memory_space<hbm>>
      %dma_start3A_1555 = arith.constant 0 : i32
      %dma_start3A_1556 = arith.constant 0 : i32
      %dma_start3A_1557 = tpu.memref_slice %arg10[%dma_start3A_1548, %dma_start3A_1555, %dma_start3A_1556] : memref<8x64x128xf32, #tpu.memory_space<vmem>> -> memref<1x64x128xf32, #tpu.memory_space<vmem>>
      %dma_start3A_1558 = tpu.memref_squeeze %dma_start3A_1557 : memref<1x64x128xf32, #tpu.memory_space<vmem>> -> memref<64x128xf32, #tpu.memory_space<vmem>>
      %dma_start3A_1559 = arith.constant 0 : i32
      %dma_start3A_1560 = tpu.memref_slice %arg2[%dma_start3A_1559, %multiple_of3A_1547] : memref<64x1000000xf32, #tpu.memory_space<hbm>> -> memref<64x128xf32, #tpu.memory_space<hbm>>
      tpu.enqueue_dma source(%dma_start3A_1560 : memref<64x128xf32, #tpu.memory_space<hbm>>) target(%dma_start3A_1558 : memref<64x128xf32, #tpu.memory_space<vmem>>) target_semaphore(%arg18 : memref<!tpu.dma_semaphore, #tpu.memory_space<semaphore_mem>>)
      %mul3A_1561 = arith.constant 8 : i32
      %mul3A_1562 = arith.muli %add3A_901, %mul3A_1561 : i32
      %add3A_1563 = arith.constant 5 : i32
      %add3A_1564 = arith.addi %mul3A_1562, %add3A_1563 : i32
      %dma_wait3A_1565 = arith.constant 5 : i32
      %dma_wait3A_1566 = arith.constant 0 : i32
      %dma_wait3A_1567 = arith.constant 0 : i32
      %dma_wait3A_1568 = tpu.memref_slice %arg10[%dma_wait3A_1565, %dma_wait3A_1566, %dma_wait3A_1567] : memref<8x64x128xf32, #tpu.memory_space<vmem>> -> memref<1x64x128xf32, #tpu.memory_space<vmem>>
      %dma_wait3A_1569 = tpu.memref_squeeze %dma_wait3A_1568 : memref<1x64x128xf32, #tpu.memory_space<vmem>> -> memref<64x128xf32, #tpu.memory_space<vmem>>
      %dma_wait3A_1570 = arith.constant 0 : i32
      %dma_wait3A_1571 = arith.constant 0 : i32
      %dma_wait3A_1572 = tpu.memref_slice %arg2[%dma_wait3A_1570, %dma_wait3A_1571] : memref<64x1000000xf32, #tpu.memory_space<hbm>> -> memref<64x128xf32, #tpu.memory_space<hbm>>
      %dma_wait3A_1573 = arith.constant 0 : i32
      %dma_wait3A_1574 = arith.constant 0 : i32
      %dma_wait3A_1575 = tpu.memref_slice %arg10[%dma_wait3A_1565, %dma_wait3A_1573, %dma_wait3A_1574] : memref<8x64x128xf32, #tpu.memory_space<vmem>> -> memref<1x64x128xf32, #tpu.memory_space<vmem>>
      %dma_wait3A_1576 = tpu.memref_squeeze %dma_wait3A_1575 : memref<1x64x128xf32, #tpu.memory_space<vmem>> -> memref<64x128xf32, #tpu.memory_space<vmem>>
      %dma_wait3A_1577 = arith.constant 0 : i32
      %dma_wait3A_1578 = arith.constant 0 : i32
      %dma_wait3A_1579 = tpu.memref_slice %arg2[%dma_wait3A_1577, %dma_wait3A_1578] : memref<64x1000000xf32, #tpu.memory_space<hbm>> -> memref<64x128xf32, #tpu.memory_space<hbm>>
      tpu.wait_dma2 semaphore(%arg19 : memref<!tpu.dma_semaphore, #tpu.memory_space<semaphore_mem>>) src(%dma_wait3A_1579 : memref<64x128xf32, #tpu.memory_space<hbm>>) dst(%dma_wait3A_1576 : memref<64x128xf32, #tpu.memory_space<vmem>>)
      %shift_right_arithmetic3A_1580 = arith.constant 4 : i32
      %shift_right_arithmetic3A_1581 = arith.shrsi %add3A_1564, %shift_right_arithmetic3A_1580 : i32
      %shift_left3A_1582 = arith.constant 4 : i32
      %shift_left3A_1583 = arith.shli %shift_right_arithmetic3A_1581, %shift_left3A_1582 : i32
      %get3A_1584 = arith.index_cast %shift_left3A_1583 : i32 to index
      %get3A_1585 = tpu.vector_load %arg8[%get3A_1584] {strides = array<i32>} : memref<512xi32, #tpu.memory_space<vmem>>, vector<16xi32>,
      %and3A_1586 = arith.constant 15 : i32
      %and3A_1587 = arith.andi %add3A_1564, %and3A_1586 : i32
      %eq3A_1588 = vector.broadcast %and3A_1587 : i32 to vector<16xi32>
      %eq3A_1589 = arith.cmpi eq, %iota3A, %eq3A_1588 : vector<16xi32>
      %jit3A_1590 = arith.constant 0 : i32
      %broadcast_in_dim3A_1591 = vector.broadcast %jit3A_1590 : i32 to vector<16xi32>
      %select_n3A_1592 = arith.select %eq3A_1589, %get3A_1585, %broadcast_in_dim3A_1591 : vector<16xi1>, vector<16xi32>
      %reduce_sum3A_1593 = arith.constant true
      %reduce_sum3A_1594 = vector.broadcast %reduce_sum3A_1593 : i1 to vector<16xi1>
      %reduce_sum3A_1595 = tpu.scan <sum>, %select_n3A_1592 masked %reduce_sum3A_1594 : vector<16xi32>, vector<16xi1> -> vector<16xi32>
      %reduce_sum3A_1596 = vector.extract %reduce_sum3A_1595[15] : i32 from vector<16xi32>
      %and3A_1597 = arith.constant 127 : i32
      %and3A_1598 = arith.andi %reduce_sum3A_1596, %and3A_1597 : i32
      %broadcast_in_dim3A_1599 = vector.broadcast %and3A_1598 : i32 to vector<16xi32>
      %add3A_1600 = arith.constant 0 : i32
      %add3A_1601 = vector.broadcast %add3A_1600 : i32 to vector<16xi32>
      %add3A_1602 = arith.addi %iota3A, %add3A_1601 : vector<16xi32>
      %gather3A_1603 = arith.constant 5 : i32
      %gather3A_1604 = arith.constant 0 : i32
      %gather3A_1605 = arith.constant 0 : i32
      %gather3A_1606 = tpu.memref_slice %arg10[%gather3A_1603, %gather3A_1604, %gather3A_1605] : memref<8x64x128xf32, #tpu.memory_space<vmem>> -> memref<1x64x128xf32, #tpu.memory_space<vmem>>
      %gather3A_1607 = tpu.memref_squeeze %gather3A_1606 : memref<1x64x128xf32, #tpu.memory_space<vmem>> -> memref<64x128xf32, #tpu.memory_space<vmem>>
      %gather3A_1608 = tpu.vector_load_idx %gather3A_1607[%add3A_1602, %broadcast_in_dim3A_1599] : memref<64x128xf32, #tpu.memory_space<vmem>>[vector<16xi32>, vector<16xi32>], vector<16xf32>,
      %and3A_1609 = arith.constant 255 : i32
      %and3A_1610 = arith.andi %add3A_1564, %and3A_1609 : i32
      %swap3A_1611 = arith.index_cast %and3A_1610 : i32 to index
      %swap3A_1612 = arith.constant 0 : index
      %swap3A_1613 = tpu.vector_load %arg11[%swap3A_1611, %swap3A_1612] {strides = array<i32>} : memref<256x64xf32, #tpu.memory_space<vmem>>, vector<16xf32>,
      tpu.vector_store %arg11[%swap3A_1611, %swap3A_1612], %gather3A_1608 {strides = array<i32>} : memref<256x64xf32, #tpu.memory_space<vmem>>, vector<16xf32>,
      %add3A_1614 = arith.constant 16 : i32
      %add3A_1615 = vector.broadcast %add3A_1614 : i32 to vector<16xi32>
      %add3A_1616 = arith.addi %iota3A, %add3A_1615 : vector<16xi32>
      %gather3A_1617 = arith.constant 5 : i32
      %gather3A_1618 = arith.constant 0 : i32
      %gather3A_1619 = arith.constant 0 : i32
      %gather3A_1620 = tpu.memref_slice %arg10[%gather3A_1617, %gather3A_1618, %gather3A_1619] : memref<8x64x128xf32, #tpu.memory_space<vmem>> -> memref<1x64x128xf32, #tpu.memory_space<vmem>>
      %gather3A_1621 = tpu.memref_squeeze %gather3A_1620 : memref<1x64x128xf32, #tpu.memory_space<vmem>> -> memref<64x128xf32, #tpu.memory_space<vmem>>
      %gather3A_1622 = tpu.vector_load_idx %gather3A_1621[%add3A_1616, %broadcast_in_dim3A_1599] : memref<64x128xf32, #tpu.memory_space<vmem>>[vector<16xi32>, vector<16xi32>], vector<16xf32>,
      %and3A_1623 = arith.constant 255 : i32
      %and3A_1624 = arith.andi %add3A_1564, %and3A_1623 : i32
      %swap3A_1625 = arith.index_cast %and3A_1624 : i32 to index
      %swap3A_1626 = arith.constant 16 : index
      %swap3A_1627 = tpu.vector_load %arg11[%swap3A_1625, %swap3A_1626] {strides = array<i32>} : memref<256x64xf32, #tpu.memory_space<vmem>>, vector<16xf32>,
      tpu.vector_store %arg11[%swap3A_1625, %swap3A_1626], %gather3A_1622 {strides = array<i32>} : memref<256x64xf32, #tpu.memory_space<vmem>>, vector<16xf32>,
      %add3A_1628 = arith.constant 32 : i32
      %add3A_1629 = vector.broadcast %add3A_1628 : i32 to vector<16xi32>
      %add3A_1630 = arith.addi %iota3A, %add3A_1629 : vector<16xi32>
      %gather3A_1631 = arith.constant 5 : i32
      %gather3A_1632 = arith.constant 0 : i32
      %gather3A_1633 = arith.constant 0 : i32
      %gather3A_1634 = tpu.memref_slice %arg10[%gather3A_1631, %gather3A_1632, %gather3A_1633] : memref<8x64x128xf32, #tpu.memory_space<vmem>> -> memref<1x64x128xf32, #tpu.memory_space<vmem>>
      %gather3A_1635 = tpu.memref_squeeze %gather3A_1634 : memref<1x64x128xf32, #tpu.memory_space<vmem>> -> memref<64x128xf32, #tpu.memory_space<vmem>>
      %gather3A_1636 = tpu.vector_load_idx %gather3A_1635[%add3A_1630, %broadcast_in_dim3A_1599] : memref<64x128xf32, #tpu.memory_space<vmem>>[vector<16xi32>, vector<16xi32>], vector<16xf32>,
      %and3A_1637 = arith.constant 255 : i32
      %and3A_1638 = arith.andi %add3A_1564, %and3A_1637 : i32
      %swap3A_1639 = arith.index_cast %and3A_1638 : i32 to index
      %swap3A_1640 = arith.constant 32 : index
      %swap3A_1641 = tpu.vector_load %arg11[%swap3A_1639, %swap3A_1640] {strides = array<i32>} : memref<256x64xf32, #tpu.memory_space<vmem>>, vector<16xf32>,
      tpu.vector_store %arg11[%swap3A_1639, %swap3A_1640], %gather3A_1636 {strides = array<i32>} : memref<256x64xf32, #tpu.memory_space<vmem>>, vector<16xf32>,
      %add3A_1642 = arith.constant 48 : i32
      %add3A_1643 = vector.broadcast %add3A_1642 : i32 to vector<16xi32>
      %add3A_1644 = arith.addi %iota3A, %add3A_1643 : vector<16xi32>
      %gather3A_1645 = arith.constant 5 : i32
      %gather3A_1646 = arith.constant 0 : i32
      %gather3A_1647 = arith.constant 0 : i32
      %gather3A_1648 = tpu.memref_slice %arg10[%gather3A_1645, %gather3A_1646, %gather3A_1647] : memref<8x64x128xf32, #tpu.memory_space<vmem>> -> memref<1x64x128xf32, #tpu.memory_space<vmem>>
      %gather3A_1649 = tpu.memref_squeeze %gather3A_1648 : memref<1x64x128xf32, #tpu.memory_space<vmem>> -> memref<64x128xf32, #tpu.memory_space<vmem>>
      %gather3A_1650 = tpu.vector_load_idx %gather3A_1649[%add3A_1644, %broadcast_in_dim3A_1599] : memref<64x128xf32, #tpu.memory_space<vmem>>[vector<16xi32>, vector<16xi32>], vector<16xf32>,
      %and3A_1651 = arith.constant 255 : i32
      %and3A_1652 = arith.andi %add3A_1564, %and3A_1651 : i32
      %swap3A_1653 = arith.index_cast %and3A_1652 : i32 to index
      %swap3A_1654 = arith.constant 48 : index
      %swap3A_1655 = tpu.vector_load %arg11[%swap3A_1653, %swap3A_1654] {strides = array<i32>} : memref<256x64xf32, #tpu.memory_space<vmem>>, vector<16xf32>,
      tpu.vector_store %arg11[%swap3A_1653, %swap3A_1654], %gather3A_1650 {strides = array<i32>} : memref<256x64xf32, #tpu.memory_space<vmem>>, vector<16xf32>,
      %add3A_1656 = arith.constant 8 : i32
      %add3A_1657 = arith.addi %add3A_1564, %add3A_1656 : i32
      %shift_right_arithmetic3A_1658 = arith.constant 4 : i32
      %shift_right_arithmetic3A_1659 = arith.shrsi %add3A_1657, %shift_right_arithmetic3A_1658 : i32
      %shift_left3A_1660 = arith.constant 4 : i32
      %shift_left3A_1661 = arith.shli %shift_right_arithmetic3A_1659, %shift_left3A_1660 : i32
      %get3A_1662 = arith.index_cast %shift_left3A_1661 : i32 to index
      %get3A_1663 = tpu.vector_load %arg8[%get3A_1662] {strides = array<i32>} : memref<512xi32, #tpu.memory_space<vmem>>, vector<16xi32>,
      %and3A_1664 = arith.constant 15 : i32
      %and3A_1665 = arith.andi %add3A_1657, %and3A_1664 : i32
      %eq3A_1666 = vector.broadcast %and3A_1665 : i32 to vector<16xi32>
      %eq3A_1667 = arith.cmpi eq, %iota3A, %eq3A_1666 : vector<16xi32>
      %jit3A_1668 = arith.constant 0 : i32
      %broadcast_in_dim3A_1669 = vector.broadcast %jit3A_1668 : i32 to vector<16xi32>
      %select_n3A_1670 = arith.select %eq3A_1667, %get3A_1663, %broadcast_in_dim3A_1669 : vector<16xi1>, vector<16xi32>
      %reduce_sum3A_1671 = arith.constant true
      %reduce_sum3A_1672 = vector.broadcast %reduce_sum3A_1671 : i1 to vector<16xi1>
      %reduce_sum3A_1673 = tpu.scan <sum>, %select_n3A_1670 masked %reduce_sum3A_1672 : vector<16xi32>, vector<16xi1> -> vector<16xi32>
      %reduce_sum3A_1674 = vector.extract %reduce_sum3A_1673[15] : i32 from vector<16xi32>
      %shift_right_arithmetic3A_1675 = arith.constant 7 : i32
      %shift_right_arithmetic3A_1676 = arith.shrsi %reduce_sum3A_1674, %shift_right_arithmetic3A_1675 : i32
      %mul3A_1677 = arith.constant 128 : i32
      %mul3A_1678 = arith.muli %shift_right_arithmetic3A_1676, %mul3A_1677 : i32
      %multiple_of3A_1679 = tpu.assume_multiple %mul3A_1678, 128 : i32
      %dma_start3A_1680 = arith.constant 5 : i32
      %dma_start3A_1681 = arith.constant 0 : i32
      %dma_start3A_1682 = arith.constant 0 : i32
      %dma_start3A_1683 = tpu.memref_slice %arg10[%dma_start3A_1680, %dma_start3A_1681, %dma_start3A_1682] : memref<8x64x128xf32, #tpu.memory_space<vmem>> -> memref<1x64x128xf32, #tpu.memory_space<vmem>>
      %dma_start3A_1684 = tpu.memref_squeeze %dma_start3A_1683 : memref<1x64x128xf32, #tpu.memory_space<vmem>> -> memref<64x128xf32, #tpu.memory_space<vmem>>
      %dma_start3A_1685 = arith.constant 0 : i32
      %dma_start3A_1686 = tpu.memref_slice %arg2[%dma_start3A_1685, %multiple_of3A_1679] : memref<64x1000000xf32, #tpu.memory_space<hbm>> -> memref<64x128xf32, #tpu.memory_space<hbm>>
      %dma_start3A_1687 = arith.constant 0 : i32
      %dma_start3A_1688 = arith.constant 0 : i32
      %dma_start3A_1689 = tpu.memref_slice %arg10[%dma_start3A_1680, %dma_start3A_1687, %dma_start3A_1688] : memref<8x64x128xf32, #tpu.memory_space<vmem>> -> memref<1x64x128xf32, #tpu.memory_space<vmem>>
      %dma_start3A_1690 = tpu.memref_squeeze %dma_start3A_1689 : memref<1x64x128xf32, #tpu.memory_space<vmem>> -> memref<64x128xf32, #tpu.memory_space<vmem>>
      %dma_start3A_1691 = arith.constant 0 : i32
      %dma_start3A_1692 = tpu.memref_slice %arg2[%dma_start3A_1691, %multiple_of3A_1679] : memref<64x1000000xf32, #tpu.memory_space<hbm>> -> memref<64x128xf32, #tpu.memory_space<hbm>>
      tpu.enqueue_dma source(%dma_start3A_1692 : memref<64x128xf32, #tpu.memory_space<hbm>>) target(%dma_start3A_1690 : memref<64x128xf32, #tpu.memory_space<vmem>>) target_semaphore(%arg19 : memref<!tpu.dma_semaphore, #tpu.memory_space<semaphore_mem>>)
      %mul3A_1693 = arith.constant 8 : i32
      %mul3A_1694 = arith.muli %add3A_901, %mul3A_1693 : i32
      %add3A_1695 = arith.constant 6 : i32
      %add3A_1696 = arith.addi %mul3A_1694, %add3A_1695 : i32
      %dma_wait3A_1697 = arith.constant 6 : i32
      %dma_wait3A_1698 = arith.constant 0 : i32
      %dma_wait3A_1699 = arith.constant 0 : i32
      %dma_wait3A_1700 = tpu.memref_slice %arg10[%dma_wait3A_1697, %dma_wait3A_1698, %dma_wait3A_1699] : memref<8x64x128xf32, #tpu.memory_space<vmem>> -> memref<1x64x128xf32, #tpu.memory_space<vmem>>
      %dma_wait3A_1701 = tpu.memref_squeeze %dma_wait3A_1700 : memref<1x64x128xf32, #tpu.memory_space<vmem>> -> memref<64x128xf32, #tpu.memory_space<vmem>>
      %dma_wait3A_1702 = arith.constant 0 : i32
      %dma_wait3A_1703 = arith.constant 0 : i32
      %dma_wait3A_1704 = tpu.memref_slice %arg2[%dma_wait3A_1702, %dma_wait3A_1703] : memref<64x1000000xf32, #tpu.memory_space<hbm>> -> memref<64x128xf32, #tpu.memory_space<hbm>>
      %dma_wait3A_1705 = arith.constant 0 : i32
      %dma_wait3A_1706 = arith.constant 0 : i32
      %dma_wait3A_1707 = tpu.memref_slice %arg10[%dma_wait3A_1697, %dma_wait3A_1705, %dma_wait3A_1706] : memref<8x64x128xf32, #tpu.memory_space<vmem>> -> memref<1x64x128xf32, #tpu.memory_space<vmem>>
      %dma_wait3A_1708 = tpu.memref_squeeze %dma_wait3A_1707 : memref<1x64x128xf32, #tpu.memory_space<vmem>> -> memref<64x128xf32, #tpu.memory_space<vmem>>
      %dma_wait3A_1709 = arith.constant 0 : i32
      %dma_wait3A_1710 = arith.constant 0 : i32
      %dma_wait3A_1711 = tpu.memref_slice %arg2[%dma_wait3A_1709, %dma_wait3A_1710] : memref<64x1000000xf32, #tpu.memory_space<hbm>> -> memref<64x128xf32, #tpu.memory_space<hbm>>
      tpu.wait_dma2 semaphore(%arg20 : memref<!tpu.dma_semaphore, #tpu.memory_space<semaphore_mem>>) src(%dma_wait3A_1711 : memref<64x128xf32, #tpu.memory_space<hbm>>) dst(%dma_wait3A_1708 : memref<64x128xf32, #tpu.memory_space<vmem>>)
      %shift_right_arithmetic3A_1712 = arith.constant 4 : i32
      %shift_right_arithmetic3A_1713 = arith.shrsi %add3A_1696, %shift_right_arithmetic3A_1712 : i32
      %shift_left3A_1714 = arith.constant 4 : i32
      %shift_left3A_1715 = arith.shli %shift_right_arithmetic3A_1713, %shift_left3A_1714 : i32
      %get3A_1716 = arith.index_cast %shift_left3A_1715 : i32 to index
      %get3A_1717 = tpu.vector_load %arg8[%get3A_1716] {strides = array<i32>} : memref<512xi32, #tpu.memory_space<vmem>>, vector<16xi32>,
      %and3A_1718 = arith.constant 15 : i32
      %and3A_1719 = arith.andi %add3A_1696, %and3A_1718 : i32
      %eq3A_1720 = vector.broadcast %and3A_1719 : i32 to vector<16xi32>
      %eq3A_1721 = arith.cmpi eq, %iota3A, %eq3A_1720 : vector<16xi32>
      %jit3A_1722 = arith.constant 0 : i32
      %broadcast_in_dim3A_1723 = vector.broadcast %jit3A_1722 : i32 to vector<16xi32>
      %select_n3A_1724 = arith.select %eq3A_1721, %get3A_1717, %broadcast_in_dim3A_1723 : vector<16xi1>, vector<16xi32>
      %reduce_sum3A_1725 = arith.constant true
      %reduce_sum3A_1726 = vector.broadcast %reduce_sum3A_1725 : i1 to vector<16xi1>
      %reduce_sum3A_1727 = tpu.scan <sum>, %select_n3A_1724 masked %reduce_sum3A_1726 : vector<16xi32>, vector<16xi1> -> vector<16xi32>
      %reduce_sum3A_1728 = vector.extract %reduce_sum3A_1727[15] : i32 from vector<16xi32>
      %and3A_1729 = arith.constant 127 : i32
      %and3A_1730 = arith.andi %reduce_sum3A_1728, %and3A_1729 : i32
      %broadcast_in_dim3A_1731 = vector.broadcast %and3A_1730 : i32 to vector<16xi32>
      %add3A_1732 = arith.constant 0 : i32
      %add3A_1733 = vector.broadcast %add3A_1732 : i32 to vector<16xi32>
      %add3A_1734 = arith.addi %iota3A, %add3A_1733 : vector<16xi32>
      %gather3A_1735 = arith.constant 6 : i32
      %gather3A_1736 = arith.constant 0 : i32
      %gather3A_1737 = arith.constant 0 : i32
      %gather3A_1738 = tpu.memref_slice %arg10[%gather3A_1735, %gather3A_1736, %gather3A_1737] : memref<8x64x128xf32, #tpu.memory_space<vmem>> -> memref<1x64x128xf32, #tpu.memory_space<vmem>>
      %gather3A_1739 = tpu.memref_squeeze %gather3A_1738 : memref<1x64x128xf32, #tpu.memory_space<vmem>> -> memref<64x128xf32, #tpu.memory_space<vmem>>
      %gather3A_1740 = tpu.vector_load_idx %gather3A_1739[%add3A_1734, %broadcast_in_dim3A_1731] : memref<64x128xf32, #tpu.memory_space<vmem>>[vector<16xi32>, vector<16xi32>], vector<16xf32>,
      %and3A_1741 = arith.constant 255 : i32
      %and3A_1742 = arith.andi %add3A_1696, %and3A_1741 : i32
      %swap3A_1743 = arith.index_cast %and3A_1742 : i32 to index
      %swap3A_1744 = arith.constant 0 : index
      %swap3A_1745 = tpu.vector_load %arg11[%swap3A_1743, %swap3A_1744] {strides = array<i32>} : memref<256x64xf32, #tpu.memory_space<vmem>>, vector<16xf32>,
      tpu.vector_store %arg11[%swap3A_1743, %swap3A_1744], %gather3A_1740 {strides = array<i32>} : memref<256x64xf32, #tpu.memory_space<vmem>>, vector<16xf32>,
      %add3A_1746 = arith.constant 16 : i32
      %add3A_1747 = vector.broadcast %add3A_1746 : i32 to vector<16xi32>
      %add3A_1748 = arith.addi %iota3A, %add3A_1747 : vector<16xi32>
      %gather3A_1749 = arith.constant 6 : i32
      %gather3A_1750 = arith.constant 0 : i32
      %gather3A_1751 = arith.constant 0 : i32
      %gather3A_1752 = tpu.memref_slice %arg10[%gather3A_1749, %gather3A_1750, %gather3A_1751] : memref<8x64x128xf32, #tpu.memory_space<vmem>> -> memref<1x64x128xf32, #tpu.memory_space<vmem>>
      %gather3A_1753 = tpu.memref_squeeze %gather3A_1752 : memref<1x64x128xf32, #tpu.memory_space<vmem>> -> memref<64x128xf32, #tpu.memory_space<vmem>>
      %gather3A_1754 = tpu.vector_load_idx %gather3A_1753[%add3A_1748, %broadcast_in_dim3A_1731] : memref<64x128xf32, #tpu.memory_space<vmem>>[vector<16xi32>, vector<16xi32>], vector<16xf32>,
      %and3A_1755 = arith.constant 255 : i32
      %and3A_1756 = arith.andi %add3A_1696, %and3A_1755 : i32
      %swap3A_1757 = arith.index_cast %and3A_1756 : i32 to index
      %swap3A_1758 = arith.constant 16 : index
      %swap3A_1759 = tpu.vector_load %arg11[%swap3A_1757, %swap3A_1758] {strides = array<i32>} : memref<256x64xf32, #tpu.memory_space<vmem>>, vector<16xf32>,
      tpu.vector_store %arg11[%swap3A_1757, %swap3A_1758], %gather3A_1754 {strides = array<i32>} : memref<256x64xf32, #tpu.memory_space<vmem>>, vector<16xf32>,
      %add3A_1760 = arith.constant 32 : i32
      %add3A_1761 = vector.broadcast %add3A_1760 : i32 to vector<16xi32>
      %add3A_1762 = arith.addi %iota3A, %add3A_1761 : vector<16xi32>
      %gather3A_1763 = arith.constant 6 : i32
      %gather3A_1764 = arith.constant 0 : i32
      %gather3A_1765 = arith.constant 0 : i32
      %gather3A_1766 = tpu.memref_slice %arg10[%gather3A_1763, %gather3A_1764, %gather3A_1765] : memref<8x64x128xf32, #tpu.memory_space<vmem>> -> memref<1x64x128xf32, #tpu.memory_space<vmem>>
      %gather3A_1767 = tpu.memref_squeeze %gather3A_1766 : memref<1x64x128xf32, #tpu.memory_space<vmem>> -> memref<64x128xf32, #tpu.memory_space<vmem>>
      %gather3A_1768 = tpu.vector_load_idx %gather3A_1767[%add3A_1762, %broadcast_in_dim3A_1731] : memref<64x128xf32, #tpu.memory_space<vmem>>[vector<16xi32>, vector<16xi32>], vector<16xf32>,
      %and3A_1769 = arith.constant 255 : i32
      %and3A_1770 = arith.andi %add3A_1696, %and3A_1769 : i32
      %swap3A_1771 = arith.index_cast %and3A_1770 : i32 to index
      %swap3A_1772 = arith.constant 32 : index
      %swap3A_1773 = tpu.vector_load %arg11[%swap3A_1771, %swap3A_1772] {strides = array<i32>} : memref<256x64xf32, #tpu.memory_space<vmem>>, vector<16xf32>,
      tpu.vector_store %arg11[%swap3A_1771, %swap3A_1772], %gather3A_1768 {strides = array<i32>} : memref<256x64xf32, #tpu.memory_space<vmem>>, vector<16xf32>,
      %add3A_1774 = arith.constant 48 : i32
      %add3A_1775 = vector.broadcast %add3A_1774 : i32 to vector<16xi32>
      %add3A_1776 = arith.addi %iota3A, %add3A_1775 : vector<16xi32>
      %gather3A_1777 = arith.constant 6 : i32
      %gather3A_1778 = arith.constant 0 : i32
      %gather3A_1779 = arith.constant 0 : i32
      %gather3A_1780 = tpu.memref_slice %arg10[%gather3A_1777, %gather3A_1778, %gather3A_1779] : memref<8x64x128xf32, #tpu.memory_space<vmem>> -> memref<1x64x128xf32, #tpu.memory_space<vmem>>
      %gather3A_1781 = tpu.memref_squeeze %gather3A_1780 : memref<1x64x128xf32, #tpu.memory_space<vmem>> -> memref<64x128xf32, #tpu.memory_space<vmem>>
      %gather3A_1782 = tpu.vector_load_idx %gather3A_1781[%add3A_1776, %broadcast_in_dim3A_1731] : memref<64x128xf32, #tpu.memory_space<vmem>>[vector<16xi32>, vector<16xi32>], vector<16xf32>,
      %and3A_1783 = arith.constant 255 : i32
      %and3A_1784 = arith.andi %add3A_1696, %and3A_1783 : i32
      %swap3A_1785 = arith.index_cast %and3A_1784 : i32 to index
      %swap3A_1786 = arith.constant 48 : index
      %swap3A_1787 = tpu.vector_load %arg11[%swap3A_1785, %swap3A_1786] {strides = array<i32>} : memref<256x64xf32, #tpu.memory_space<vmem>>, vector<16xf32>,
      tpu.vector_store %arg11[%swap3A_1785, %swap3A_1786], %gather3A_1782 {strides = array<i32>} : memref<256x64xf32, #tpu.memory_space<vmem>>, vector<16xf32>,
      %add3A_1788 = arith.constant 8 : i32
      %add3A_1789 = arith.addi %add3A_1696, %add3A_1788 : i32
      %shift_right_arithmetic3A_1790 = arith.constant 4 : i32
      %shift_right_arithmetic3A_1791 = arith.shrsi %add3A_1789, %shift_right_arithmetic3A_1790 : i32
      %shift_left3A_1792 = arith.constant 4 : i32
      %shift_left3A_1793 = arith.shli %shift_right_arithmetic3A_1791, %shift_left3A_1792 : i32
      %get3A_1794 = arith.index_cast %shift_left3A_1793 : i32 to index
      %get3A_1795 = tpu.vector_load %arg8[%get3A_1794] {strides = array<i32>} : memref<512xi32, #tpu.memory_space<vmem>>, vector<16xi32>,
      %and3A_1796 = arith.constant 15 : i32
      %and3A_1797 = arith.andi %add3A_1789, %and3A_1796 : i32
      %eq3A_1798 = vector.broadcast %and3A_1797 : i32 to vector<16xi32>
      %eq3A_1799 = arith.cmpi eq, %iota3A, %eq3A_1798 : vector<16xi32>
      %jit3A_1800 = arith.constant 0 : i32
      %broadcast_in_dim3A_1801 = vector.broadcast %jit3A_1800 : i32 to vector<16xi32>
      %select_n3A_1802 = arith.select %eq3A_1799, %get3A_1795, %broadcast_in_dim3A_1801 : vector<16xi1>, vector<16xi32>
      %reduce_sum3A_1803 = arith.constant true
      %reduce_sum3A_1804 = vector.broadcast %reduce_sum3A_1803 : i1 to vector<16xi1>
      %reduce_sum3A_1805 = tpu.scan <sum>, %select_n3A_1802 masked %reduce_sum3A_1804 : vector<16xi32>, vector<16xi1> -> vector<16xi32>
      %reduce_sum3A_1806 = vector.extract %reduce_sum3A_1805[15] : i32 from vector<16xi32>
      %shift_right_arithmetic3A_1807 = arith.constant 7 : i32
      %shift_right_arithmetic3A_1808 = arith.shrsi %reduce_sum3A_1806, %shift_right_arithmetic3A_1807 : i32
      %mul3A_1809 = arith.constant 128 : i32
      %mul3A_1810 = arith.muli %shift_right_arithmetic3A_1808, %mul3A_1809 : i32
      %multiple_of3A_1811 = tpu.assume_multiple %mul3A_1810, 128 : i32
      %dma_start3A_1812 = arith.constant 6 : i32
      %dma_start3A_1813 = arith.constant 0 : i32
      %dma_start3A_1814 = arith.constant 0 : i32
      %dma_start3A_1815 = tpu.memref_slice %arg10[%dma_start3A_1812, %dma_start3A_1813, %dma_start3A_1814] : memref<8x64x128xf32, #tpu.memory_space<vmem>> -> memref<1x64x128xf32, #tpu.memory_space<vmem>>
      %dma_start3A_1816 = tpu.memref_squeeze %dma_start3A_1815 : memref<1x64x128xf32, #tpu.memory_space<vmem>> -> memref<64x128xf32, #tpu.memory_space<vmem>>
      %dma_start3A_1817 = arith.constant 0 : i32
      %dma_start3A_1818 = tpu.memref_slice %arg2[%dma_start3A_1817, %multiple_of3A_1811] : memref<64x1000000xf32, #tpu.memory_space<hbm>> -> memref<64x128xf32, #tpu.memory_space<hbm>>
      %dma_start3A_1819 = arith.constant 0 : i32
      %dma_start3A_1820 = arith.constant 0 : i32
      %dma_start3A_1821 = tpu.memref_slice %arg10[%dma_start3A_1812, %dma_start3A_1819, %dma_start3A_1820] : memref<8x64x128xf32, #tpu.memory_space<vmem>> -> memref<1x64x128xf32, #tpu.memory_space<vmem>>
      %dma_start3A_1822 = tpu.memref_squeeze %dma_start3A_1821 : memref<1x64x128xf32, #tpu.memory_space<vmem>> -> memref<64x128xf32, #tpu.memory_space<vmem>>
      %dma_start3A_1823 = arith.constant 0 : i32
      %dma_start3A_1824 = tpu.memref_slice %arg2[%dma_start3A_1823, %multiple_of3A_1811] : memref<64x1000000xf32, #tpu.memory_space<hbm>> -> memref<64x128xf32, #tpu.memory_space<hbm>>
      tpu.enqueue_dma source(%dma_start3A_1824 : memref<64x128xf32, #tpu.memory_space<hbm>>) target(%dma_start3A_1822 : memref<64x128xf32, #tpu.memory_space<vmem>>) target_semaphore(%arg20 : memref<!tpu.dma_semaphore, #tpu.memory_space<semaphore_mem>>)
      %mul3A_1825 = arith.constant 8 : i32
      %mul3A_1826 = arith.muli %add3A_901, %mul3A_1825 : i32
      %add3A_1827 = arith.constant 7 : i32
      %add3A_1828 = arith.addi %mul3A_1826, %add3A_1827 : i32
      %dma_wait3A_1829 = arith.constant 7 : i32
      %dma_wait3A_1830 = arith.constant 0 : i32
      %dma_wait3A_1831 = arith.constant 0 : i32
      %dma_wait3A_1832 = tpu.memref_slice %arg10[%dma_wait3A_1829, %dma_wait3A_1830, %dma_wait3A_1831] : memref<8x64x128xf32, #tpu.memory_space<vmem>> -> memref<1x64x128xf32, #tpu.memory_space<vmem>>
      %dma_wait3A_1833 = tpu.memref_squeeze %dma_wait3A_1832 : memref<1x64x128xf32, #tpu.memory_space<vmem>> -> memref<64x128xf32, #tpu.memory_space<vmem>>
      %dma_wait3A_1834 = arith.constant 0 : i32
      %dma_wait3A_1835 = arith.constant 0 : i32
      %dma_wait3A_1836 = tpu.memref_slice %arg2[%dma_wait3A_1834, %dma_wait3A_1835] : memref<64x1000000xf32, #tpu.memory_space<hbm>> -> memref<64x128xf32, #tpu.memory_space<hbm>>
      %dma_wait3A_1837 = arith.constant 0 : i32
      %dma_wait3A_1838 = arith.constant 0 : i32
      %dma_wait3A_1839 = tpu.memref_slice %arg10[%dma_wait3A_1829, %dma_wait3A_1837, %dma_wait3A_1838] : memref<8x64x128xf32, #tpu.memory_space<vmem>> -> memref<1x64x128xf32, #tpu.memory_space<vmem>>
      %dma_wait3A_1840 = tpu.memref_squeeze %dma_wait3A_1839 : memref<1x64x128xf32, #tpu.memory_space<vmem>> -> memref<64x128xf32, #tpu.memory_space<vmem>>
      %dma_wait3A_1841 = arith.constant 0 : i32
      %dma_wait3A_1842 = arith.constant 0 : i32
      %dma_wait3A_1843 = tpu.memref_slice %arg2[%dma_wait3A_1841, %dma_wait3A_1842] : memref<64x1000000xf32, #tpu.memory_space<hbm>> -> memref<64x128xf32, #tpu.memory_space<hbm>>
      tpu.wait_dma2 semaphore(%arg21 : memref<!tpu.dma_semaphore, #tpu.memory_space<semaphore_mem>>) src(%dma_wait3A_1843 : memref<64x128xf32, #tpu.memory_space<hbm>>) dst(%dma_wait3A_1840 : memref<64x128xf32, #tpu.memory_space<vmem>>)
      %shift_right_arithmetic3A_1844 = arith.constant 4 : i32
      %shift_right_arithmetic3A_1845 = arith.shrsi %add3A_1828, %shift_right_arithmetic3A_1844 : i32
      %shift_left3A_1846 = arith.constant 4 : i32
      %shift_left3A_1847 = arith.shli %shift_right_arithmetic3A_1845, %shift_left3A_1846 : i32
      %get3A_1848 = arith.index_cast %shift_left3A_1847 : i32 to index
      %get3A_1849 = tpu.vector_load %arg8[%get3A_1848] {strides = array<i32>} : memref<512xi32, #tpu.memory_space<vmem>>, vector<16xi32>,
      %and3A_1850 = arith.constant 15 : i32
      %and3A_1851 = arith.andi %add3A_1828, %and3A_1850 : i32
      %eq3A_1852 = vector.broadcast %and3A_1851 : i32 to vector<16xi32>
      %eq3A_1853 = arith.cmpi eq, %iota3A, %eq3A_1852 : vector<16xi32>
      %jit3A_1854 = arith.constant 0 : i32
      %broadcast_in_dim3A_1855 = vector.broadcast %jit3A_1854 : i32 to vector<16xi32>
      %select_n3A_1856 = arith.select %eq3A_1853, %get3A_1849, %broadcast_in_dim3A_1855 : vector<16xi1>, vector<16xi32>
      %reduce_sum3A_1857 = arith.constant true
      %reduce_sum3A_1858 = vector.broadcast %reduce_sum3A_1857 : i1 to vector<16xi1>
      %reduce_sum3A_1859 = tpu.scan <sum>, %select_n3A_1856 masked %reduce_sum3A_1858 : vector<16xi32>, vector<16xi1> -> vector<16xi32>
      %reduce_sum3A_1860 = vector.extract %reduce_sum3A_1859[15] : i32 from vector<16xi32>
      %and3A_1861 = arith.constant 127 : i32
      %and3A_1862 = arith.andi %reduce_sum3A_1860, %and3A_1861 : i32
      %broadcast_in_dim3A_1863 = vector.broadcast %and3A_1862 : i32 to vector<16xi32>
      %add3A_1864 = arith.constant 0 : i32
      %add3A_1865 = vector.broadcast %add3A_1864 : i32 to vector<16xi32>
      %add3A_1866 = arith.addi %iota3A, %add3A_1865 : vector<16xi32>
      %gather3A_1867 = arith.constant 7 : i32
      %gather3A_1868 = arith.constant 0 : i32
      %gather3A_1869 = arith.constant 0 : i32
      %gather3A_1870 = tpu.memref_slice %arg10[%gather3A_1867, %gather3A_1868, %gather3A_1869] : memref<8x64x128xf32, #tpu.memory_space<vmem>> -> memref<1x64x128xf32, #tpu.memory_space<vmem>>
      %gather3A_1871 = tpu.memref_squeeze %gather3A_1870 : memref<1x64x128xf32, #tpu.memory_space<vmem>> -> memref<64x128xf32, #tpu.memory_space<vmem>>
      %gather3A_1872 = tpu.vector_load_idx %gather3A_1871[%add3A_1866, %broadcast_in_dim3A_1863] : memref<64x128xf32, #tpu.memory_space<vmem>>[vector<16xi32>, vector<16xi32>], vector<16xf32>,
      %and3A_1873 = arith.constant 255 : i32
      %and3A_1874 = arith.andi %add3A_1828, %and3A_1873 : i32
      %swap3A_1875 = arith.index_cast %and3A_1874 : i32 to index
      %swap3A_1876 = arith.constant 0 : index
      %swap3A_1877 = tpu.vector_load %arg11[%swap3A_1875, %swap3A_1876] {strides = array<i32>} : memref<256x64xf32, #tpu.memory_space<vmem>>, vector<16xf32>,
      tpu.vector_store %arg11[%swap3A_1875, %swap3A_1876], %gather3A_1872 {strides = array<i32>} : memref<256x64xf32, #tpu.memory_space<vmem>>, vector<16xf32>,
      %add3A_1878 = arith.constant 16 : i32
      %add3A_1879 = vector.broadcast %add3A_1878 : i32 to vector<16xi32>
      %add3A_1880 = arith.addi %iota3A, %add3A_1879 : vector<16xi32>
      %gather3A_1881 = arith.constant 7 : i32
      %gather3A_1882 = arith.constant 0 : i32
      %gather3A_1883 = arith.constant 0 : i32
      %gather3A_1884 = tpu.memref_slice %arg10[%gather3A_1881, %gather3A_1882, %gather3A_1883] : memref<8x64x128xf32, #tpu.memory_space<vmem>> -> memref<1x64x128xf32, #tpu.memory_space<vmem>>
      %gather3A_1885 = tpu.memref_squeeze %gather3A_1884 : memref<1x64x128xf32, #tpu.memory_space<vmem>> -> memref<64x128xf32, #tpu.memory_space<vmem>>
      %gather3A_1886 = tpu.vector_load_idx %gather3A_1885[%add3A_1880, %broadcast_in_dim3A_1863] : memref<64x128xf32, #tpu.memory_space<vmem>>[vector<16xi32>, vector<16xi32>], vector<16xf32>,
      %and3A_1887 = arith.constant 255 : i32
      %and3A_1888 = arith.andi %add3A_1828, %and3A_1887 : i32
      %swap3A_1889 = arith.index_cast %and3A_1888 : i32 to index
      %swap3A_1890 = arith.constant 16 : index
      %swap3A_1891 = tpu.vector_load %arg11[%swap3A_1889, %swap3A_1890] {strides = array<i32>} : memref<256x64xf32, #tpu.memory_space<vmem>>, vector<16xf32>,
      tpu.vector_store %arg11[%swap3A_1889, %swap3A_1890], %gather3A_1886 {strides = array<i32>} : memref<256x64xf32, #tpu.memory_space<vmem>>, vector<16xf32>,
      %add3A_1892 = arith.constant 32 : i32
      %add3A_1893 = vector.broadcast %add3A_1892 : i32 to vector<16xi32>
      %add3A_1894 = arith.addi %iota3A, %add3A_1893 : vector<16xi32>
      %gather3A_1895 = arith.constant 7 : i32
      %gather3A_1896 = arith.constant 0 : i32
      %gather3A_1897 = arith.constant 0 : i32
      %gather3A_1898 = tpu.memref_slice %arg10[%gather3A_1895, %gather3A_1896, %gather3A_1897] : memref<8x64x128xf32, #tpu.memory_space<vmem>> -> memref<1x64x128xf32, #tpu.memory_space<vmem>>
      %gather3A_1899 = tpu.memref_squeeze %gather3A_1898 : memref<1x64x128xf32, #tpu.memory_space<vmem>> -> memref<64x128xf32, #tpu.memory_space<vmem>>
      %gather3A_1900 = tpu.vector_load_idx %gather3A_1899[%add3A_1894, %broadcast_in_dim3A_1863] : memref<64x128xf32, #tpu.memory_space<vmem>>[vector<16xi32>, vector<16xi32>], vector<16xf32>,
      %and3A_1901 = arith.constant 255 : i32
      %and3A_1902 = arith.andi %add3A_1828, %and3A_1901 : i32
      %swap3A_1903 = arith.index_cast %and3A_1902 : i32 to index
      %swap3A_1904 = arith.constant 32 : index
      %swap3A_1905 = tpu.vector_load %arg11[%swap3A_1903, %swap3A_1904] {strides = array<i32>} : memref<256x64xf32, #tpu.memory_space<vmem>>, vector<16xf32>,
      tpu.vector_store %arg11[%swap3A_1903, %swap3A_1904], %gather3A_1900 {strides = array<i32>} : memref<256x64xf32, #tpu.memory_space<vmem>>, vector<16xf32>,
      %add3A_1906 = arith.constant 48 : i32
      %add3A_1907 = vector.broadcast %add3A_1906 : i32 to vector<16xi32>
      %add3A_1908 = arith.addi %iota3A, %add3A_1907 : vector<16xi32>
      %gather3A_1909 = arith.constant 7 : i32
      %gather3A_1910 = arith.constant 0 : i32
      %gather3A_1911 = arith.constant 0 : i32
      %gather3A_1912 = tpu.memref_slice %arg10[%gather3A_1909, %gather3A_1910, %gather3A_1911] : memref<8x64x128xf32, #tpu.memory_space<vmem>> -> memref<1x64x128xf32, #tpu.memory_space<vmem>>
      %gather3A_1913 = tpu.memref_squeeze %gather3A_1912 : memref<1x64x128xf32, #tpu.memory_space<vmem>> -> memref<64x128xf32, #tpu.memory_space<vmem>>
      %gather3A_1914 = tpu.vector_load_idx %gather3A_1913[%add3A_1908, %broadcast_in_dim3A_1863] : memref<64x128xf32, #tpu.memory_space<vmem>>[vector<16xi32>, vector<16xi32>], vector<16xf32>,
      %and3A_1915 = arith.constant 255 : i32
      %and3A_1916 = arith.andi %add3A_1828, %and3A_1915 : i32
      %swap3A_1917 = arith.index_cast %and3A_1916 : i32 to index
      %swap3A_1918 = arith.constant 48 : index
      %swap3A_1919 = tpu.vector_load %arg11[%swap3A_1917, %swap3A_1918] {strides = array<i32>} : memref<256x64xf32, #tpu.memory_space<vmem>>, vector<16xf32>,
      tpu.vector_store %arg11[%swap3A_1917, %swap3A_1918], %gather3A_1914 {strides = array<i32>} : memref<256x64xf32, #tpu.memory_space<vmem>>, vector<16xf32>,
      %add3A_1920 = arith.constant 8 : i32
      %add3A_1921 = arith.addi %add3A_1828, %add3A_1920 : i32
      %shift_right_arithmetic3A_1922 = arith.constant 4 : i32
      %shift_right_arithmetic3A_1923 = arith.shrsi %add3A_1921, %shift_right_arithmetic3A_1922 : i32
      %shift_left3A_1924 = arith.constant 4 : i32
      %shift_left3A_1925 = arith.shli %shift_right_arithmetic3A_1923, %shift_left3A_1924 : i32
      %get3A_1926 = arith.index_cast %shift_left3A_1925 : i32 to index
      %get3A_1927 = tpu.vector_load %arg8[%get3A_1926] {strides = array<i32>} : memref<512xi32, #tpu.memory_space<vmem>>, vector<16xi32>,
      %and3A_1928 = arith.constant 15 : i32
      %and3A_1929 = arith.andi %add3A_1921, %and3A_1928 : i32
      %eq3A_1930 = vector.broadcast %and3A_1929 : i32 to vector<16xi32>
      %eq3A_1931 = arith.cmpi eq, %iota3A, %eq3A_1930 : vector<16xi32>
      %jit3A_1932 = arith.constant 0 : i32
      %broadcast_in_dim3A_1933 = vector.broadcast %jit3A_1932 : i32 to vector<16xi32>
      %select_n3A_1934 = arith.select %eq3A_1931, %get3A_1927, %broadcast_in_dim3A_1933 : vector<16xi1>, vector<16xi32>
      %reduce_sum3A_1935 = arith.constant true
      %reduce_sum3A_1936 = vector.broadcast %reduce_sum3A_1935 : i1 to vector<16xi1>
      %reduce_sum3A_1937 = tpu.scan <sum>, %select_n3A_1934 masked %reduce_sum3A_1936 : vector<16xi32>, vector<16xi1> -> vector<16xi32>
      %reduce_sum3A_1938 = vector.extract %reduce_sum3A_1937[15] : i32 from vector<16xi32>
      %shift_right_arithmetic3A_1939 = arith.constant 7 : i32
      %shift_right_arithmetic3A_1940 = arith.shrsi %reduce_sum3A_1938, %shift_right_arithmetic3A_1939 : i32
      %mul3A_1941 = arith.constant 128 : i32
      %mul3A_1942 = arith.muli %shift_right_arithmetic3A_1940, %mul3A_1941 : i32
      %multiple_of3A_1943 = tpu.assume_multiple %mul3A_1942, 128 : i32
      %dma_start3A_1944 = arith.constant 7 : i32
      %dma_start3A_1945 = arith.constant 0 : i32
      %dma_start3A_1946 = arith.constant 0 : i32
      %dma_start3A_1947 = tpu.memref_slice %arg10[%dma_start3A_1944, %dma_start3A_1945, %dma_start3A_1946] : memref<8x64x128xf32, #tpu.memory_space<vmem>> -> memref<1x64x128xf32, #tpu.memory_space<vmem>>
      %dma_start3A_1948 = tpu.memref_squeeze %dma_start3A_1947 : memref<1x64x128xf32, #tpu.memory_space<vmem>> -> memref<64x128xf32, #tpu.memory_space<vmem>>
      %dma_start3A_1949 = arith.constant 0 : i32
      %dma_start3A_1950 = tpu.memref_slice %arg2[%dma_start3A_1949, %multiple_of3A_1943] : memref<64x1000000xf32, #tpu.memory_space<hbm>> -> memref<64x128xf32, #tpu.memory_space<hbm>>
      %dma_start3A_1951 = arith.constant 0 : i32
      %dma_start3A_1952 = arith.constant 0 : i32
      %dma_start3A_1953 = tpu.memref_slice %arg10[%dma_start3A_1944, %dma_start3A_1951, %dma_start3A_1952] : memref<8x64x128xf32, #tpu.memory_space<vmem>> -> memref<1x64x128xf32, #tpu.memory_space<vmem>>
      %dma_start3A_1954 = tpu.memref_squeeze %dma_start3A_1953 : memref<1x64x128xf32, #tpu.memory_space<vmem>> -> memref<64x128xf32, #tpu.memory_space<vmem>>
      %dma_start3A_1955 = arith.constant 0 : i32
      %dma_start3A_1956 = tpu.memref_slice %arg2[%dma_start3A_1955, %multiple_of3A_1943] : memref<64x1000000xf32, #tpu.memory_space<hbm>> -> memref<64x128xf32, #tpu.memory_space<hbm>>
      tpu.enqueue_dma source(%dma_start3A_1956 : memref<64x128xf32, #tpu.memory_space<hbm>>) target(%dma_start3A_1954 : memref<64x128xf32, #tpu.memory_space<vmem>>) target_semaphore(%arg21 : memref<!tpu.dma_semaphore, #tpu.memory_space<semaphore_mem>>)
      %eq3A_1957 = arith.constant 31 : i32
      %eq3A_1958 = arith.cmpi eq, %add3A_901, %eq3A_1957 : i32
      %convert_element_type3A = arith.extui %eq3A_1958 : i1 to i32
      %cond3A = arith.constant 0 : i32
      %cond3A_1959 = arith.cmpi ne, %convert_element_type3A, %cond3A : i32
      scf.if %cond3A_1959 {
        "tpu.region"() ({
          %run_scoped3A = tpu.sem_alloc : memref<!tpu.dma_semaphore, #tpu.memory_space<semaphore_mem>>
          %dma_start3A_1960 = arith.constant 0 : i32
          %dma_start3A_1961 = tpu.memref_slice %arg6[%mul3A_2, %dma_start3A_1960] : memref<16384x64xf32, #tpu.memory_space<hbm>> -> memref<256x64xf32, #tpu.memory_space<hbm>>
          %dma_start3A_1962 = arith.constant 0 : i32
          %dma_start3A_1963 = tpu.memref_slice %arg6[%mul3A_2, %dma_start3A_1962] : memref<16384x64xf32, #tpu.memory_space<hbm>> -> memref<256x64xf32, #tpu.memory_space<hbm>>
          tpu.enqueue_dma source(%arg11 : memref<256x64xf32, #tpu.memory_space<vmem>>) target(%dma_start3A_1963 : memref<256x64xf32, #tpu.memory_space<hbm>>) target_semaphore(%run_scoped3A : memref<!tpu.dma_semaphore, #tpu.memory_space<semaphore_mem>>)
          %dma_wait3A_1964 = arith.constant 0 : i32
          %dma_wait3A_1965 = tpu.memref_slice %arg6[%mul3A_2, %dma_wait3A_1964] : memref<16384x64xf32, #tpu.memory_space<hbm>> -> memref<256x64xf32, #tpu.memory_space<hbm>>
          %dma_wait3A_1966 = arith.constant 0 : i32
          %dma_wait3A_1967 = tpu.memref_slice %arg6[%mul3A_2, %dma_wait3A_1966] : memref<16384x64xf32, #tpu.memory_space<hbm>> -> memref<256x64xf32, #tpu.memory_space<hbm>>
          tpu.wait_dma2 semaphore(%run_scoped3A : memref<!tpu.dma_semaphore, #tpu.memory_space<semaphore_mem>>) src(%arg11 : memref<256x64xf32, #tpu.memory_space<vmem>>) dst(%dma_wait3A_1967 : memref<256x64xf32, #tpu.memory_space<hbm>>)
          tpu.yield
        }) : () -> ()
      } else {
      }
    }
    %scan3A_242 = arith.constant 63 : i32
    %dma_wait3A = arith.constant 0 : i32
    %dma_wait3A_243 = arith.constant 0 : i32
    %dma_wait3A_244 = arith.constant 0 : i32
    %dma_wait3A_245 = tpu.memref_slice %arg10[%dma_wait3A, %dma_wait3A_243, %dma_wait3A_244] : memref<8x64x128xf32, #tpu.memory_space<vmem>> -> memref<1x64x128xf32, #tpu.memory_space<vmem>>
    %dma_wait3A_246 = tpu.memref_squeeze %dma_wait3A_245 : memref<1x64x128xf32, #tpu.memory_space<vmem>> -> memref<64x128xf32, #tpu.memory_space<vmem>>
    %dma_wait3A_247 = arith.constant 0 : i32
    %dma_wait3A_248 = arith.constant 0 : i32
    %dma_wait3A_249 = tpu.memref_slice %arg2[%dma_wait3A_247, %dma_wait3A_248] : memref<64x1000000xf32, #tpu.memory_space<hbm>> -> memref<64x128xf32, #tpu.memory_space<hbm>>
    %dma_wait3A_250 = arith.constant 0 : i32
    %dma_wait3A_251 = arith.constant 0 : i32
    %dma_wait3A_252 = tpu.memref_slice %arg10[%dma_wait3A, %dma_wait3A_250, %dma_wait3A_251] : memref<8x64x128xf32, #tpu.memory_space<vmem>> -> memref<1x64x128xf32, #tpu.memory_space<vmem>>
    %dma_wait3A_253 = tpu.memref_squeeze %dma_wait3A_252 : memref<1x64x128xf32, #tpu.memory_space<vmem>> -> memref<64x128xf32, #tpu.memory_space<vmem>>
    %dma_wait3A_254 = arith.constant 0 : i32
    %dma_wait3A_255 = arith.constant 0 : i32
    %dma_wait3A_256 = tpu.memref_slice %arg2[%dma_wait3A_254, %dma_wait3A_255] : memref<64x1000000xf32, #tpu.memory_space<hbm>> -> memref<64x128xf32, #tpu.memory_space<hbm>>
    tpu.wait_dma2 semaphore(%arg14 : memref<!tpu.dma_semaphore, #tpu.memory_space<semaphore_mem>>) src(%dma_wait3A_256 : memref<64x128xf32, #tpu.memory_space<hbm>>) dst(%dma_wait3A_253 : memref<64x128xf32, #tpu.memory_space<vmem>>)
    %get3A_257 = arith.constant 496 : index
    %get3A_258 = tpu.vector_load %arg8[%get3A_257] {strides = array<i32>} : memref<512xi32, #tpu.memory_space<vmem>>, vector<16xi32>,
    %eq3A_259 = arith.constant 8 : i32
    %eq3A_260 = vector.broadcast %eq3A_259 : i32 to vector<16xi32>
    %eq3A_261 = arith.cmpi eq, %iota3A, %eq3A_260 : vector<16xi32>
    %jit3A_262 = arith.constant 0 : i32
    %broadcast_in_dim3A_263 = vector.broadcast %jit3A_262 : i32 to vector<16xi32>
    %select_n3A_264 = arith.select %eq3A_261, %get3A_258, %broadcast_in_dim3A_263 : vector<16xi1>, vector<16xi32>
    %reduce_sum3A_265 = arith.constant true
    %reduce_sum3A_266 = vector.broadcast %reduce_sum3A_265 : i1 to vector<16xi1>
    %reduce_sum3A_267 = tpu.scan <sum>, %select_n3A_264 masked %reduce_sum3A_266 : vector<16xi32>, vector<16xi1> -> vector<16xi32>
    %reduce_sum3A_268 = vector.extract %reduce_sum3A_267[15] : i32 from vector<16xi32>
    %and3A = arith.constant 127 : i32
    %and3A_269 = arith.andi %reduce_sum3A_268, %and3A : i32
    %broadcast_in_dim3A_270 = vector.broadcast %and3A_269 : i32 to vector<16xi32>
    %add3A_271 = arith.constant 0 : i32
    %add3A_272 = vector.broadcast %add3A_271 : i32 to vector<16xi32>
    %add3A_273 = arith.addi %iota3A, %add3A_272 : vector<16xi32>
    %gather3A = arith.constant 0 : i32
    %gather3A_274 = arith.constant 0 : i32
    %gather3A_275 = arith.constant 0 : i32
    %gather3A_276 = tpu.memref_slice %arg10[%gather3A, %gather3A_274, %gather3A_275] : memref<8x64x128xf32, #tpu.memory_space<vmem>> -> memref<1x64x128xf32, #tpu.memory_space<vmem>>
    %gather3A_277 = tpu.memref_squeeze %gather3A_276 : memref<1x64x128xf32, #tpu.memory_space<vmem>> -> memref<64x128xf32, #tpu.memory_space<vmem>>
    %gather3A_278 = tpu.vector_load_idx %gather3A_277[%add3A_273, %broadcast_in_dim3A_270] : memref<64x128xf32, #tpu.memory_space<vmem>>[vector<16xi32>, vector<16xi32>], vector<16xf32>,
    %swap3A = arith.constant 248 : i32
    %swap3A_279 = arith.index_cast %swap3A : i32 to index
    %swap3A_280 = arith.constant 0 : index
    %swap3A_281 = tpu.vector_load %arg11[%swap3A_279, %swap3A_280] {strides = array<i32>} : memref<256x64xf32, #tpu.memory_space<vmem>>, vector<16xf32>,
    tpu.vector_store %arg11[%swap3A_279, %swap3A_280], %gather3A_278 {strides = array<i32>} : memref<256x64xf32, #tpu.memory_space<vmem>>, vector<16xf32>,
    %add3A_282 = arith.constant 16 : i32
    %add3A_283 = vector.broadcast %add3A_282 : i32 to vector<16xi32>
    %add3A_284 = arith.addi %iota3A, %add3A_283 : vector<16xi32>
    %gather3A_285 = arith.constant 0 : i32
    %gather3A_286 = arith.constant 0 : i32
    %gather3A_287 = arith.constant 0 : i32
    %gather3A_288 = tpu.memref_slice %arg10[%gather3A_285, %gather3A_286, %gather3A_287] : memref<8x64x128xf32, #tpu.memory_space<vmem>> -> memref<1x64x128xf32, #tpu.memory_space<vmem>>
    %gather3A_289 = tpu.memref_squeeze %gather3A_288 : memref<1x64x128xf32, #tpu.memory_space<vmem>> -> memref<64x128xf32, #tpu.memory_space<vmem>>
    %gather3A_290 = tpu.vector_load_idx %gather3A_289[%add3A_284, %broadcast_in_dim3A_270] : memref<64x128xf32, #tpu.memory_space<vmem>>[vector<16xi32>, vector<16xi32>], vector<16xf32>,
    %swap3A_291 = arith.constant 248 : i32
    %swap3A_292 = arith.index_cast %swap3A_291 : i32 to index
    %swap3A_293 = arith.constant 16 : index
    %swap3A_294 = tpu.vector_load %arg11[%swap3A_292, %swap3A_293] {strides = array<i32>} : memref<256x64xf32, #tpu.memory_space<vmem>>, vector<16xf32>,
    tpu.vector_store %arg11[%swap3A_292, %swap3A_293], %gather3A_290 {strides = array<i32>} : memref<256x64xf32, #tpu.memory_space<vmem>>, vector<16xf32>,
    %add3A_295 = arith.constant 32 : i32
    %add3A_296 = vector.broadcast %add3A_295 : i32 to vector<16xi32>
    %add3A_297 = arith.addi %iota3A, %add3A_296 : vector<16xi32>
    %gather3A_298 = arith.constant 0 : i32
    %gather3A_299 = arith.constant 0 : i32
    %gather3A_300 = arith.constant 0 : i32
    %gather3A_301 = tpu.memref_slice %arg10[%gather3A_298, %gather3A_299, %gather3A_300] : memref<8x64x128xf32, #tpu.memory_space<vmem>> -> memref<1x64x128xf32, #tpu.memory_space<vmem>>
    %gather3A_302 = tpu.memref_squeeze %gather3A_301 : memref<1x64x128xf32, #tpu.memory_space<vmem>> -> memref<64x128xf32, #tpu.memory_space<vmem>>
    %gather3A_303 = tpu.vector_load_idx %gather3A_302[%add3A_297, %broadcast_in_dim3A_270] : memref<64x128xf32, #tpu.memory_space<vmem>>[vector<16xi32>, vector<16xi32>], vector<16xf32>,
    %swap3A_304 = arith.constant 248 : i32
    %swap3A_305 = arith.index_cast %swap3A_304 : i32 to index
    %swap3A_306 = arith.constant 32 : index
    %swap3A_307 = tpu.vector_load %arg11[%swap3A_305, %swap3A_306] {strides = array<i32>} : memref<256x64xf32, #tpu.memory_space<vmem>>, vector<16xf32>,
    tpu.vector_store %arg11[%swap3A_305, %swap3A_306], %gather3A_303 {strides = array<i32>} : memref<256x64xf32, #tpu.memory_space<vmem>>, vector<16xf32>,
    %add3A_308 = arith.constant 48 : i32
    %add3A_309 = vector.broadcast %add3A_308 : i32 to vector<16xi32>
    %add3A_310 = arith.addi %iota3A, %add3A_309 : vector<16xi32>
    %gather3A_311 = arith.constant 0 : i32
    %gather3A_312 = arith.constant 0 : i32
    %gather3A_313 = arith.constant 0 : i32
    %gather3A_314 = tpu.memref_slice %arg10[%gather3A_311, %gather3A_312, %gather3A_313] : memref<8x64x128xf32, #tpu.memory_space<vmem>> -> memref<1x64x128xf32, #tpu.memory_space<vmem>>
    %gather3A_315 = tpu.memref_squeeze %gather3A_314 : memref<1x64x128xf32, #tpu.memory_space<vmem>> -> memref<64x128xf32, #tpu.memory_space<vmem>>
    %gather3A_316 = tpu.vector_load_idx %gather3A_315[%add3A_310, %broadcast_in_dim3A_270] : memref<64x128xf32, #tpu.memory_space<vmem>>[vector<16xi32>, vector<16xi32>], vector<16xf32>,
    %swap3A_317 = arith.constant 248 : i32
    %swap3A_318 = arith.index_cast %swap3A_317 : i32 to index
    %swap3A_319 = arith.constant 48 : index
    %swap3A_320 = tpu.vector_load %arg11[%swap3A_318, %swap3A_319] {strides = array<i32>} : memref<256x64xf32, #tpu.memory_space<vmem>>, vector<16xf32>,
    tpu.vector_store %arg11[%swap3A_318, %swap3A_319], %gather3A_316 {strides = array<i32>} : memref<256x64xf32, #tpu.memory_space<vmem>>, vector<16xf32>,
    %dma_wait3A_321 = arith.constant 1 : i32
    %dma_wait3A_322 = arith.constant 0 : i32
    %dma_wait3A_323 = arith.constant 0 : i32
    %dma_wait3A_324 = tpu.memref_slice %arg10[%dma_wait3A_321, %dma_wait3A_322, %dma_wait3A_323] : memref<8x64x128xf32, #tpu.memory_space<vmem>> -> memref<1x64x128xf32, #tpu.memory_space<vmem>>
    %dma_wait3A_325 = tpu.memref_squeeze %dma_wait3A_324 : memref<1x64x128xf32, #tpu.memory_space<vmem>> -> memref<64x128xf32, #tpu.memory_space<vmem>>
    %dma_wait3A_326 = arith.constant 0 : i32
    %dma_wait3A_327 = arith.constant 0 : i32
    %dma_wait3A_328 = tpu.memref_slice %arg2[%dma_wait3A_326, %dma_wait3A_327] : memref<64x1000000xf32, #tpu.memory_space<hbm>> -> memref<64x128xf32, #tpu.memory_space<hbm>>
    %dma_wait3A_329 = arith.constant 0 : i32
    %dma_wait3A_330 = arith.constant 0 : i32
    %dma_wait3A_331 = tpu.memref_slice %arg10[%dma_wait3A_321, %dma_wait3A_329, %dma_wait3A_330] : memref<8x64x128xf32, #tpu.memory_space<vmem>> -> memref<1x64x128xf32, #tpu.memory_space<vmem>>
    %dma_wait3A_332 = tpu.memref_squeeze %dma_wait3A_331 : memref<1x64x128xf32, #tpu.memory_space<vmem>> -> memref<64x128xf32, #tpu.memory_space<vmem>>
    %dma_wait3A_333 = arith.constant 0 : i32
    %dma_wait3A_334 = arith.constant 0 : i32
    %dma_wait3A_335 = tpu.memref_slice %arg2[%dma_wait3A_333, %dma_wait3A_334] : memref<64x1000000xf32, #tpu.memory_space<hbm>> -> memref<64x128xf32, #tpu.memory_space<hbm>>
    tpu.wait_dma2 semaphore(%arg15 : memref<!tpu.dma_semaphore, #tpu.memory_space<semaphore_mem>>) src(%dma_wait3A_335 : memref<64x128xf32, #tpu.memory_space<hbm>>) dst(%dma_wait3A_332 : memref<64x128xf32, #tpu.memory_space<vmem>>)
    %get3A_336 = arith.constant 496 : index
    %get3A_337 = tpu.vector_load %arg8[%get3A_336] {strides = array<i32>} : memref<512xi32, #tpu.memory_space<vmem>>, vector<16xi32>,
    %eq3A_338 = arith.constant 9 : i32
    %eq3A_339 = vector.broadcast %eq3A_338 : i32 to vector<16xi32>
    %eq3A_340 = arith.cmpi eq, %iota3A, %eq3A_339 : vector<16xi32>
    %jit3A_341 = arith.constant 0 : i32
    %broadcast_in_dim3A_342 = vector.broadcast %jit3A_341 : i32 to vector<16xi32>
    %select_n3A_343 = arith.select %eq3A_340, %get3A_337, %broadcast_in_dim3A_342 : vector<16xi1>, vector<16xi32>
    %reduce_sum3A_344 = arith.constant true
    %reduce_sum3A_345 = vector.broadcast %reduce_sum3A_344 : i1 to vector<16xi1>
    %reduce_sum3A_346 = tpu.scan <sum>, %select_n3A_343 masked %reduce_sum3A_345 : vector<16xi32>, vector<16xi1> -> vector<16xi32>
    %reduce_sum3A_347 = vector.extract %reduce_sum3A_346[15] : i32 from vector<16xi32>
    %and3A_348 = arith.constant 127 : i32
    %and3A_349 = arith.andi %reduce_sum3A_347, %and3A_348 : i32
    %broadcast_in_dim3A_350 = vector.broadcast %and3A_349 : i32 to vector<16xi32>
    %add3A_351 = arith.constant 0 : i32
    %add3A_352 = vector.broadcast %add3A_351 : i32 to vector<16xi32>
    %add3A_353 = arith.addi %iota3A, %add3A_352 : vector<16xi32>
    %gather3A_354 = arith.constant 1 : i32
    %gather3A_355 = arith.constant 0 : i32
    %gather3A_356 = arith.constant 0 : i32
    %gather3A_357 = tpu.memref_slice %arg10[%gather3A_354, %gather3A_355, %gather3A_356] : memref<8x64x128xf32, #tpu.memory_space<vmem>> -> memref<1x64x128xf32, #tpu.memory_space<vmem>>
    %gather3A_358 = tpu.memref_squeeze %gather3A_357 : memref<1x64x128xf32, #tpu.memory_space<vmem>> -> memref<64x128xf32, #tpu.memory_space<vmem>>
    %gather3A_359 = tpu.vector_load_idx %gather3A_358[%add3A_353, %broadcast_in_dim3A_350] : memref<64x128xf32, #tpu.memory_space<vmem>>[vector<16xi32>, vector<16xi32>], vector<16xf32>,
    %swap3A_360 = arith.constant 249 : i32
    %swap3A_361 = arith.index_cast %swap3A_360 : i32 to index
    %swap3A_362 = arith.constant 0 : index
    %swap3A_363 = tpu.vector_load %arg11[%swap3A_361, %swap3A_362] {strides = array<i32>} : memref<256x64xf32, #tpu.memory_space<vmem>>, vector<16xf32>,
    tpu.vector_store %arg11[%swap3A_361, %swap3A_362], %gather3A_359 {strides = array<i32>} : memref<256x64xf32, #tpu.memory_space<vmem>>, vector<16xf32>,
    %add3A_364 = arith.constant 16 : i32
    %add3A_365 = vector.broadcast %add3A_364 : i32 to vector<16xi32>
    %add3A_366 = arith.addi %iota3A, %add3A_365 : vector<16xi32>
    %gather3A_367 = arith.constant 1 : i32
    %gather3A_368 = arith.constant 0 : i32
    %gather3A_369 = arith.constant 0 : i32
    %gather3A_370 = tpu.memref_slice %arg10[%gather3A_367, %gather3A_368, %gather3A_369] : memref<8x64x128xf32, #tpu.memory_space<vmem>> -> memref<1x64x128xf32, #tpu.memory_space<vmem>>
    %gather3A_371 = tpu.memref_squeeze %gather3A_370 : memref<1x64x128xf32, #tpu.memory_space<vmem>> -> memref<64x128xf32, #tpu.memory_space<vmem>>
    %gather3A_372 = tpu.vector_load_idx %gather3A_371[%add3A_366, %broadcast_in_dim3A_350] : memref<64x128xf32, #tpu.memory_space<vmem>>[vector<16xi32>, vector<16xi32>], vector<16xf32>,
    %swap3A_373 = arith.constant 249 : i32
    %swap3A_374 = arith.index_cast %swap3A_373 : i32 to index
    %swap3A_375 = arith.constant 16 : index
    %swap3A_376 = tpu.vector_load %arg11[%swap3A_374, %swap3A_375] {strides = array<i32>} : memref<256x64xf32, #tpu.memory_space<vmem>>, vector<16xf32>,
    tpu.vector_store %arg11[%swap3A_374, %swap3A_375], %gather3A_372 {strides = array<i32>} : memref<256x64xf32, #tpu.memory_space<vmem>>, vector<16xf32>,
    %add3A_377 = arith.constant 32 : i32
    %add3A_378 = vector.broadcast %add3A_377 : i32 to vector<16xi32>
    %add3A_379 = arith.addi %iota3A, %add3A_378 : vector<16xi32>
    %gather3A_380 = arith.constant 1 : i32
    %gather3A_381 = arith.constant 0 : i32
    %gather3A_382 = arith.constant 0 : i32
    %gather3A_383 = tpu.memref_slice %arg10[%gather3A_380, %gather3A_381, %gather3A_382] : memref<8x64x128xf32, #tpu.memory_space<vmem>> -> memref<1x64x128xf32, #tpu.memory_space<vmem>>
    %gather3A_384 = tpu.memref_squeeze %gather3A_383 : memref<1x64x128xf32, #tpu.memory_space<vmem>> -> memref<64x128xf32, #tpu.memory_space<vmem>>
    %gather3A_385 = tpu.vector_load_idx %gather3A_384[%add3A_379, %broadcast_in_dim3A_350] : memref<64x128xf32, #tpu.memory_space<vmem>>[vector<16xi32>, vector<16xi32>], vector<16xf32>,
    %swap3A_386 = arith.constant 249 : i32
    %swap3A_387 = arith.index_cast %swap3A_386 : i32 to index
    %swap3A_388 = arith.constant 32 : index
    %swap3A_389 = tpu.vector_load %arg11[%swap3A_387, %swap3A_388] {strides = array<i32>} : memref<256x64xf32, #tpu.memory_space<vmem>>, vector<16xf32>,
    tpu.vector_store %arg11[%swap3A_387, %swap3A_388], %gather3A_385 {strides = array<i32>} : memref<256x64xf32, #tpu.memory_space<vmem>>, vector<16xf32>,
    %add3A_390 = arith.constant 48 : i32
    %add3A_391 = vector.broadcast %add3A_390 : i32 to vector<16xi32>
    %add3A_392 = arith.addi %iota3A, %add3A_391 : vector<16xi32>
    %gather3A_393 = arith.constant 1 : i32
    %gather3A_394 = arith.constant 0 : i32
    %gather3A_395 = arith.constant 0 : i32
    %gather3A_396 = tpu.memref_slice %arg10[%gather3A_393, %gather3A_394, %gather3A_395] : memref<8x64x128xf32, #tpu.memory_space<vmem>> -> memref<1x64x128xf32, #tpu.memory_space<vmem>>
    %gather3A_397 = tpu.memref_squeeze %gather3A_396 : memref<1x64x128xf32, #tpu.memory_space<vmem>> -> memref<64x128xf32, #tpu.memory_space<vmem>>
    %gather3A_398 = tpu.vector_load_idx %gather3A_397[%add3A_392, %broadcast_in_dim3A_350] : memref<64x128xf32, #tpu.memory_space<vmem>>[vector<16xi32>, vector<16xi32>], vector<16xf32>,
    %swap3A_399 = arith.constant 249 : i32
    %swap3A_400 = arith.index_cast %swap3A_399 : i32 to index
    %swap3A_401 = arith.constant 48 : index
    %swap3A_402 = tpu.vector_load %arg11[%swap3A_400, %swap3A_401] {strides = array<i32>} : memref<256x64xf32, #tpu.memory_space<vmem>>, vector<16xf32>,
    tpu.vector_store %arg11[%swap3A_400, %swap3A_401], %gather3A_398 {strides = array<i32>} : memref<256x64xf32, #tpu.memory_space<vmem>>, vector<16xf32>,
    %dma_wait3A_403 = arith.constant 2 : i32
    %dma_wait3A_404 = arith.constant 0 : i32
    %dma_wait3A_405 = arith.constant 0 : i32
    %dma_wait3A_406 = tpu.memref_slice %arg10[%dma_wait3A_403, %dma_wait3A_404, %dma_wait3A_405] : memref<8x64x128xf32, #tpu.memory_space<vmem>> -> memref<1x64x128xf32, #tpu.memory_space<vmem>>
    %dma_wait3A_407 = tpu.memref_squeeze %dma_wait3A_406 : memref<1x64x128xf32, #tpu.memory_space<vmem>> -> memref<64x128xf32, #tpu.memory_space<vmem>>
    %dma_wait3A_408 = arith.constant 0 : i32
    %dma_wait3A_409 = arith.constant 0 : i32
    %dma_wait3A_410 = tpu.memref_slice %arg2[%dma_wait3A_408, %dma_wait3A_409] : memref<64x1000000xf32, #tpu.memory_space<hbm>> -> memref<64x128xf32, #tpu.memory_space<hbm>>
    %dma_wait3A_411 = arith.constant 0 : i32
    %dma_wait3A_412 = arith.constant 0 : i32
    %dma_wait3A_413 = tpu.memref_slice %arg10[%dma_wait3A_403, %dma_wait3A_411, %dma_wait3A_412] : memref<8x64x128xf32, #tpu.memory_space<vmem>> -> memref<1x64x128xf32, #tpu.memory_space<vmem>>
    %dma_wait3A_414 = tpu.memref_squeeze %dma_wait3A_413 : memref<1x64x128xf32, #tpu.memory_space<vmem>> -> memref<64x128xf32, #tpu.memory_space<vmem>>
    %dma_wait3A_415 = arith.constant 0 : i32
    %dma_wait3A_416 = arith.constant 0 : i32
    %dma_wait3A_417 = tpu.memref_slice %arg2[%dma_wait3A_415, %dma_wait3A_416] : memref<64x1000000xf32, #tpu.memory_space<hbm>> -> memref<64x128xf32, #tpu.memory_space<hbm>>
    tpu.wait_dma2 semaphore(%arg16 : memref<!tpu.dma_semaphore, #tpu.memory_space<semaphore_mem>>) src(%dma_wait3A_417 : memref<64x128xf32, #tpu.memory_space<hbm>>) dst(%dma_wait3A_414 : memref<64x128xf32, #tpu.memory_space<vmem>>)
    %get3A_418 = arith.constant 496 : index
    %get3A_419 = tpu.vector_load %arg8[%get3A_418] {strides = array<i32>} : memref<512xi32, #tpu.memory_space<vmem>>, vector<16xi32>,
    %eq3A_420 = arith.constant 10 : i32
    %eq3A_421 = vector.broadcast %eq3A_420 : i32 to vector<16xi32>
    %eq3A_422 = arith.cmpi eq, %iota3A, %eq3A_421 : vector<16xi32>
    %jit3A_423 = arith.constant 0 : i32
    %broadcast_in_dim3A_424 = vector.broadcast %jit3A_423 : i32 to vector<16xi32>
    %select_n3A_425 = arith.select %eq3A_422, %get3A_419, %broadcast_in_dim3A_424 : vector<16xi1>, vector<16xi32>
    %reduce_sum3A_426 = arith.constant true
    %reduce_sum3A_427 = vector.broadcast %reduce_sum3A_426 : i1 to vector<16xi1>
    %reduce_sum3A_428 = tpu.scan <sum>, %select_n3A_425 masked %reduce_sum3A_427 : vector<16xi32>, vector<16xi1> -> vector<16xi32>
    %reduce_sum3A_429 = vector.extract %reduce_sum3A_428[15] : i32 from vector<16xi32>
    %and3A_430 = arith.constant 127 : i32
    %and3A_431 = arith.andi %reduce_sum3A_429, %and3A_430 : i32
    %broadcast_in_dim3A_432 = vector.broadcast %and3A_431 : i32 to vector<16xi32>
    %add3A_433 = arith.constant 0 : i32
    %add3A_434 = vector.broadcast %add3A_433 : i32 to vector<16xi32>
    %add3A_435 = arith.addi %iota3A, %add3A_434 : vector<16xi32>
    %gather3A_436 = arith.constant 2 : i32
    %gather3A_437 = arith.constant 0 : i32
    %gather3A_438 = arith.constant 0 : i32
    %gather3A_439 = tpu.memref_slice %arg10[%gather3A_436, %gather3A_437, %gather3A_438] : memref<8x64x128xf32, #tpu.memory_space<vmem>> -> memref<1x64x128xf32, #tpu.memory_space<vmem>>
    %gather3A_440 = tpu.memref_squeeze %gather3A_439 : memref<1x64x128xf32, #tpu.memory_space<vmem>> -> memref<64x128xf32, #tpu.memory_space<vmem>>
    %gather3A_441 = tpu.vector_load_idx %gather3A_440[%add3A_435, %broadcast_in_dim3A_432] : memref<64x128xf32, #tpu.memory_space<vmem>>[vector<16xi32>, vector<16xi32>], vector<16xf32>,
    %swap3A_442 = arith.constant 250 : i32
    %swap3A_443 = arith.index_cast %swap3A_442 : i32 to index
    %swap3A_444 = arith.constant 0 : index
    %swap3A_445 = tpu.vector_load %arg11[%swap3A_443, %swap3A_444] {strides = array<i32>} : memref<256x64xf32, #tpu.memory_space<vmem>>, vector<16xf32>,
    tpu.vector_store %arg11[%swap3A_443, %swap3A_444], %gather3A_441 {strides = array<i32>} : memref<256x64xf32, #tpu.memory_space<vmem>>, vector<16xf32>,
    %add3A_446 = arith.constant 16 : i32
    %add3A_447 = vector.broadcast %add3A_446 : i32 to vector<16xi32>
    %add3A_448 = arith.addi %iota3A, %add3A_447 : vector<16xi32>
    %gather3A_449 = arith.constant 2 : i32
    %gather3A_450 = arith.constant 0 : i32
    %gather3A_451 = arith.constant 0 : i32
    %gather3A_452 = tpu.memref_slice %arg10[%gather3A_449, %gather3A_450, %gather3A_451] : memref<8x64x128xf32, #tpu.memory_space<vmem>> -> memref<1x64x128xf32, #tpu.memory_space<vmem>>
    %gather3A_453 = tpu.memref_squeeze %gather3A_452 : memref<1x64x128xf32, #tpu.memory_space<vmem>> -> memref<64x128xf32, #tpu.memory_space<vmem>>
    %gather3A_454 = tpu.vector_load_idx %gather3A_453[%add3A_448, %broadcast_in_dim3A_432] : memref<64x128xf32, #tpu.memory_space<vmem>>[vector<16xi32>, vector<16xi32>], vector<16xf32>,
    %swap3A_455 = arith.constant 250 : i32
    %swap3A_456 = arith.index_cast %swap3A_455 : i32 to index
    %swap3A_457 = arith.constant 16 : index
    %swap3A_458 = tpu.vector_load %arg11[%swap3A_456, %swap3A_457] {strides = array<i32>} : memref<256x64xf32, #tpu.memory_space<vmem>>, vector<16xf32>,
    tpu.vector_store %arg11[%swap3A_456, %swap3A_457], %gather3A_454 {strides = array<i32>} : memref<256x64xf32, #tpu.memory_space<vmem>>, vector<16xf32>,
    %add3A_459 = arith.constant 32 : i32
    %add3A_460 = vector.broadcast %add3A_459 : i32 to vector<16xi32>
    %add3A_461 = arith.addi %iota3A, %add3A_460 : vector<16xi32>
    %gather3A_462 = arith.constant 2 : i32
    %gather3A_463 = arith.constant 0 : i32
    %gather3A_464 = arith.constant 0 : i32
    %gather3A_465 = tpu.memref_slice %arg10[%gather3A_462, %gather3A_463, %gather3A_464] : memref<8x64x128xf32, #tpu.memory_space<vmem>> -> memref<1x64x128xf32, #tpu.memory_space<vmem>>
    %gather3A_466 = tpu.memref_squeeze %gather3A_465 : memref<1x64x128xf32, #tpu.memory_space<vmem>> -> memref<64x128xf32, #tpu.memory_space<vmem>>
    %gather3A_467 = tpu.vector_load_idx %gather3A_466[%add3A_461, %broadcast_in_dim3A_432] : memref<64x128xf32, #tpu.memory_space<vmem>>[vector<16xi32>, vector<16xi32>], vector<16xf32>,
    %swap3A_468 = arith.constant 250 : i32
    %swap3A_469 = arith.index_cast %swap3A_468 : i32 to index
    %swap3A_470 = arith.constant 32 : index
    %swap3A_471 = tpu.vector_load %arg11[%swap3A_469, %swap3A_470] {strides = array<i32>} : memref<256x64xf32, #tpu.memory_space<vmem>>, vector<16xf32>,
    tpu.vector_store %arg11[%swap3A_469, %swap3A_470], %gather3A_467 {strides = array<i32>} : memref<256x64xf32, #tpu.memory_space<vmem>>, vector<16xf32>,
    %add3A_472 = arith.constant 48 : i32
    %add3A_473 = vector.broadcast %add3A_472 : i32 to vector<16xi32>
    %add3A_474 = arith.addi %iota3A, %add3A_473 : vector<16xi32>
    %gather3A_475 = arith.constant 2 : i32
    %gather3A_476 = arith.constant 0 : i32
    %gather3A_477 = arith.constant 0 : i32
    %gather3A_478 = tpu.memref_slice %arg10[%gather3A_475, %gather3A_476, %gather3A_477] : memref<8x64x128xf32, #tpu.memory_space<vmem>> -> memref<1x64x128xf32, #tpu.memory_space<vmem>>
    %gather3A_479 = tpu.memref_squeeze %gather3A_478 : memref<1x64x128xf32, #tpu.memory_space<vmem>> -> memref<64x128xf32, #tpu.memory_space<vmem>>
    %gather3A_480 = tpu.vector_load_idx %gather3A_479[%add3A_474, %broadcast_in_dim3A_432] : memref<64x128xf32, #tpu.memory_space<vmem>>[vector<16xi32>, vector<16xi32>], vector<16xf32>,
    %swap3A_481 = arith.constant 250 : i32
    %swap3A_482 = arith.index_cast %swap3A_481 : i32 to index
    %swap3A_483 = arith.constant 48 : index
    %swap3A_484 = tpu.vector_load %arg11[%swap3A_482, %swap3A_483] {strides = array<i32>} : memref<256x64xf32, #tpu.memory_space<vmem>>, vector<16xf32>,
    tpu.vector_store %arg11[%swap3A_482, %swap3A_483], %gather3A_480 {strides = array<i32>} : memref<256x64xf32, #tpu.memory_space<vmem>>, vector<16xf32>,
    %dma_wait3A_485 = arith.constant 3 : i32
    %dma_wait3A_486 = arith.constant 0 : i32
    %dma_wait3A_487 = arith.constant 0 : i32
    %dma_wait3A_488 = tpu.memref_slice %arg10[%dma_wait3A_485, %dma_wait3A_486, %dma_wait3A_487] : memref<8x64x128xf32, #tpu.memory_space<vmem>> -> memref<1x64x128xf32, #tpu.memory_space<vmem>>
    %dma_wait3A_489 = tpu.memref_squeeze %dma_wait3A_488 : memref<1x64x128xf32, #tpu.memory_space<vmem>> -> memref<64x128xf32, #tpu.memory_space<vmem>>
    %dma_wait3A_490 = arith.constant 0 : i32
    %dma_wait3A_491 = arith.constant 0 : i32
    %dma_wait3A_492 = tpu.memref_slice %arg2[%dma_wait3A_490, %dma_wait3A_491] : memref<64x1000000xf32, #tpu.memory_space<hbm>> -> memref<64x128xf32, #tpu.memory_space<hbm>>
    %dma_wait3A_493 = arith.constant 0 : i32
    %dma_wait3A_494 = arith.constant 0 : i32
    %dma_wait3A_495 = tpu.memref_slice %arg10[%dma_wait3A_485, %dma_wait3A_493, %dma_wait3A_494] : memref<8x64x128xf32, #tpu.memory_space<vmem>> -> memref<1x64x128xf32, #tpu.memory_space<vmem>>
    %dma_wait3A_496 = tpu.memref_squeeze %dma_wait3A_495 : memref<1x64x128xf32, #tpu.memory_space<vmem>> -> memref<64x128xf32, #tpu.memory_space<vmem>>
    %dma_wait3A_497 = arith.constant 0 : i32
    %dma_wait3A_498 = arith.constant 0 : i32
    %dma_wait3A_499 = tpu.memref_slice %arg2[%dma_wait3A_497, %dma_wait3A_498] : memref<64x1000000xf32, #tpu.memory_space<hbm>> -> memref<64x128xf32, #tpu.memory_space<hbm>>
    tpu.wait_dma2 semaphore(%arg17 : memref<!tpu.dma_semaphore, #tpu.memory_space<semaphore_mem>>) src(%dma_wait3A_499 : memref<64x128xf32, #tpu.memory_space<hbm>>) dst(%dma_wait3A_496 : memref<64x128xf32, #tpu.memory_space<vmem>>)
    %get3A_500 = arith.constant 496 : index
    %get3A_501 = tpu.vector_load %arg8[%get3A_500] {strides = array<i32>} : memref<512xi32, #tpu.memory_space<vmem>>, vector<16xi32>,
    %eq3A_502 = arith.constant 11 : i32
    %eq3A_503 = vector.broadcast %eq3A_502 : i32 to vector<16xi32>
    %eq3A_504 = arith.cmpi eq, %iota3A, %eq3A_503 : vector<16xi32>
    %jit3A_505 = arith.constant 0 : i32
    %broadcast_in_dim3A_506 = vector.broadcast %jit3A_505 : i32 to vector<16xi32>
    %select_n3A_507 = arith.select %eq3A_504, %get3A_501, %broadcast_in_dim3A_506 : vector<16xi1>, vector<16xi32>
    %reduce_sum3A_508 = arith.constant true
    %reduce_sum3A_509 = vector.broadcast %reduce_sum3A_508 : i1 to vector<16xi1>
    %reduce_sum3A_510 = tpu.scan <sum>, %select_n3A_507 masked %reduce_sum3A_509 : vector<16xi32>, vector<16xi1> -> vector<16xi32>
    %reduce_sum3A_511 = vector.extract %reduce_sum3A_510[15] : i32 from vector<16xi32>
    %and3A_512 = arith.constant 127 : i32
    %and3A_513 = arith.andi %reduce_sum3A_511, %and3A_512 : i32
    %broadcast_in_dim3A_514 = vector.broadcast %and3A_513 : i32 to vector<16xi32>
    %add3A_515 = arith.constant 0 : i32
    %add3A_516 = vector.broadcast %add3A_515 : i32 to vector<16xi32>
    %add3A_517 = arith.addi %iota3A, %add3A_516 : vector<16xi32>
    %gather3A_518 = arith.constant 3 : i32
    %gather3A_519 = arith.constant 0 : i32
    %gather3A_520 = arith.constant 0 : i32
    %gather3A_521 = tpu.memref_slice %arg10[%gather3A_518, %gather3A_519, %gather3A_520] : memref<8x64x128xf32, #tpu.memory_space<vmem>> -> memref<1x64x128xf32, #tpu.memory_space<vmem>>
    %gather3A_522 = tpu.memref_squeeze %gather3A_521 : memref<1x64x128xf32, #tpu.memory_space<vmem>> -> memref<64x128xf32, #tpu.memory_space<vmem>>
    %gather3A_523 = tpu.vector_load_idx %gather3A_522[%add3A_517, %broadcast_in_dim3A_514] : memref<64x128xf32, #tpu.memory_space<vmem>>[vector<16xi32>, vector<16xi32>], vector<16xf32>,
    %swap3A_524 = arith.constant 251 : i32
    %swap3A_525 = arith.index_cast %swap3A_524 : i32 to index
    %swap3A_526 = arith.constant 0 : index
    %swap3A_527 = tpu.vector_load %arg11[%swap3A_525, %swap3A_526] {strides = array<i32>} : memref<256x64xf32, #tpu.memory_space<vmem>>, vector<16xf32>,
    tpu.vector_store %arg11[%swap3A_525, %swap3A_526], %gather3A_523 {strides = array<i32>} : memref<256x64xf32, #tpu.memory_space<vmem>>, vector<16xf32>,
    %add3A_528 = arith.constant 16 : i32
    %add3A_529 = vector.broadcast %add3A_528 : i32 to vector<16xi32>
    %add3A_530 = arith.addi %iota3A, %add3A_529 : vector<16xi32>
    %gather3A_531 = arith.constant 3 : i32
    %gather3A_532 = arith.constant 0 : i32
    %gather3A_533 = arith.constant 0 : i32
    %gather3A_534 = tpu.memref_slice %arg10[%gather3A_531, %gather3A_532, %gather3A_533] : memref<8x64x128xf32, #tpu.memory_space<vmem>> -> memref<1x64x128xf32, #tpu.memory_space<vmem>>
    %gather3A_535 = tpu.memref_squeeze %gather3A_534 : memref<1x64x128xf32, #tpu.memory_space<vmem>> -> memref<64x128xf32, #tpu.memory_space<vmem>>
    %gather3A_536 = tpu.vector_load_idx %gather3A_535[%add3A_530, %broadcast_in_dim3A_514] : memref<64x128xf32, #tpu.memory_space<vmem>>[vector<16xi32>, vector<16xi32>], vector<16xf32>,
    %swap3A_537 = arith.constant 251 : i32
    %swap3A_538 = arith.index_cast %swap3A_537 : i32 to index
    %swap3A_539 = arith.constant 16 : index
    %swap3A_540 = tpu.vector_load %arg11[%swap3A_538, %swap3A_539] {strides = array<i32>} : memref<256x64xf32, #tpu.memory_space<vmem>>, vector<16xf32>,
    tpu.vector_store %arg11[%swap3A_538, %swap3A_539], %gather3A_536 {strides = array<i32>} : memref<256x64xf32, #tpu.memory_space<vmem>>, vector<16xf32>,
    %add3A_541 = arith.constant 32 : i32
    %add3A_542 = vector.broadcast %add3A_541 : i32 to vector<16xi32>
    %add3A_543 = arith.addi %iota3A, %add3A_542 : vector<16xi32>
    %gather3A_544 = arith.constant 3 : i32
    %gather3A_545 = arith.constant 0 : i32
    %gather3A_546 = arith.constant 0 : i32
    %gather3A_547 = tpu.memref_slice %arg10[%gather3A_544, %gather3A_545, %gather3A_546] : memref<8x64x128xf32, #tpu.memory_space<vmem>> -> memref<1x64x128xf32, #tpu.memory_space<vmem>>
    %gather3A_548 = tpu.memref_squeeze %gather3A_547 : memref<1x64x128xf32, #tpu.memory_space<vmem>> -> memref<64x128xf32, #tpu.memory_space<vmem>>
    %gather3A_549 = tpu.vector_load_idx %gather3A_548[%add3A_543, %broadcast_in_dim3A_514] : memref<64x128xf32, #tpu.memory_space<vmem>>[vector<16xi32>, vector<16xi32>], vector<16xf32>,
    %swap3A_550 = arith.constant 251 : i32
    %swap3A_551 = arith.index_cast %swap3A_550 : i32 to index
    %swap3A_552 = arith.constant 32 : index
    %swap3A_553 = tpu.vector_load %arg11[%swap3A_551, %swap3A_552] {strides = array<i32>} : memref<256x64xf32, #tpu.memory_space<vmem>>, vector<16xf32>,
    tpu.vector_store %arg11[%swap3A_551, %swap3A_552], %gather3A_549 {strides = array<i32>} : memref<256x64xf32, #tpu.memory_space<vmem>>, vector<16xf32>,
    %add3A_554 = arith.constant 48 : i32
    %add3A_555 = vector.broadcast %add3A_554 : i32 to vector<16xi32>
    %add3A_556 = arith.addi %iota3A, %add3A_555 : vector<16xi32>
    %gather3A_557 = arith.constant 3 : i32
    %gather3A_558 = arith.constant 0 : i32
    %gather3A_559 = arith.constant 0 : i32
    %gather3A_560 = tpu.memref_slice %arg10[%gather3A_557, %gather3A_558, %gather3A_559] : memref<8x64x128xf32, #tpu.memory_space<vmem>> -> memref<1x64x128xf32, #tpu.memory_space<vmem>>
    %gather3A_561 = tpu.memref_squeeze %gather3A_560 : memref<1x64x128xf32, #tpu.memory_space<vmem>> -> memref<64x128xf32, #tpu.memory_space<vmem>>
    %gather3A_562 = tpu.vector_load_idx %gather3A_561[%add3A_556, %broadcast_in_dim3A_514] : memref<64x128xf32, #tpu.memory_space<vmem>>[vector<16xi32>, vector<16xi32>], vector<16xf32>,
    %swap3A_563 = arith.constant 251 : i32
    %swap3A_564 = arith.index_cast %swap3A_563 : i32 to index
    %swap3A_565 = arith.constant 48 : index
    %swap3A_566 = tpu.vector_load %arg11[%swap3A_564, %swap3A_565] {strides = array<i32>} : memref<256x64xf32, #tpu.memory_space<vmem>>, vector<16xf32>,
    tpu.vector_store %arg11[%swap3A_564, %swap3A_565], %gather3A_562 {strides = array<i32>} : memref<256x64xf32, #tpu.memory_space<vmem>>, vector<16xf32>,
    %dma_wait3A_567 = arith.constant 4 : i32
    %dma_wait3A_568 = arith.constant 0 : i32
    %dma_wait3A_569 = arith.constant 0 : i32
    %dma_wait3A_570 = tpu.memref_slice %arg10[%dma_wait3A_567, %dma_wait3A_568, %dma_wait3A_569] : memref<8x64x128xf32, #tpu.memory_space<vmem>> -> memref<1x64x128xf32, #tpu.memory_space<vmem>>
    %dma_wait3A_571 = tpu.memref_squeeze %dma_wait3A_570 : memref<1x64x128xf32, #tpu.memory_space<vmem>> -> memref<64x128xf32, #tpu.memory_space<vmem>>
    %dma_wait3A_572 = arith.constant 0 : i32
    %dma_wait3A_573 = arith.constant 0 : i32
    %dma_wait3A_574 = tpu.memref_slice %arg2[%dma_wait3A_572, %dma_wait3A_573] : memref<64x1000000xf32, #tpu.memory_space<hbm>> -> memref<64x128xf32, #tpu.memory_space<hbm>>
    %dma_wait3A_575 = arith.constant 0 : i32
    %dma_wait3A_576 = arith.constant 0 : i32
    %dma_wait3A_577 = tpu.memref_slice %arg10[%dma_wait3A_567, %dma_wait3A_575, %dma_wait3A_576] : memref<8x64x128xf32, #tpu.memory_space<vmem>> -> memref<1x64x128xf32, #tpu.memory_space<vmem>>
    %dma_wait3A_578 = tpu.memref_squeeze %dma_wait3A_577 : memref<1x64x128xf32, #tpu.memory_space<vmem>> -> memref<64x128xf32, #tpu.memory_space<vmem>>
    %dma_wait3A_579 = arith.constant 0 : i32
    %dma_wait3A_580 = arith.constant 0 : i32
    %dma_wait3A_581 = tpu.memref_slice %arg2[%dma_wait3A_579, %dma_wait3A_580] : memref<64x1000000xf32, #tpu.memory_space<hbm>> -> memref<64x128xf32, #tpu.memory_space<hbm>>
    tpu.wait_dma2 semaphore(%arg18 : memref<!tpu.dma_semaphore, #tpu.memory_space<semaphore_mem>>) src(%dma_wait3A_581 : memref<64x128xf32, #tpu.memory_space<hbm>>) dst(%dma_wait3A_578 : memref<64x128xf32, #tpu.memory_space<vmem>>)
    %get3A_582 = arith.constant 496 : index
    %get3A_583 = tpu.vector_load %arg8[%get3A_582] {strides = array<i32>} : memref<512xi32, #tpu.memory_space<vmem>>, vector<16xi32>,
    %eq3A_584 = arith.constant 12 : i32
    %eq3A_585 = vector.broadcast %eq3A_584 : i32 to vector<16xi32>
    %eq3A_586 = arith.cmpi eq, %iota3A, %eq3A_585 : vector<16xi32>
    %jit3A_587 = arith.constant 0 : i32
    %broadcast_in_dim3A_588 = vector.broadcast %jit3A_587 : i32 to vector<16xi32>
    %select_n3A_589 = arith.select %eq3A_586, %get3A_583, %broadcast_in_dim3A_588 : vector<16xi1>, vector<16xi32>
    %reduce_sum3A_590 = arith.constant true
    %reduce_sum3A_591 = vector.broadcast %reduce_sum3A_590 : i1 to vector<16xi1>
    %reduce_sum3A_592 = tpu.scan <sum>, %select_n3A_589 masked %reduce_sum3A_591 : vector<16xi32>, vector<16xi1> -> vector<16xi32>
    %reduce_sum3A_593 = vector.extract %reduce_sum3A_592[15] : i32 from vector<16xi32>
    %and3A_594 = arith.constant 127 : i32
    %and3A_595 = arith.andi %reduce_sum3A_593, %and3A_594 : i32
    %broadcast_in_dim3A_596 = vector.broadcast %and3A_595 : i32 to vector<16xi32>
    %add3A_597 = arith.constant 0 : i32
    %add3A_598 = vector.broadcast %add3A_597 : i32 to vector<16xi32>
    %add3A_599 = arith.addi %iota3A, %add3A_598 : vector<16xi32>
    %gather3A_600 = arith.constant 4 : i32
    %gather3A_601 = arith.constant 0 : i32
    %gather3A_602 = arith.constant 0 : i32
    %gather3A_603 = tpu.memref_slice %arg10[%gather3A_600, %gather3A_601, %gather3A_602] : memref<8x64x128xf32, #tpu.memory_space<vmem>> -> memref<1x64x128xf32, #tpu.memory_space<vmem>>
    %gather3A_604 = tpu.memref_squeeze %gather3A_603 : memref<1x64x128xf32, #tpu.memory_space<vmem>> -> memref<64x128xf32, #tpu.memory_space<vmem>>
    %gather3A_605 = tpu.vector_load_idx %gather3A_604[%add3A_599, %broadcast_in_dim3A_596] : memref<64x128xf32, #tpu.memory_space<vmem>>[vector<16xi32>, vector<16xi32>], vector<16xf32>,
    %swap3A_606 = arith.constant 252 : i32
    %swap3A_607 = arith.index_cast %swap3A_606 : i32 to index
    %swap3A_608 = arith.constant 0 : index
    %swap3A_609 = tpu.vector_load %arg11[%swap3A_607, %swap3A_608] {strides = array<i32>} : memref<256x64xf32, #tpu.memory_space<vmem>>, vector<16xf32>,
    tpu.vector_store %arg11[%swap3A_607, %swap3A_608], %gather3A_605 {strides = array<i32>} : memref<256x64xf32, #tpu.memory_space<vmem>>, vector<16xf32>,
    %add3A_610 = arith.constant 16 : i32
    %add3A_611 = vector.broadcast %add3A_610 : i32 to vector<16xi32>
    %add3A_612 = arith.addi %iota3A, %add3A_611 : vector<16xi32>
    %gather3A_613 = arith.constant 4 : i32
    %gather3A_614 = arith.constant 0 : i32
    %gather3A_615 = arith.constant 0 : i32
    %gather3A_616 = tpu.memref_slice %arg10[%gather3A_613, %gather3A_614, %gather3A_615] : memref<8x64x128xf32, #tpu.memory_space<vmem>> -> memref<1x64x128xf32, #tpu.memory_space<vmem>>
    %gather3A_617 = tpu.memref_squeeze %gather3A_616 : memref<1x64x128xf32, #tpu.memory_space<vmem>> -> memref<64x128xf32, #tpu.memory_space<vmem>>
    %gather3A_618 = tpu.vector_load_idx %gather3A_617[%add3A_612, %broadcast_in_dim3A_596] : memref<64x128xf32, #tpu.memory_space<vmem>>[vector<16xi32>, vector<16xi32>], vector<16xf32>,
    %swap3A_619 = arith.constant 252 : i32
    %swap3A_620 = arith.index_cast %swap3A_619 : i32 to index
    %swap3A_621 = arith.constant 16 : index
    %swap3A_622 = tpu.vector_load %arg11[%swap3A_620, %swap3A_621] {strides = array<i32>} : memref<256x64xf32, #tpu.memory_space<vmem>>, vector<16xf32>,
    tpu.vector_store %arg11[%swap3A_620, %swap3A_621], %gather3A_618 {strides = array<i32>} : memref<256x64xf32, #tpu.memory_space<vmem>>, vector<16xf32>,
    %add3A_623 = arith.constant 32 : i32
    %add3A_624 = vector.broadcast %add3A_623 : i32 to vector<16xi32>
    %add3A_625 = arith.addi %iota3A, %add3A_624 : vector<16xi32>
    %gather3A_626 = arith.constant 4 : i32
    %gather3A_627 = arith.constant 0 : i32
    %gather3A_628 = arith.constant 0 : i32
    %gather3A_629 = tpu.memref_slice %arg10[%gather3A_626, %gather3A_627, %gather3A_628] : memref<8x64x128xf32, #tpu.memory_space<vmem>> -> memref<1x64x128xf32, #tpu.memory_space<vmem>>
    %gather3A_630 = tpu.memref_squeeze %gather3A_629 : memref<1x64x128xf32, #tpu.memory_space<vmem>> -> memref<64x128xf32, #tpu.memory_space<vmem>>
    %gather3A_631 = tpu.vector_load_idx %gather3A_630[%add3A_625, %broadcast_in_dim3A_596] : memref<64x128xf32, #tpu.memory_space<vmem>>[vector<16xi32>, vector<16xi32>], vector<16xf32>,
    %swap3A_632 = arith.constant 252 : i32
    %swap3A_633 = arith.index_cast %swap3A_632 : i32 to index
    %swap3A_634 = arith.constant 32 : index
    %swap3A_635 = tpu.vector_load %arg11[%swap3A_633, %swap3A_634] {strides = array<i32>} : memref<256x64xf32, #tpu.memory_space<vmem>>, vector<16xf32>,
    tpu.vector_store %arg11[%swap3A_633, %swap3A_634], %gather3A_631 {strides = array<i32>} : memref<256x64xf32, #tpu.memory_space<vmem>>, vector<16xf32>,
    %add3A_636 = arith.constant 48 : i32
    %add3A_637 = vector.broadcast %add3A_636 : i32 to vector<16xi32>
    %add3A_638 = arith.addi %iota3A, %add3A_637 : vector<16xi32>
    %gather3A_639 = arith.constant 4 : i32
    %gather3A_640 = arith.constant 0 : i32
    %gather3A_641 = arith.constant 0 : i32
    %gather3A_642 = tpu.memref_slice %arg10[%gather3A_639, %gather3A_640, %gather3A_641] : memref<8x64x128xf32, #tpu.memory_space<vmem>> -> memref<1x64x128xf32, #tpu.memory_space<vmem>>
    %gather3A_643 = tpu.memref_squeeze %gather3A_642 : memref<1x64x128xf32, #tpu.memory_space<vmem>> -> memref<64x128xf32, #tpu.memory_space<vmem>>
    %gather3A_644 = tpu.vector_load_idx %gather3A_643[%add3A_638, %broadcast_in_dim3A_596] : memref<64x128xf32, #tpu.memory_space<vmem>>[vector<16xi32>, vector<16xi32>], vector<16xf32>,
    %swap3A_645 = arith.constant 252 : i32
    %swap3A_646 = arith.index_cast %swap3A_645 : i32 to index
    %swap3A_647 = arith.constant 48 : index
    %swap3A_648 = tpu.vector_load %arg11[%swap3A_646, %swap3A_647] {strides = array<i32>} : memref<256x64xf32, #tpu.memory_space<vmem>>, vector<16xf32>,
    tpu.vector_store %arg11[%swap3A_646, %swap3A_647], %gather3A_644 {strides = array<i32>} : memref<256x64xf32, #tpu.memory_space<vmem>>, vector<16xf32>,
    %dma_wait3A_649 = arith.constant 5 : i32
    %dma_wait3A_650 = arith.constant 0 : i32
    %dma_wait3A_651 = arith.constant 0 : i32
    %dma_wait3A_652 = tpu.memref_slice %arg10[%dma_wait3A_649, %dma_wait3A_650, %dma_wait3A_651] : memref<8x64x128xf32, #tpu.memory_space<vmem>> -> memref<1x64x128xf32, #tpu.memory_space<vmem>>
    %dma_wait3A_653 = tpu.memref_squeeze %dma_wait3A_652 : memref<1x64x128xf32, #tpu.memory_space<vmem>> -> memref<64x128xf32, #tpu.memory_space<vmem>>
    %dma_wait3A_654 = arith.constant 0 : i32
    %dma_wait3A_655 = arith.constant 0 : i32
    %dma_wait3A_656 = tpu.memref_slice %arg2[%dma_wait3A_654, %dma_wait3A_655] : memref<64x1000000xf32, #tpu.memory_space<hbm>> -> memref<64x128xf32, #tpu.memory_space<hbm>>
    %dma_wait3A_657 = arith.constant 0 : i32
    %dma_wait3A_658 = arith.constant 0 : i32
    %dma_wait3A_659 = tpu.memref_slice %arg10[%dma_wait3A_649, %dma_wait3A_657, %dma_wait3A_658] : memref<8x64x128xf32, #tpu.memory_space<vmem>> -> memref<1x64x128xf32, #tpu.memory_space<vmem>>
    %dma_wait3A_660 = tpu.memref_squeeze %dma_wait3A_659 : memref<1x64x128xf32, #tpu.memory_space<vmem>> -> memref<64x128xf32, #tpu.memory_space<vmem>>
    %dma_wait3A_661 = arith.constant 0 : i32
    %dma_wait3A_662 = arith.constant 0 : i32
    %dma_wait3A_663 = tpu.memref_slice %arg2[%dma_wait3A_661, %dma_wait3A_662] : memref<64x1000000xf32, #tpu.memory_space<hbm>> -> memref<64x128xf32, #tpu.memory_space<hbm>>
    tpu.wait_dma2 semaphore(%arg19 : memref<!tpu.dma_semaphore, #tpu.memory_space<semaphore_mem>>) src(%dma_wait3A_663 : memref<64x128xf32, #tpu.memory_space<hbm>>) dst(%dma_wait3A_660 : memref<64x128xf32, #tpu.memory_space<vmem>>)
    %get3A_664 = arith.constant 496 : index
    %get3A_665 = tpu.vector_load %arg8[%get3A_664] {strides = array<i32>} : memref<512xi32, #tpu.memory_space<vmem>>, vector<16xi32>,
    %eq3A_666 = arith.constant 13 : i32
    %eq3A_667 = vector.broadcast %eq3A_666 : i32 to vector<16xi32>
    %eq3A_668 = arith.cmpi eq, %iota3A, %eq3A_667 : vector<16xi32>
    %jit3A_669 = arith.constant 0 : i32
    %broadcast_in_dim3A_670 = vector.broadcast %jit3A_669 : i32 to vector<16xi32>
    %select_n3A_671 = arith.select %eq3A_668, %get3A_665, %broadcast_in_dim3A_670 : vector<16xi1>, vector<16xi32>
    %reduce_sum3A_672 = arith.constant true
    %reduce_sum3A_673 = vector.broadcast %reduce_sum3A_672 : i1 to vector<16xi1>
    %reduce_sum3A_674 = tpu.scan <sum>, %select_n3A_671 masked %reduce_sum3A_673 : vector<16xi32>, vector<16xi1> -> vector<16xi32>
    %reduce_sum3A_675 = vector.extract %reduce_sum3A_674[15] : i32 from vector<16xi32>
    %and3A_676 = arith.constant 127 : i32
    %and3A_677 = arith.andi %reduce_sum3A_675, %and3A_676 : i32
    %broadcast_in_dim3A_678 = vector.broadcast %and3A_677 : i32 to vector<16xi32>
    %add3A_679 = arith.constant 0 : i32
    %add3A_680 = vector.broadcast %add3A_679 : i32 to vector<16xi32>
    %add3A_681 = arith.addi %iota3A, %add3A_680 : vector<16xi32>
    %gather3A_682 = arith.constant 5 : i32
    %gather3A_683 = arith.constant 0 : i32
    %gather3A_684 = arith.constant 0 : i32
    %gather3A_685 = tpu.memref_slice %arg10[%gather3A_682, %gather3A_683, %gather3A_684] : memref<8x64x128xf32, #tpu.memory_space<vmem>> -> memref<1x64x128xf32, #tpu.memory_space<vmem>>
    %gather3A_686 = tpu.memref_squeeze %gather3A_685 : memref<1x64x128xf32, #tpu.memory_space<vmem>> -> memref<64x128xf32, #tpu.memory_space<vmem>>
    %gather3A_687 = tpu.vector_load_idx %gather3A_686[%add3A_681, %broadcast_in_dim3A_678] : memref<64x128xf32, #tpu.memory_space<vmem>>[vector<16xi32>, vector<16xi32>], vector<16xf32>,
    %swap3A_688 = arith.constant 253 : i32
    %swap3A_689 = arith.index_cast %swap3A_688 : i32 to index
    %swap3A_690 = arith.constant 0 : index
    %swap3A_691 = tpu.vector_load %arg11[%swap3A_689, %swap3A_690] {strides = array<i32>} : memref<256x64xf32, #tpu.memory_space<vmem>>, vector<16xf32>,
    tpu.vector_store %arg11[%swap3A_689, %swap3A_690], %gather3A_687 {strides = array<i32>} : memref<256x64xf32, #tpu.memory_space<vmem>>, vector<16xf32>,
    %add3A_692 = arith.constant 16 : i32
    %add3A_693 = vector.broadcast %add3A_692 : i32 to vector<16xi32>
    %add3A_694 = arith.addi %iota3A, %add3A_693 : vector<16xi32>
    %gather3A_695 = arith.constant 5 : i32
    %gather3A_696 = arith.constant 0 : i32
    %gather3A_697 = arith.constant 0 : i32
    %gather3A_698 = tpu.memref_slice %arg10[%gather3A_695, %gather3A_696, %gather3A_697] : memref<8x64x128xf32, #tpu.memory_space<vmem>> -> memref<1x64x128xf32, #tpu.memory_space<vmem>>
    %gather3A_699 = tpu.memref_squeeze %gather3A_698 : memref<1x64x128xf32, #tpu.memory_space<vmem>> -> memref<64x128xf32, #tpu.memory_space<vmem>>
    %gather3A_700 = tpu.vector_load_idx %gather3A_699[%add3A_694, %broadcast_in_dim3A_678] : memref<64x128xf32, #tpu.memory_space<vmem>>[vector<16xi32>, vector<16xi32>], vector<16xf32>,
    %swap3A_701 = arith.constant 253 : i32
    %swap3A_702 = arith.index_cast %swap3A_701 : i32 to index
    %swap3A_703 = arith.constant 16 : index
    %swap3A_704 = tpu.vector_load %arg11[%swap3A_702, %swap3A_703] {strides = array<i32>} : memref<256x64xf32, #tpu.memory_space<vmem>>, vector<16xf32>,
    tpu.vector_store %arg11[%swap3A_702, %swap3A_703], %gather3A_700 {strides = array<i32>} : memref<256x64xf32, #tpu.memory_space<vmem>>, vector<16xf32>,
    %add3A_705 = arith.constant 32 : i32
    %add3A_706 = vector.broadcast %add3A_705 : i32 to vector<16xi32>
    %add3A_707 = arith.addi %iota3A, %add3A_706 : vector<16xi32>
    %gather3A_708 = arith.constant 5 : i32
    %gather3A_709 = arith.constant 0 : i32
    %gather3A_710 = arith.constant 0 : i32
    %gather3A_711 = tpu.memref_slice %arg10[%gather3A_708, %gather3A_709, %gather3A_710] : memref<8x64x128xf32, #tpu.memory_space<vmem>> -> memref<1x64x128xf32, #tpu.memory_space<vmem>>
    %gather3A_712 = tpu.memref_squeeze %gather3A_711 : memref<1x64x128xf32, #tpu.memory_space<vmem>> -> memref<64x128xf32, #tpu.memory_space<vmem>>
    %gather3A_713 = tpu.vector_load_idx %gather3A_712[%add3A_707, %broadcast_in_dim3A_678] : memref<64x128xf32, #tpu.memory_space<vmem>>[vector<16xi32>, vector<16xi32>], vector<16xf32>,
    %swap3A_714 = arith.constant 253 : i32
    %swap3A_715 = arith.index_cast %swap3A_714 : i32 to index
    %swap3A_716 = arith.constant 32 : index
    %swap3A_717 = tpu.vector_load %arg11[%swap3A_715, %swap3A_716] {strides = array<i32>} : memref<256x64xf32, #tpu.memory_space<vmem>>, vector<16xf32>,
    tpu.vector_store %arg11[%swap3A_715, %swap3A_716], %gather3A_713 {strides = array<i32>} : memref<256x64xf32, #tpu.memory_space<vmem>>, vector<16xf32>,
    %add3A_718 = arith.constant 48 : i32
    %add3A_719 = vector.broadcast %add3A_718 : i32 to vector<16xi32>
    %add3A_720 = arith.addi %iota3A, %add3A_719 : vector<16xi32>
    %gather3A_721 = arith.constant 5 : i32
    %gather3A_722 = arith.constant 0 : i32
    %gather3A_723 = arith.constant 0 : i32
    %gather3A_724 = tpu.memref_slice %arg10[%gather3A_721, %gather3A_722, %gather3A_723] : memref<8x64x128xf32, #tpu.memory_space<vmem>> -> memref<1x64x128xf32, #tpu.memory_space<vmem>>
    %gather3A_725 = tpu.memref_squeeze %gather3A_724 : memref<1x64x128xf32, #tpu.memory_space<vmem>> -> memref<64x128xf32, #tpu.memory_space<vmem>>
    %gather3A_726 = tpu.vector_load_idx %gather3A_725[%add3A_720, %broadcast_in_dim3A_678] : memref<64x128xf32, #tpu.memory_space<vmem>>[vector<16xi32>, vector<16xi32>], vector<16xf32>,
    %swap3A_727 = arith.constant 253 : i32
    %swap3A_728 = arith.index_cast %swap3A_727 : i32 to index
    %swap3A_729 = arith.constant 48 : index
    %swap3A_730 = tpu.vector_load %arg11[%swap3A_728, %swap3A_729] {strides = array<i32>} : memref<256x64xf32, #tpu.memory_space<vmem>>, vector<16xf32>,
    tpu.vector_store %arg11[%swap3A_728, %swap3A_729], %gather3A_726 {strides = array<i32>} : memref<256x64xf32, #tpu.memory_space<vmem>>, vector<16xf32>,
    %dma_wait3A_731 = arith.constant 6 : i32
    %dma_wait3A_732 = arith.constant 0 : i32
    %dma_wait3A_733 = arith.constant 0 : i32
    %dma_wait3A_734 = tpu.memref_slice %arg10[%dma_wait3A_731, %dma_wait3A_732, %dma_wait3A_733] : memref<8x64x128xf32, #tpu.memory_space<vmem>> -> memref<1x64x128xf32, #tpu.memory_space<vmem>>
    %dma_wait3A_735 = tpu.memref_squeeze %dma_wait3A_734 : memref<1x64x128xf32, #tpu.memory_space<vmem>> -> memref<64x128xf32, #tpu.memory_space<vmem>>
    %dma_wait3A_736 = arith.constant 0 : i32
    %dma_wait3A_737 = arith.constant 0 : i32
    %dma_wait3A_738 = tpu.memref_slice %arg2[%dma_wait3A_736, %dma_wait3A_737] : memref<64x1000000xf32, #tpu.memory_space<hbm>> -> memref<64x128xf32, #tpu.memory_space<hbm>>
    %dma_wait3A_739 = arith.constant 0 : i32
    %dma_wait3A_740 = arith.constant 0 : i32
    %dma_wait3A_741 = tpu.memref_slice %arg10[%dma_wait3A_731, %dma_wait3A_739, %dma_wait3A_740] : memref<8x64x128xf32, #tpu.memory_space<vmem>> -> memref<1x64x128xf32, #tpu.memory_space<vmem>>
    %dma_wait3A_742 = tpu.memref_squeeze %dma_wait3A_741 : memref<1x64x128xf32, #tpu.memory_space<vmem>> -> memref<64x128xf32, #tpu.memory_space<vmem>>
    %dma_wait3A_743 = arith.constant 0 : i32
    %dma_wait3A_744 = arith.constant 0 : i32
    %dma_wait3A_745 = tpu.memref_slice %arg2[%dma_wait3A_743, %dma_wait3A_744] : memref<64x1000000xf32, #tpu.memory_space<hbm>> -> memref<64x128xf32, #tpu.memory_space<hbm>>
    tpu.wait_dma2 semaphore(%arg20 : memref<!tpu.dma_semaphore, #tpu.memory_space<semaphore_mem>>) src(%dma_wait3A_745 : memref<64x128xf32, #tpu.memory_space<hbm>>) dst(%dma_wait3A_742 : memref<64x128xf32, #tpu.memory_space<vmem>>)
    %get3A_746 = arith.constant 496 : index
    %get3A_747 = tpu.vector_load %arg8[%get3A_746] {strides = array<i32>} : memref<512xi32, #tpu.memory_space<vmem>>, vector<16xi32>,
    %eq3A_748 = arith.constant 14 : i32
    %eq3A_749 = vector.broadcast %eq3A_748 : i32 to vector<16xi32>
    %eq3A_750 = arith.cmpi eq, %iota3A, %eq3A_749 : vector<16xi32>
    %jit3A_751 = arith.constant 0 : i32
    %broadcast_in_dim3A_752 = vector.broadcast %jit3A_751 : i32 to vector<16xi32>
    %select_n3A_753 = arith.select %eq3A_750, %get3A_747, %broadcast_in_dim3A_752 : vector<16xi1>, vector<16xi32>
    %reduce_sum3A_754 = arith.constant true
    %reduce_sum3A_755 = vector.broadcast %reduce_sum3A_754 : i1 to vector<16xi1>
    %reduce_sum3A_756 = tpu.scan <sum>, %select_n3A_753 masked %reduce_sum3A_755 : vector<16xi32>, vector<16xi1> -> vector<16xi32>
    %reduce_sum3A_757 = vector.extract %reduce_sum3A_756[15] : i32 from vector<16xi32>
    %and3A_758 = arith.constant 127 : i32
    %and3A_759 = arith.andi %reduce_sum3A_757, %and3A_758 : i32
    %broadcast_in_dim3A_760 = vector.broadcast %and3A_759 : i32 to vector<16xi32>
    %add3A_761 = arith.constant 0 : i32
    %add3A_762 = vector.broadcast %add3A_761 : i32 to vector<16xi32>
    %add3A_763 = arith.addi %iota3A, %add3A_762 : vector<16xi32>
    %gather3A_764 = arith.constant 6 : i32
    %gather3A_765 = arith.constant 0 : i32
    %gather3A_766 = arith.constant 0 : i32
    %gather3A_767 = tpu.memref_slice %arg10[%gather3A_764, %gather3A_765, %gather3A_766] : memref<8x64x128xf32, #tpu.memory_space<vmem>> -> memref<1x64x128xf32, #tpu.memory_space<vmem>>
    %gather3A_768 = tpu.memref_squeeze %gather3A_767 : memref<1x64x128xf32, #tpu.memory_space<vmem>> -> memref<64x128xf32, #tpu.memory_space<vmem>>
    %gather3A_769 = tpu.vector_load_idx %gather3A_768[%add3A_763, %broadcast_in_dim3A_760] : memref<64x128xf32, #tpu.memory_space<vmem>>[vector<16xi32>, vector<16xi32>], vector<16xf32>,
    %swap3A_770 = arith.constant 254 : i32
    %swap3A_771 = arith.index_cast %swap3A_770 : i32 to index
    %swap3A_772 = arith.constant 0 : index
    %swap3A_773 = tpu.vector_load %arg11[%swap3A_771, %swap3A_772] {strides = array<i32>} : memref<256x64xf32, #tpu.memory_space<vmem>>, vector<16xf32>,
    tpu.vector_store %arg11[%swap3A_771, %swap3A_772], %gather3A_769 {strides = array<i32>} : memref<256x64xf32, #tpu.memory_space<vmem>>, vector<16xf32>,
    %add3A_774 = arith.constant 16 : i32
    %add3A_775 = vector.broadcast %add3A_774 : i32 to vector<16xi32>
    %add3A_776 = arith.addi %iota3A, %add3A_775 : vector<16xi32>
    %gather3A_777 = arith.constant 6 : i32
    %gather3A_778 = arith.constant 0 : i32
    %gather3A_779 = arith.constant 0 : i32
    %gather3A_780 = tpu.memref_slice %arg10[%gather3A_777, %gather3A_778, %gather3A_779] : memref<8x64x128xf32, #tpu.memory_space<vmem>> -> memref<1x64x128xf32, #tpu.memory_space<vmem>>
    %gather3A_781 = tpu.memref_squeeze %gather3A_780 : memref<1x64x128xf32, #tpu.memory_space<vmem>> -> memref<64x128xf32, #tpu.memory_space<vmem>>
    %gather3A_782 = tpu.vector_load_idx %gather3A_781[%add3A_776, %broadcast_in_dim3A_760] : memref<64x128xf32, #tpu.memory_space<vmem>>[vector<16xi32>, vector<16xi32>], vector<16xf32>,
    %swap3A_783 = arith.constant 254 : i32
    %swap3A_784 = arith.index_cast %swap3A_783 : i32 to index
    %swap3A_785 = arith.constant 16 : index
    %swap3A_786 = tpu.vector_load %arg11[%swap3A_784, %swap3A_785] {strides = array<i32>} : memref<256x64xf32, #tpu.memory_space<vmem>>, vector<16xf32>,
    tpu.vector_store %arg11[%swap3A_784, %swap3A_785], %gather3A_782 {strides = array<i32>} : memref<256x64xf32, #tpu.memory_space<vmem>>, vector<16xf32>,
    %add3A_787 = arith.constant 32 : i32
    %add3A_788 = vector.broadcast %add3A_787 : i32 to vector<16xi32>
    %add3A_789 = arith.addi %iota3A, %add3A_788 : vector<16xi32>
    %gather3A_790 = arith.constant 6 : i32
    %gather3A_791 = arith.constant 0 : i32
    %gather3A_792 = arith.constant 0 : i32
    %gather3A_793 = tpu.memref_slice %arg10[%gather3A_790, %gather3A_791, %gather3A_792] : memref<8x64x128xf32, #tpu.memory_space<vmem>> -> memref<1x64x128xf32, #tpu.memory_space<vmem>>
    %gather3A_794 = tpu.memref_squeeze %gather3A_793 : memref<1x64x128xf32, #tpu.memory_space<vmem>> -> memref<64x128xf32, #tpu.memory_space<vmem>>
    %gather3A_795 = tpu.vector_load_idx %gather3A_794[%add3A_789, %broadcast_in_dim3A_760] : memref<64x128xf32, #tpu.memory_space<vmem>>[vector<16xi32>, vector<16xi32>], vector<16xf32>,
    %swap3A_796 = arith.constant 254 : i32
    %swap3A_797 = arith.index_cast %swap3A_796 : i32 to index
    %swap3A_798 = arith.constant 32 : index
    %swap3A_799 = tpu.vector_load %arg11[%swap3A_797, %swap3A_798] {strides = array<i32>} : memref<256x64xf32, #tpu.memory_space<vmem>>, vector<16xf32>,
    tpu.vector_store %arg11[%swap3A_797, %swap3A_798], %gather3A_795 {strides = array<i32>} : memref<256x64xf32, #tpu.memory_space<vmem>>, vector<16xf32>,
    %add3A_800 = arith.constant 48 : i32
    %add3A_801 = vector.broadcast %add3A_800 : i32 to vector<16xi32>
    %add3A_802 = arith.addi %iota3A, %add3A_801 : vector<16xi32>
    %gather3A_803 = arith.constant 6 : i32
    %gather3A_804 = arith.constant 0 : i32
    %gather3A_805 = arith.constant 0 : i32
    %gather3A_806 = tpu.memref_slice %arg10[%gather3A_803, %gather3A_804, %gather3A_805] : memref<8x64x128xf32, #tpu.memory_space<vmem>> -> memref<1x64x128xf32, #tpu.memory_space<vmem>>
    %gather3A_807 = tpu.memref_squeeze %gather3A_806 : memref<1x64x128xf32, #tpu.memory_space<vmem>> -> memref<64x128xf32, #tpu.memory_space<vmem>>
    %gather3A_808 = tpu.vector_load_idx %gather3A_807[%add3A_802, %broadcast_in_dim3A_760] : memref<64x128xf32, #tpu.memory_space<vmem>>[vector<16xi32>, vector<16xi32>], vector<16xf32>,
    %swap3A_809 = arith.constant 254 : i32
    %swap3A_810 = arith.index_cast %swap3A_809 : i32 to index
    %swap3A_811 = arith.constant 48 : index
    %swap3A_812 = tpu.vector_load %arg11[%swap3A_810, %swap3A_811] {strides = array<i32>} : memref<256x64xf32, #tpu.memory_space<vmem>>, vector<16xf32>,
    tpu.vector_store %arg11[%swap3A_810, %swap3A_811], %gather3A_808 {strides = array<i32>} : memref<256x64xf32, #tpu.memory_space<vmem>>, vector<16xf32>,
    %dma_wait3A_813 = arith.constant 7 : i32
    %dma_wait3A_814 = arith.constant 0 : i32
    %dma_wait3A_815 = arith.constant 0 : i32
    %dma_wait3A_816 = tpu.memref_slice %arg10[%dma_wait3A_813, %dma_wait3A_814, %dma_wait3A_815] : memref<8x64x128xf32, #tpu.memory_space<vmem>> -> memref<1x64x128xf32, #tpu.memory_space<vmem>>
    %dma_wait3A_817 = tpu.memref_squeeze %dma_wait3A_816 : memref<1x64x128xf32, #tpu.memory_space<vmem>> -> memref<64x128xf32, #tpu.memory_space<vmem>>
    %dma_wait3A_818 = arith.constant 0 : i32
    %dma_wait3A_819 = arith.constant 0 : i32
    %dma_wait3A_820 = tpu.memref_slice %arg2[%dma_wait3A_818, %dma_wait3A_819] : memref<64x1000000xf32, #tpu.memory_space<hbm>> -> memref<64x128xf32, #tpu.memory_space<hbm>>
    %dma_wait3A_821 = arith.constant 0 : i32
    %dma_wait3A_822 = arith.constant 0 : i32
    %dma_wait3A_823 = tpu.memref_slice %arg10[%dma_wait3A_813, %dma_wait3A_821, %dma_wait3A_822] : memref<8x64x128xf32, #tpu.memory_space<vmem>> -> memref<1x64x128xf32, #tpu.memory_space<vmem>>
    %dma_wait3A_824 = tpu.memref_squeeze %dma_wait3A_823 : memref<1x64x128xf32, #tpu.memory_space<vmem>> -> memref<64x128xf32, #tpu.memory_space<vmem>>
    %dma_wait3A_825 = arith.constant 0 : i32
    %dma_wait3A_826 = arith.constant 0 : i32
    %dma_wait3A_827 = tpu.memref_slice %arg2[%dma_wait3A_825, %dma_wait3A_826] : memref<64x1000000xf32, #tpu.memory_space<hbm>> -> memref<64x128xf32, #tpu.memory_space<hbm>>
    tpu.wait_dma2 semaphore(%arg21 : memref<!tpu.dma_semaphore, #tpu.memory_space<semaphore_mem>>) src(%dma_wait3A_827 : memref<64x128xf32, #tpu.memory_space<hbm>>) dst(%dma_wait3A_824 : memref<64x128xf32, #tpu.memory_space<vmem>>)
    %get3A_828 = arith.constant 496 : index
    %get3A_829 = tpu.vector_load %arg8[%get3A_828] {strides = array<i32>} : memref<512xi32, #tpu.memory_space<vmem>>, vector<16xi32>,
    %eq3A_830 = arith.constant 15 : i32
    %eq3A_831 = vector.broadcast %eq3A_830 : i32 to vector<16xi32>
    %eq3A_832 = arith.cmpi eq, %iota3A, %eq3A_831 : vector<16xi32>
    %jit3A_833 = arith.constant 0 : i32
    %broadcast_in_dim3A_834 = vector.broadcast %jit3A_833 : i32 to vector<16xi32>
    %select_n3A_835 = arith.select %eq3A_832, %get3A_829, %broadcast_in_dim3A_834 : vector<16xi1>, vector<16xi32>
    %reduce_sum3A_836 = arith.constant true
    %reduce_sum3A_837 = vector.broadcast %reduce_sum3A_836 : i1 to vector<16xi1>
    %reduce_sum3A_838 = tpu.scan <sum>, %select_n3A_835 masked %reduce_sum3A_837 : vector<16xi32>, vector<16xi1> -> vector<16xi32>
    %reduce_sum3A_839 = vector.extract %reduce_sum3A_838[15] : i32 from vector<16xi32>
    %and3A_840 = arith.constant 127 : i32
    %and3A_841 = arith.andi %reduce_sum3A_839, %and3A_840 : i32
    %broadcast_in_dim3A_842 = vector.broadcast %and3A_841 : i32 to vector<16xi32>
    %add3A_843 = arith.constant 0 : i32
    %add3A_844 = vector.broadcast %add3A_843 : i32 to vector<16xi32>
    %add3A_845 = arith.addi %iota3A, %add3A_844 : vector<16xi32>
    %gather3A_846 = arith.constant 7 : i32
    %gather3A_847 = arith.constant 0 : i32
    %gather3A_848 = arith.constant 0 : i32
    %gather3A_849 = tpu.memref_slice %arg10[%gather3A_846, %gather3A_847, %gather3A_848] : memref<8x64x128xf32, #tpu.memory_space<vmem>> -> memref<1x64x128xf32, #tpu.memory_space<vmem>>
    %gather3A_850 = tpu.memref_squeeze %gather3A_849 : memref<1x64x128xf32, #tpu.memory_space<vmem>> -> memref<64x128xf32, #tpu.memory_space<vmem>>
    %gather3A_851 = tpu.vector_load_idx %gather3A_850[%add3A_845, %broadcast_in_dim3A_842] : memref<64x128xf32, #tpu.memory_space<vmem>>[vector<16xi32>, vector<16xi32>], vector<16xf32>,
    %swap3A_852 = arith.constant 255 : i32
    %swap3A_853 = arith.index_cast %swap3A_852 : i32 to index
    %swap3A_854 = arith.constant 0 : index
    %swap3A_855 = tpu.vector_load %arg11[%swap3A_853, %swap3A_854] {strides = array<i32>} : memref<256x64xf32, #tpu.memory_space<vmem>>, vector<16xf32>,
    tpu.vector_store %arg11[%swap3A_853, %swap3A_854], %gather3A_851 {strides = array<i32>} : memref<256x64xf32, #tpu.memory_space<vmem>>, vector<16xf32>,
    %add3A_856 = arith.constant 16 : i32
    %add3A_857 = vector.broadcast %add3A_856 : i32 to vector<16xi32>
    %add3A_858 = arith.addi %iota3A, %add3A_857 : vector<16xi32>
    %gather3A_859 = arith.constant 7 : i32
    %gather3A_860 = arith.constant 0 : i32
    %gather3A_861 = arith.constant 0 : i32
    %gather3A_862 = tpu.memref_slice %arg10[%gather3A_859, %gather3A_860, %gather3A_861] : memref<8x64x128xf32, #tpu.memory_space<vmem>> -> memref<1x64x128xf32, #tpu.memory_space<vmem>>
    %gather3A_863 = tpu.memref_squeeze %gather3A_862 : memref<1x64x128xf32, #tpu.memory_space<vmem>> -> memref<64x128xf32, #tpu.memory_space<vmem>>
    %gather3A_864 = tpu.vector_load_idx %gather3A_863[%add3A_858, %broadcast_in_dim3A_842] : memref<64x128xf32, #tpu.memory_space<vmem>>[vector<16xi32>, vector<16xi32>], vector<16xf32>,
    %swap3A_865 = arith.constant 255 : i32
    %swap3A_866 = arith.index_cast %swap3A_865 : i32 to index
    %swap3A_867 = arith.constant 16 : index
    %swap3A_868 = tpu.vector_load %arg11[%swap3A_866, %swap3A_867] {strides = array<i32>} : memref<256x64xf32, #tpu.memory_space<vmem>>, vector<16xf32>,
    tpu.vector_store %arg11[%swap3A_866, %swap3A_867], %gather3A_864 {strides = array<i32>} : memref<256x64xf32, #tpu.memory_space<vmem>>, vector<16xf32>,
    %add3A_869 = arith.constant 32 : i32
    %add3A_870 = vector.broadcast %add3A_869 : i32 to vector<16xi32>
    %add3A_871 = arith.addi %iota3A, %add3A_870 : vector<16xi32>
    %gather3A_872 = arith.constant 7 : i32
    %gather3A_873 = arith.constant 0 : i32
    %gather3A_874 = arith.constant 0 : i32
    %gather3A_875 = tpu.memref_slice %arg10[%gather3A_872, %gather3A_873, %gather3A_874] : memref<8x64x128xf32, #tpu.memory_space<vmem>> -> memref<1x64x128xf32, #tpu.memory_space<vmem>>
    %gather3A_876 = tpu.memref_squeeze %gather3A_875 : memref<1x64x128xf32, #tpu.memory_space<vmem>> -> memref<64x128xf32, #tpu.memory_space<vmem>>
    %gather3A_877 = tpu.vector_load_idx %gather3A_876[%add3A_871, %broadcast_in_dim3A_842] : memref<64x128xf32, #tpu.memory_space<vmem>>[vector<16xi32>, vector<16xi32>], vector<16xf32>,
    %swap3A_878 = arith.constant 255 : i32
    %swap3A_879 = arith.index_cast %swap3A_878 : i32 to index
    %swap3A_880 = arith.constant 32 : index
    %swap3A_881 = tpu.vector_load %arg11[%swap3A_879, %swap3A_880] {strides = array<i32>} : memref<256x64xf32, #tpu.memory_space<vmem>>, vector<16xf32>,
    tpu.vector_store %arg11[%swap3A_879, %swap3A_880], %gather3A_877 {strides = array<i32>} : memref<256x64xf32, #tpu.memory_space<vmem>>, vector<16xf32>,
    %add3A_882 = arith.constant 48 : i32
    %add3A_883 = vector.broadcast %add3A_882 : i32 to vector<16xi32>
    %add3A_884 = arith.addi %iota3A, %add3A_883 : vector<16xi32>
    %gather3A_885 = arith.constant 7 : i32
    %gather3A_886 = arith.constant 0 : i32
    %gather3A_887 = arith.constant 0 : i32
    %gather3A_888 = tpu.memref_slice %arg10[%gather3A_885, %gather3A_886, %gather3A_887] : memref<8x64x128xf32, #tpu.memory_space<vmem>> -> memref<1x64x128xf32, #tpu.memory_space<vmem>>
    %gather3A_889 = tpu.memref_squeeze %gather3A_888 : memref<1x64x128xf32, #tpu.memory_space<vmem>> -> memref<64x128xf32, #tpu.memory_space<vmem>>
    %gather3A_890 = tpu.vector_load_idx %gather3A_889[%add3A_884, %broadcast_in_dim3A_842] : memref<64x128xf32, #tpu.memory_space<vmem>>[vector<16xi32>, vector<16xi32>], vector<16xf32>,
    %swap3A_891 = arith.constant 255 : i32
    %swap3A_892 = arith.index_cast %swap3A_891 : i32 to index
    %swap3A_893 = arith.constant 48 : index
    %swap3A_894 = tpu.vector_load %arg11[%swap3A_892, %swap3A_893] {strides = array<i32>} : memref<256x64xf32, #tpu.memory_space<vmem>>, vector<16xf32>,
    tpu.vector_store %arg11[%swap3A_892, %swap3A_893], %gather3A_890 {strides = array<i32>} : memref<256x64xf32, #tpu.memory_space<vmem>>, vector<16xf32>,
    %add3A_895 = arith.constant 256 : i32
    %add3A_896 = arith.addi %mul3A_2, %add3A_895 : i32
    "tpu.region"() ({
      %run_scoped3A = tpu.sem_alloc : memref<!tpu.dma_semaphore, #tpu.memory_space<semaphore_mem>>
      %dma_start3A_897 = arith.constant 0 : i32
      %dma_start3A_898 = tpu.memref_slice %arg6[%add3A_896, %dma_start3A_897] : memref<16384x64xf32, #tpu.memory_space<hbm>> -> memref<256x64xf32, #tpu.memory_space<hbm>>
      %dma_start3A_899 = arith.constant 0 : i32
      %dma_start3A_900 = tpu.memref_slice %arg6[%add3A_896, %dma_start3A_899] : memref<16384x64xf32, #tpu.memory_space<hbm>> -> memref<256x64xf32, #tpu.memory_space<hbm>>
      tpu.enqueue_dma source(%arg11 : memref<256x64xf32, #tpu.memory_space<vmem>>) target(%dma_start3A_900 : memref<256x64xf32, #tpu.memory_space<hbm>>) target_semaphore(%run_scoped3A : memref<!tpu.dma_semaphore, #tpu.memory_space<semaphore_mem>>)
      %dma_wait3A_901 = arith.constant 0 : i32
      %dma_wait3A_902 = tpu.memref_slice %arg6[%add3A_896, %dma_wait3A_901] : memref<16384x64xf32, #tpu.memory_space<hbm>> -> memref<256x64xf32, #tpu.memory_space<hbm>>
      %dma_wait3A_903 = arith.constant 0 : i32
      %dma_wait3A_904 = tpu.memref_slice %arg6[%add3A_896, %dma_wait3A_903] : memref<16384x64xf32, #tpu.memory_space<hbm>> -> memref<256x64xf32, #tpu.memory_space<hbm>>
      tpu.wait_dma2 semaphore(%run_scoped3A : memref<!tpu.dma_semaphore, #tpu.memory_space<semaphore_mem>>) src(%arg11 : memref<256x64xf32, #tpu.memory_space<vmem>>) dst(%dma_wait3A_904 : memref<256x64xf32, #tpu.memory_space<hbm>>)
      tpu.yield
    }) : () -> ()
    return
  }
}

module attributes {stable_mosaic.version = 14 : i64} {
  func.func @_mlp_body(%arg0: i32, %arg1: memref<2048x64xf32, #tpu.memory_space<vmem>>, %arg2: memref<16x2048xf32, #tpu.memory_space<vmem>>, %arg3: memref<64x64xf32, #tpu.memory_space<vmem>>, %arg4: memref<64x16xf32, #tpu.memory_space<vmem>>, %arg5: memref<64x1xf32, #tpu.memory_space<vmem>>, %arg6: memref<64x64xf32, #tpu.memory_space<vmem>>, %arg7: memref<64x1xf32, #tpu.memory_space<vmem>>, %arg8: memref<64x2048xf32, #tpu.memory_space<vmem>>) attributes {dimension_semantics = [#tpu.dimension_semantics<arbitrary>], iteration_bounds = array<i64: 8>, scalar_prefetch = 0 : i64, scratch_operands = 0 : i64, tpu.core_type = #tpu.core_type<tc>, window_params = [{transform_indices = @transform_0, window_bounds = array<i64: 2048, 64>}, {transform_indices = @transform_1, window_bounds = array<i64: 16, 2048>}, {pipeline_mode = #tpu.pipeline_mode<synchronous>, transform_indices = @transform_2, window_bounds = array<i64: 64, 64>}, {pipeline_mode = #tpu.pipeline_mode<synchronous>, transform_indices = @transform_3, window_bounds = array<i64: 64, 16>}, {pipeline_mode = #tpu.pipeline_mode<synchronous>, transform_indices = @transform_4, window_bounds = array<i64: 64, 1>}, {pipeline_mode = #tpu.pipeline_mode<synchronous>, transform_indices = @transform_5, window_bounds = array<i64: 64, 64>}, {pipeline_mode = #tpu.pipeline_mode<synchronous>, transform_indices = @transform_6, window_bounds = array<i64: 64, 1>}, {transform_indices = @transform_7, window_bounds = array<i64: 64, 2048>}]} {
    %get3A = arith.constant 0 : index
    %get3A_0 = arith.constant 0 : index
    %get3A_1 = vector.load %arg3[%get3A, %get3A_0] : memref<64x64xf32, #tpu.memory_space<vmem>>, vector<64x64xf32>
    %get3A_2 = arith.constant 0 : index
    %get3A_3 = arith.constant 0 : index
    %get3A_4 = vector.load %arg1[%get3A_2, %get3A_3] : memref<2048x64xf32, #tpu.memory_space<vmem>>, vector<2048x64xf32>
    %dot_general3A = arith.constant dense<0.000000e+00> : vector<64x2048xf32>
    %dot_general3A_5 = tpu.matmul %get3A_1, %get3A_4, %dot_general3A {dimension_numbers = #tpu.dot_dimension_numbers<[1], [1], [0], [0], [0, 0, 1, 0], [], []>, transpose_lhs_hint = false} : vector<64x64xf32>, vector<2048x64xf32>, vector<64x2048xf32> -> vector<64x2048xf32>
    %get3A_6 = arith.constant 0 : index
    %get3A_7 = arith.constant 0 : index
    %get3A_8 = vector.load %arg4[%get3A_6, %get3A_7] : memref<64x16xf32, #tpu.memory_space<vmem>>, vector<64x16xf32>
    %get3A_9 = arith.constant 0 : index
    %get3A_10 = arith.constant 0 : index
    %get3A_11 = vector.load %arg2[%get3A_9, %get3A_10] : memref<16x2048xf32, #tpu.memory_space<vmem>>, vector<16x2048xf32>
    %dot_general3A_12 = arith.constant dense<0.000000e+00> : vector<64x2048xf32>
    %dot_general3A_13 = tpu.matmul %get3A_8, %get3A_11, %dot_general3A_12 {dimension_numbers = #tpu.dot_dimension_numbers<[1], [0], [0], [1], [0, 0, 1, 1], [], []>, transpose_lhs_hint = false} : vector<64x16xf32>, vector<16x2048xf32>, vector<64x2048xf32> -> vector<64x2048xf32>
    %add3A = arith.addf %dot_general3A_5, %dot_general3A_13 : vector<64x2048xf32>
    %get3A_14 = arith.constant 0 : index
    %get3A_15 = arith.constant 0 : index
    %get3A_16 = vector.load %arg5[%get3A_14, %get3A_15] : memref<64x1xf32, #tpu.memory_space<vmem>>, vector<64x1xf32>
    %add3A_17 = vector.broadcast %get3A_16 : vector<64x1xf32> to vector<64x2048xf32>
    %add3A_18 = arith.addf %add3A, %add3A_17 : vector<64x2048xf32>
    %max3A = arith.constant 0.000000e+00 : f32
    %max3A_19 = vector.broadcast %max3A : f32 to vector<64x2048xf32>
    %max3A_20 = arith.maximumf %add3A_18, %max3A_19 : vector<64x2048xf32>
    %get3A_21 = arith.constant 0 : index
    %get3A_22 = arith.constant 0 : index
    %get3A_23 = vector.load %arg6[%get3A_21, %get3A_22] : memref<64x64xf32, #tpu.memory_space<vmem>>, vector<64x64xf32>
    %dot_general3A_24 = arith.constant dense<0.000000e+00> : vector<64x2048xf32>
    %dot_general3A_25 = tpu.matmul %get3A_23, %max3A_20, %dot_general3A_24 {dimension_numbers = #tpu.dot_dimension_numbers<[1], [0], [0], [1], [0, 0, 1, 1], [], []>, transpose_lhs_hint = false} : vector<64x64xf32>, vector<64x2048xf32>, vector<64x2048xf32> -> vector<64x2048xf32>
    %get3A_26 = arith.constant 0 : index
    %get3A_27 = arith.constant 0 : index
    %get3A_28 = vector.load %arg7[%get3A_26, %get3A_27] : memref<64x1xf32, #tpu.memory_space<vmem>>, vector<64x1xf32>
    %add3A_29 = vector.broadcast %get3A_28 : vector<64x1xf32> to vector<64x2048xf32>
    %add3A_30 = arith.addf %dot_general3A_25, %add3A_29 : vector<64x2048xf32>
    %swap3A = arith.constant 0 : index
    %swap3A_31 = arith.constant 0 : index
    %swap3A_32 = vector.load %arg8[%swap3A, %swap3A_31] : memref<64x2048xf32, #tpu.memory_space<vmem>>, vector<64x2048xf32>
    tpu.vector_store %arg8[%swap3A, %swap3A_31], %add3A_30 {strides = array<i32>} : memref<64x2048xf32, #tpu.memory_space<vmem>>, vector<64x2048xf32>,
    return
  }
  func.func @transform_0(%arg0: i32) -> (i32, i32) {
    %c0_i32 = arith.constant 0 : i32
    %c0_i32_0 = arith.constant 0 : i32
    return %arg0, %c0_i32 : i32, i32
  }
  func.func @transform_1(%arg0: i32) -> (i32, i32) {
    %c0_i32 = arith.constant 0 : i32
    %c0_i32_0 = arith.constant 0 : i32
    return %c0_i32, %arg0 : i32, i32
  }
  func.func @transform_2(%arg0: i32) -> (i32, i32) {
    %c0_i32 = arith.constant 0 : i32
    %c0_i32_0 = arith.constant 0 : i32
    %c0_i32_1 = arith.constant 0 : i32
    return %c0_i32, %c0_i32_0 : i32, i32
  }
  func.func @transform_3(%arg0: i32) -> (i32, i32) {
    %c0_i32 = arith.constant 0 : i32
    %c0_i32_0 = arith.constant 0 : i32
    %c0_i32_1 = arith.constant 0 : i32
    return %c0_i32, %c0_i32_0 : i32, i32
  }
  func.func @transform_4(%arg0: i32) -> (i32, i32) {
    %c0_i32 = arith.constant 0 : i32
    %c0_i32_0 = arith.constant 0 : i32
    %c0_i32_1 = arith.constant 0 : i32
    return %c0_i32, %c0_i32_0 : i32, i32
  }
  func.func @transform_5(%arg0: i32) -> (i32, i32) {
    %c0_i32 = arith.constant 0 : i32
    %c0_i32_0 = arith.constant 0 : i32
    %c0_i32_1 = arith.constant 0 : i32
    return %c0_i32, %c0_i32_0 : i32, i32
  }
  func.func @transform_6(%arg0: i32) -> (i32, i32) {
    %c0_i32 = arith.constant 0 : i32
    %c0_i32_0 = arith.constant 0 : i32
    %c0_i32_1 = arith.constant 0 : i32
    return %c0_i32, %c0_i32_0 : i32, i32
  }
  func.func @transform_7(%arg0: i32) -> (i32, i32) {
    %c0_i32 = arith.constant 0 : i32
    %c0_i32_0 = arith.constant 0 : i32
    return %c0_i32, %arg0 : i32, i32
  }
}

</mosaic_0001>

<sc_bundles>
// kernel: kernel.4.cloned.1.call-start
scs
__scs_entry_jumppad:
0x0: {  	(pc) =	sbr.rel $0x88, $3  }
0x1: {  	(tag) =	ssettag $0x0;
	lr =	simm.s32 $0x1  }
0x2: {  	[smem:$0x3F99] =	sst lr;
	_ =	strace $0xD0000000  }
0x3: {  	_ = 	snop  }
0x4: {  	_ = 	snop  }
0x5: {  	_ = 	snop  }
0x6: {  	_ = 	snop  }
0x7: {  	_ = 	snop  }
__scs_overlays_trampoline_lowered:
0x8: {  	[smem:$0x3FA8] =	sst s0  }
0x9: {  	[smem:$0x3FA9] =	sst s1  }
0xa: {  	[smem:$0x3FAA] =	sst s2  }
0xb: {  	[smem:$0x3FAB] =	sst s3  }
0xc: {  	[smem:$0x3FAC] =	sst s4  }
0xd: {  	[smem:$0x3FAD] =	sst s5  }
0xe: {  	[smem:$0x3FAE] =	sst s6  }
0xf: {  	[smem:$0x3FAF] =	sst s7  }
0x10: {  	[smem:$0x3FB0] =	sst s8  }
0x11: {  	[smem:$0x3FB1] =	sst s9;
	s0 =	simm.s32 @!p0 $0x0  }
0x12: {  	s1 =	sld [smem:$0x3F97];
	s0 =	simm.s32 @p0 $0x1  }
0x13: {  	[smem:$0x3FB2] =	sst s0;
	s0 =	simm.s32 @!p1 $0x0  }
0x14: {  	s2 =	sld [smem:$0x3F96];
	s0 =	simm.s32 @p1 $0x1  }
0x15: {  	[smem:$0x3FB3] =	sst s0;
	s0 =	simm.s32 @!p2 $0x0  }
0x16: {  	s3 =	sld [smem:$0x3FDB];
	s0 =	simm.s32 @p2 $0x1  }
0x17: {  	s4 =	simm.s32 $0x1BF5;
	[smem:$0x3FB5] =	sst s0  }
0x18: {  	s0 =	sld [smem:$0x3F98];
	_ =	swait.ge [sflag:s4], $0x0  }
0x19: {  	s7 =	sld [smem:$0x3F99]  }
0x1a: {  	s8 =	sadd.s32 $0xFFFFE003, lr  }
0x1b: {  	s9 =	sadd.s32 $0xFFFFFEF7, lr;
	s5 =	simm.s32 $0xFFFFFFFF;
	p2 =	slt.u32 s8, $0xFFFFF086  }
0x1c: {  	p1 =	slt.u32 s9, $0xF7A;
	s5 =	simm.s32 @!p2 $0x0  }
0x1d: {  	s5 =	simm.s32 @p1 $0x1;
	p0 =	seq.s32 s7, s2  }
0x1e: {  	s7 =	smul.u32 @!p0 $0xF7A, s2;
	p2 =	seq.s32 @!p0 s5, $0x0  }
0x1f: {  	s9 =	smul.u32 $0xF7A, s1;
	s8 =	simm.s32 @!p0 $0x1BF5;
	p2 =	por !p2, p0  }
0x20: {  	[sflag:s8] =	ssyncset.s32 @!p0 $0xFFFFF086;
	s6 =	sadd.s32 @!p0 s3, s7;
	s7 =	simm.s32 @!p0 $0x108  }
0x21: {  	s3 =	sadd.s32 s3, s9;
	s6 =	sadd.s32 @!p0 $0x88, s6;
	s7 =	simm.s32 @p2 $0x1082  }
0x22: {  	[simem:s7], [sflag:s8] =	dma.local @!p0 [hbm:s6], $0xF7A  }
0x23: {  	s9 =	sor.u32 $0xD0000000, s2;
	s6 =	simm.s32 $0x108;
	_ =	swait.ge @!p0 [sflag:s8], $0x0  }
0x24: {  	s3 =	sadd.s32 $0x88, s3;
	s6 =	simm.s32 @!p1 $0x1082;
	[sflag:s4] =	ssyncset.s32 $0xFFFFF086  }
0x25: {  	[simem:s6], [sflag:s4] =	dma.local [hbm:s3], $0xF7A  }
0x26: {  	[smem:$0x3F99] =	sst s1;
	(tag) =	ssettag s2;
	_ =	strace s9  }
0x27: {  	s1 =	sld [smem:$0x3FA9]  }
0x28: {  	s2 =	sld [smem:$0x3FAA]  }
0x29: {  	s4 =	sld [smem:$0x3FAC]  }
0x2a: {  	p0 =	seq.s32 s5, $0x0;
	s5 =	sld [smem:$0x3FAD]  }
0x2b: {  	s6 =	sld [smem:$0x3FAE]  }
0x2c: {  	s7 =	sld [smem:$0x3FAF]  }
0x2d: {  	s3 =	simm.s32 $0x108;
	s8 =	sld [smem:$0x3FB0]  }
0x2e: {  	s3 =	simm.s32 @!p0 $0x1082;
	s9 =	sld [smem:$0x3FB1]  }
0x2f: {  	lr =	sadd.s32 s0, s3;
	s0 =	sld [smem:$0x3FA8]  }
0x30: {  	s3 =	sld [smem:$0x3FAB]  }
0x31: {  	[smem:$0x3FB4] =	sst s10  }
0x32: {  	s10 =	sld [smem:$0x3FB2];
	_ =	sdelay $0x3  }
0x33: {  	p0 =	seq.s32 s10, $0x1;
	s10 =	sld [smem:$0x3FB4];
	_ =	sdelay $0x3  }
0x34: {  	[smem:$0x3FB4] =	sst s10  }
0x35: {  	s10 =	sld [smem:$0x3FB3];
	_ =	sdelay $0x3  }
0x36: {  	p1 =	seq.s32 s10, $0x1;
	s10 =	sld [smem:$0x3FB4];
	_ =	sdelay $0x3  }
0x37: {  	[smem:$0x3FB4] =	sst s10  }
0x38: {  	s10 =	sld [smem:$0x3FB5]  }
0x39: {  	_ = 	snop;
	(pc) =	sbr.ind lr, $3  }
0x3a: {  	_ = 	snop  }
0x3b: {  	_ = 	snop  }
0x3c: {  	p2 =	seq.s32 s10, $0x1;
	s10 =	sld [smem:$0x3FB4]  }
0x3d: {  	_ =	shalt  }
0x3e: {  	_ =	shalt  }
0x3f: {  	_ =	shalt  }
0x40: {  	_ =	shalt  }
0x41: {  	_ =	shalt  }
0x42: {  	_ =	shalt  }
0x43: {  	_ =	shalt  }
0x44: {  	_ =	shalt  }
0x45: {  	_ =	shalt  }
0x46: {  	_ =	shalt  }
0x47: {  	_ =	shalt  }
0x48: {  	_ =	shalt  }
0x49: {  	_ =	shalt  }
0x4a: {  	_ =	shalt  }
0x4b: {  	_ =	shalt  }
0x4c: {  	_ =	shalt  }
0x4d: {  	_ =	shalt  }
0x4e: {  	_ =	shalt  }
0x4f: {  	_ =	shalt  }
0x50: {  	_ =	shalt  }
0x51: {  	_ =	shalt  }
0x52: {  	_ =	shalt  }
0x53: {  	_ =	shalt  }
0x54: {  	_ =	shalt  }
0x55: {  	_ =	shalt  }
0x56: {  	_ =	shalt  }
0x57: {  	_ =	shalt  }
0x58: {  	_ =	shalt  }
0x59: {  	_ =	shalt  }
0x5a: {  	_ =	shalt  }
0x5b: {  	_ =	shalt  }
0x5c: {  	_ =	shalt  }
0x5d: {  	_ =	shalt  }
0x5e: {  	_ =	shalt  }
0x5f: {  	_ =	shalt  }
0x60: {  	_ =	shalt  }
0x61: {  	_ =	shalt  }
0x62: {  	_ =	shalt  }
0x63: {  	_ =	shalt  }
0x64: {  	_ =	shalt  }
0x65: {  	_ =	shalt  }
0x66: {  	_ =	shalt  }
0x67: {  	_ =	shalt  }
0x68: {  	_ =	shalt  }
0x69: {  	_ =	shalt  }
0x6a: {  	_ =	shalt  }
0x6b: {  	_ =	shalt  }
0x6c: {  	_ =	shalt  }
0x6d: {  	_ =	shalt  }
0x6e: {  	_ =	shalt  }
0x6f: {  	_ =	shalt  }
0x70: {  	_ =	shalt  }
0x71: {  	_ =	shalt  }
0x72: {  	_ =	shalt  }
0x73: {  	_ =	shalt  }
0x74: {  	_ =	shalt  }
0x75: {  	_ =	shalt  }
0x76: {  	_ =	shalt  }
0x77: {  	_ =	shalt  }
0x78: {  	_ =	shalt  }
0x79: {  	_ =	shalt  }
0x7a: {  	_ =	shalt  }
0x7b: {  	_ =	shalt  }
0x7c: {  	_ =	shalt  }
0x7d: {  	_ =	shalt  }
0x7e: {  	_ =	shalt  }
0x7f: {  	_ =	shalt  }
0x80: {  	_ =	shalt  }
0x81: {  	_ =	shalt  }
0x82: {  	_ =	shalt  }
0x83: {  	_ =	shalt  }
0x84: {  	_ =	shalt  }
0x85: {  	_ =	shalt  }
0x86: {  	_ =	shalt  }
0x87: {  	_ =	shalt  }
.Lfunc_end0:
.L_simem_size_0:
called_computation_lowered:
.L_overlay_start_0:
0x88: {  	s2 =	sld [smem:$0x3FD9]  }
0x89: {  	s3 =	sld [smem:$0x3FFE];
	_ =	sdelay $0x1  }
0x8a: {  	s1 =	srdreg.scid  }
0x8b: {  	s0 =	sand.u32 $0x1, s1  }
0x8c: {  	s17 =	sshll.u32 s0, $0xA;
	s2 =	sadd.s32 s3, s2  }
0x8d: {  	s2 =	sadd.s32 s2, s17  }
0x8e: {  	[smem:$0x3FC0] =	sst s2  }
0x8f: {  	_ = 	snop  }
0x90: {  	s2 =	sld [smem:$0x3FC9]  }
0x91: {  	s18 =	sld [smem:$0x3FC8]  }
0x92: {  	s4 =	sld [smem:$0x3FC7]  }
0x93: {  	s5 =	sld [smem:$0x3FC6]  }
0x94: {  	s6 =	sld [smem:$0x3FD0];
	(tm) =	ssettm $0x1  }
0x95: {  	s7 =	sld [smem:$0x3FFB];
	_ =	sdelay $0x3  }
0x96: {  	_ =	strace s7  }
0x97: {  	s7 =	sld [smem:$0x3FFC];
	_ =	sdelay $0x3  }
0x98: {  	_ =	strace s7  }
0x99: {  	s7 =	sld [smem:$0x3FFD];
	_ =	sdelay $0x3  }
0x9a: {  	_ =	strace s7  }
0x9b: {  	_ =	strace $0x8FFFFFFF  }
0x9c: {  	s19 =	sld [smem:$0x3FDB];
	_ =	sdelay $0x1  }
0x9d: {  	s8 =	simm.s32 $_scs_section_size  }
0x9e: {  	s9 =	simm.s32 $_size__tile_overlayer_lowered;
	s10 =	simm.s32 $_tile_overlayer_lowered  }
0x9f: {  	s22 =	simm.s32 $0x1BFF;
	s21 =	sshll.u32 s10, $0x1;
	s7 =	sadd.s32 s8, s19  }
0xa0: {  	s11 =	simm.s32 $0x0;
	s20 =	sshll.u32 s9, $0x1;
	s9 =	sadd.s32 s21, s7  }
0xa1: {  	[timem:s11], [sflag:s22] =	dma.local [hbm:s9], s20  }
0xa2: {  	_ =	swait.ge [sflag:s22], s20  }
0xa3: {  	s8 =	ssub.s32 $0x0, s20;
	[sflag:s22] =	ssyncset.done $0x0  }
0xa4: {  	[sflag:s22] =	ssyncadd.s32 s8;
	_ =	sdelay $0x1  }
0xa5: {  	s23 =	simm.s32 $0x1B8B  }
0xa6: {  	_ =	swait.ge [sflag:s23], $0x1  }
0xa7: {  	[sflag:s23] =	ssyncset.done $0x0  }
0xa8: {  	s25 =	simm.s32 $0x1B8E;
	s24 =	sld [smem:$0x3FFE];
	[sflag:s23] =	ssyncadd.s32 $0xFFFFFFFF  }
0xa9: {  	s26 =	simm.s32 $execute0_lowered;
	[smem:$0x3FD2] =	sst s25  }
0xaa: {  	s9 =	sshll.u32 s26, $0x1;
	_ =	strace $0x80000046;
	[dreg:$0x1] =	wrdreg $0xFFFFFFFF  }
0xab: {  	s28 =	simm.s32 $_size_execute0_lowered;
	s7 =	sadd.s32 s7, s9;
	[dreg:$0x0] =	wrdreg $0x0  }
0xac: {  	s9 =	sshll.u32 s28, $0x1;
	[dreg:$0x2] =	wrdreg s7  }
0xad: {  	[dreg:$0x3] =	wrdreg s9  }
0xae: {  	[dreg:$0x4] =	wrdreg $0xC0  }
0xaf: {  	_ =	task [dreg:s11], $0x5FFFF  }
0xb0: {  	[dreg:$0x1] =	wrdreg $0xFFFFFFFF  }
0xb1: {  	[dreg:$0x0] =	wrdreg $0x60  }
0xb2: {  	[dreg:$0x2] =	wrdreg s4  }
0xb3: {  	[dreg:$0x3] =	wrdreg s2  }
0xb4: {  	[dreg:$0x4] =	wrdreg s18  }
0xb5: {  	[dreg:$0x5] =	wrdreg s5  }
0xb6: {  	[dreg:$0x6] =	wrdreg s24  }
0xb7: {  	[dreg:$0x7] =	wrdreg s6  }
0xb8: {  	[dreg:$0x8] =	wrdreg $0x9  }
0xb9: {  	_ =	task.clear_ibuf [dreg:s11], $0x9FFFF;
	_ =	strace $0x90000046  }
0xba: {  	s29 =	simm.s32 $0x9;
	_ =	strace $0x80000048  }
0xbb: {  	_ =	swait.ge [sflag:s29], $0x1  }
0xbc: {  	[sflag:s29] =	ssyncadd.s32 $0xFFFFFFFF  }
0xbd: {  	_ =	strace $0x90000048  }
0xbe: {  	_ =	sfence  }
0xbf: {  	s30 =	sld [smem:$0x0];
	_ =	sdelay $0x2  }
0xc0: {  	s31 =	sshll.u32 s1, $0xD;
	s1 =	sshrl.u32 s1, $0x2  }
0xc1: {  	s3 =	sand.u32 $0x4000, s31;
	s1 =	sadd.s32 s1, s30  }
0xc2: {  	s0 =	sor.u32 s3, s0;
	s1 =	sshll.u32 s1, $0x11  }
0xc3: {  	s0 =	sor.u32 s1, s0  }
0xc4: {  	s0 =	sadd.s32 $0x8F2B, s0  }
0xc5: {  	[sflag:s0] =	ssyncadd.remote.s32 $0x1  }
0xc6: {  	_ =	sfence.sel $0xFFFF  }
0xc7: {  	[dreg:$0x0] =	wrdreg $0xFFFFFFFF;
	(pc) =	sbr.abs _section_cstart, $3  }
0xc8: {  	[dreg:$0x1] =	wrdreg $0xFFFFFFFF  }
0xc9: {  	_ =	task.clear_ibuf [dreg:s11], $0x2FFFF;
	_ =	strace $0x9FFFFFFF  }
0xca: {  	(tm) =	ssettm $0x7FFFFFFF  }
0xcb: {  	_ =	shalt  }
tec
execute0_lowered:
.L_overlay_start_1:
0x0: {  	(tag) =	ssettag $0x1  }
0x1: {  	s0 =	rddreg [dreg:$0x0]  }
0x2: {  	s1 =	rddreg [dreg:$0x1]  }
0x3: {  	s2 =	rddreg [dreg:$0x2]  }
0x4: {  	s3 =	rddreg [dreg:$0x4]  }
0x5: {  	s5 =	rddreg [dreg:$0x5];
	s4 =	srdreg.scid  }
0x6: {  	s7 =	stileid.u32;
	s10 =	simm.s32 $0x9;
	s11 =	simm.s32 $0x7A1400  }
0x7: {  	s12 =	simm.s32 $0x400;
	s13 =	simm.s32 $0x2400;
	s14 =	simm.s32 $0x4400  }
0x8: {  	s15 =	simm.s32 $0x6400;
	s16 =	simm.s32 $0x8400;
	s17 =	simm.s32 $0xA400  }
0x9: {  	s18 =	simm.s32 $0xC400;
	s19 =	simm.s32 $0xE400;
	s21 =	simm.s32 $0x18400  }
0xa: {  	s28 =	simm.s32 $0x3;
	s29 =	simm.s32 $0x4;
	s30 =	simm.s32 $0x5  }
0xb: {  	s31 =	simm.s32 $0x6;
	s20 =	simm.s32 $0x0;
	s6 =	sand.u32 $0x1, s4  }
0xc: {  	s4 =	simm.s32 $0x0;
	s7 =	sshll.u32 s7, $0xA;
	s8 =	sshll.u32 s6, $0x9  }
0xd: {  	[smem:$0x7FF] =	sst s4;
	s6 =	ssub.s32 $0x2, s6;
	s7 =	sor.u32 s8, s7  }
0xe: {  	vm0 =	vmmov $0x1;
	v0 =	vlaneseq.u32;
	_ =	strace $0x80000047;
	s23 =	sshrl.u32 s6, $0x1;
	s8 =	sshll.u32 s7, $0x4  }
0xf: {  	vm2 =	vcmask $0x70C;
	vm3 =	vcmask $0xB10;
	vm4 =	vcmask $0xF14;
	s9 =	sshrl.u32 s7, $0x3;
	s6 =	ssub.s32 s6, s23;
	s25 =	sadd.s32 s5, s7  }
0x10: {  	vm5 =	vcmask $0x1318;
	vm6 =	vcmask $0x171C;
	vm7 =	vcmask $0x1B20;
	s3 =	sadd.s32 s8, s3;
	s1 =	sadd.s32 s1, s9;
	[dreg:$0xa] =	wrdreg s25  }
0x11: {  	vm8 =	vcmask $0x1F24;
	vm9 =	vcmask $0x2328;
	vm10 =	vcmask $0x272C;
	s2 =	sadd.s32 s2, s9;
	s9 =	smax.u32 s6, $0x1;
	[dreg:$0x8] =	wrdreg s1  }
0x12: {  	vm11 =	vcmask $0x2B30;
	vm12 =	vcmask $0x2F34;
	v1 =	vmul.u32 $0x80, v0;
	s25 =	simm.s32 $0x1;
	s24 =	sadd.s32 $0x1400, s3;
	[dreg:$0x9] =	wrdreg s2  }
0x13: {  	vm13 =	vcmask $0x3338;
	vm14 =	vcmask $0x373C;
	vm15 =	vmmov $0x7fff;
	s26 =	sadd.s32 $0x2400, s3;
	s1 =	simm.s32 $0x7;
	[dreg:$0x7] =	wrdreg s24  }
0x14: {  	v2 =	vor.u32 $0x800, v1;
	v3 =	vor.u32 $0x1000, v1;
	v4 =	vor.u32 $0x1800, v1;
	s3 =	simm.s32 $0x8;
	[dreg:$0xb] =	wrdreg s26;
	s26 =	simm.s32 $0x2  }
.LBB2_1:
0x15: {  	s2 =	rddreg [dreg:$0x8]  }
0x16: {  	[tilespmem:s4], [sflag:$0x9] =	stream.linear.gather [hbm4b:s2+s4], $0x200, $0x38;
	[tilespmem:$0x1E400] =	vst v63  }
0x17: {  	_ =	swait.ge [sflag:s10], $0x200  }
0x18: {  	[sflag:s10] =	ssyncset.done $0x0  }
0x19: {  	[sflag:s10] =	ssyncadd.s32 $0xFFFFFE00  }
0x1a: {  	v5 =	vld [tilespmem:$0x0];
	_ =	sdelay $0x4  }
0x1b: {  	v5 =	vnsel vm0, $0x0, v5  }
0x1c: {  	(xrf0) =	vadd.scan.msk.s32 $0xffff, v5;
	_ =	sdelay $0x5  }
0x1d: {  	v5, _, _ =	vpop (xrf0)  }
0x1e: {  	(v2sf) =	vpush v5, $0xF;
	_ =	sdelay $0xe  }
0x1f: {  	s22 =	spop (v2sf)  }
0x20: {  	s2 =	sand.u32 $0xFFFFF80, s22  }
0x21: {  	s2 =	sadd.s32 s0, s2  }
0x22: {  	[tilespmem:s12], [sflag:$0x1] =	stream.strided.gather [hbm4b:s2+s12], $0x2000, s11, s12, $0x38;
	[tilespmem:$0x1E400] =	vst v63  }
0x23: {  	v5 =	vld [tilespmem:$0x0];
	_ =	sdelay $0x3  }
0x24: {  	vm1 =	vcmask $0x308  }
0x25: {  	v5 =	vsel vm1, $0x0, v5  }
0x26: {  	(xrf0) =	vadd.scan.msk.s32 $0xffff, v5;
	_ =	sdelay $0x5  }
0x27: {  	v5, _, _ =	vpop (xrf0)  }
0x28: {  	(v2sf) =	vpush v5, $0xF;
	_ =	sdelay $0xe  }
0x29: {  	s23 =	spop (v2sf)  }
0x2a: {  	s2 =	sand.u32 $0xFFFFF80, s23  }
0x2b: {  	s2 =	sadd.s32 s0, s2  }
0x2c: {  	[tilespmem:s13], [sflag:$0x2] =	stream.strided.gather [hbm4b:s2+s12], $0x2000, s11, s12, $0x38;
	[tilespmem:$0x1E400] =	vst v63  }
0x2d: {  	v5 =	vld [tilespmem:$0x0];
	_ =	sdelay $0x4  }
0x2e: {  	v5 =	vsel vm2, $0x0, v5  }
0x2f: {  	(xrf0) =	vadd.scan.msk.s32 $0xffff, v5;
	_ =	sdelay $0x5  }
0x30: {  	v5, _, _ =	vpop (xrf0)  }
0x31: {  	(v2sf) =	vpush v5, $0xF;
	_ =	sdelay $0xe  }
0x32: {  	s24 =	spop (v2sf)  }
0x33: {  	s2 =	sand.u32 $0xFFFFF80, s24  }
0x34: {  	s2 =	sadd.s32 s0, s2  }
0x35: {  	[tilespmem:s14], [sflag:$0x3] =	stream.strided.gather [hbm4b:s2+s12], $0x2000, s11, s12, $0x38;
	[tilespmem:$0x1E400] =	vst v63  }
0x36: {  	v5 =	vld [tilespmem:$0x0];
	_ =	sdelay $0x4  }
0x37: {  	v5 =	vsel vm3, $0x0, v5  }
0x38: {  	(xrf0) =	vadd.scan.msk.s32 $0xffff, v5;
	_ =	sdelay $0x5  }
0x39: {  	v5, _, _ =	vpop (xrf0)  }
0x3a: {  	(v2sf) =	vpush v5, $0xF;
	_ =	sdelay $0xe  }
0x3b: {  	s5 =	spop (v2sf)  }
0x3c: {  	s2 =	sand.u32 $0xFFFFF80, s5  }
0x3d: {  	s2 =	sadd.s32 s0, s2  }
0x3e: {  	[tilespmem:s15], [sflag:$0x4] =	stream.strided.gather [hbm4b:s2+s12], $0x2000, s11, s12, $0x38;
	[tilespmem:$0x1E400] =	vst v63  }
0x3f: {  	v5 =	vld [tilespmem:$0x0];
	_ =	sdelay $0x4  }
0x40: {  	v5 =	vsel vm4, $0x0, v5  }
0x41: {  	(xrf0) =	vadd.scan.msk.s32 $0xffff, v5;
	_ =	sdelay $0x5  }
0x42: {  	v5, _, _ =	vpop (xrf0)  }
0x43: {  	(v2sf) =	vpush v5, $0xF;
	_ =	sdelay $0xe  }
0x44: {  	s6 =	spop (v2sf)  }
0x45: {  	s2 =	sand.u32 $0xFFFFF80, s6  }
0x46: {  	s2 =	sadd.s32 s0, s2  }
0x47: {  	[tilespmem:s16], [sflag:$0x5] =	stream.strided.gather [hbm4b:s2+s12], $0x2000, s11, s12, $0x38;
	[tilespmem:$0x1E400] =	vst v63  }
0x48: {  	v5 =	vld [tilespmem:$0x0];
	_ =	sdelay $0x4  }
0x49: {  	v5 =	vsel vm5, $0x0, v5  }
0x4a: {  	(xrf0) =	vadd.scan.msk.s32 $0xffff, v5;
	_ =	sdelay $0x5  }
0x4b: {  	v5, _, _ =	vpop (xrf0)  }
0x4c: {  	(v2sf) =	vpush v5, $0xF;
	_ =	sdelay $0xe  }
0x4d: {  	s7 =	spop (v2sf)  }
0x4e: {  	s2 =	sand.u32 $0xFFFFF80, s7  }
0x4f: {  	s2 =	sadd.s32 s0, s2  }
0x50: {  	[tilespmem:s17], [sflag:$0x6] =	stream.strided.gather [hbm4b:s2+s12], $0x2000, s11, s12, $0x38;
	[tilespmem:$0x1E400] =	vst v63  }
0x51: {  	v5 =	vld [tilespmem:$0x0];
	_ =	sdelay $0x4  }
0x52: {  	v5 =	vsel vm6, $0x0, v5  }
0x53: {  	(xrf0) =	vadd.scan.msk.s32 $0xffff, v5;
	_ =	sdelay $0x5  }
0x54: {  	v5, _, _ =	vpop (xrf0)  }
0x55: {  	(v2sf) =	vpush v5, $0xF;
	_ =	sdelay $0xe  }
0x56: {  	s8 =	spop (v2sf)  }
0x57: {  	s2 =	sand.u32 $0xFFFFF80, s8  }
0x58: {  	s2 =	sadd.s32 s0, s2  }
0x59: {  	[tilespmem:s18], [sflag:$0x7] =	stream.strided.gather [hbm4b:s2+s12], $0x2000, s11, s12, $0x38;
	[tilespmem:$0x1E400] =	vst v63  }
0x5a: {  	v5 =	vld [tilespmem:$0x0];
	_ =	sdelay $0x4  }
0x5b: {  	v5 =	vsel vm7, $0x0, v5  }
0x5c: {  	(xrf0) =	vadd.scan.msk.s32 $0xffff, v5;
	_ =	sdelay $0x5  }
0x5d: {  	v5, _, _ =	vpop (xrf0)  }
0x5e: {  	(v2sf) =	vpush v5, $0xF;
	_ =	sdelay $0xe  }
0x5f: {  	s22 =	spop (v2sf)  }
0x60: {  	s2 =	sand.u32 $0xFFFFF80, s22  }
0x61: {  	s2 =	sadd.s32 s0, s2  }
0x62: {  	[tilespmem:s19], [sflag:$0x8] =	stream.strided.gather [hbm4b:s2+s12], $0x2000, s11, s12, $0x38;
	[tilespmem:$0x1E400] =	vst v63  }
0x63: {  	s23 =	rddreg [dreg:$0x9];
	s5 =	simm.s32 $0x200  }
0x64: {  	[tilespmem:s5], [sflag:$0x9] =	stream.linear.gather [hbm4b:s23+s4], $0x200, $0x38;
	[tilespmem:$0x1E400] =	vst v63  }
0x65: {  	_ =	swait.ge [sflag:s10], $0x200  }
0x66: {  	[sflag:s10] =	ssyncset.done $0x0  }
0x67: {  	[sflag:s10] =	ssyncadd.s32 $0xFFFFFE00  }
0x68: {  	s24 =	rddreg [dreg:$0x3]  }
0x69: {  	[tilespmem:s21], [sflag:$0x9] =	stream.linear.gather [hbm4b:s24+s4], $0x4000, $0x38;
	[tilespmem:$0x1E400] =	vst v63  }
0x6a: {  	_ =	swait.ge [sflag:s10], $0x4000  }
0x6b: {  	[sflag:s10] =	ssyncset.done $0x0  }
0x6c: {  	s2 =	simm.s32 $0x0;
	[sflag:s10] =	ssyncadd.s32 $0xFFFFC000  }
.LBB2_2:
0x6d: {  	s5 =	simm.s32 $0x200  }
0x6e: {  	v6 =	vld [tilespmem:s5+$0x0];
	_ =	sdelay $0x2  }
0x6f: {  	v5 =	vmov s2  }
0x70: {  	v7 =	vshll.u32 v5, $0xA;
	v5 =	vshll.u32 v5, $0x7  }
0x71: {  	v7 =	vand.u32 $0x2000, v7;
	v5 =	vand.u32 $0x380, v5;
	v8 =	vshll.u32 v6, $0x3  }
0x72: {  	v5 =	vor.u32 v5, v7;
	v7 =	vand.u32 $0xFFFFFC00, v8  }
0x73: {  	v6 =	vand.u32 $0x7F, v6;
	v7 =	vadd.s32 v5, v7  }
0x74: {  	v6 =	vor.u32 v6, v7;
	_ =	sdelay $0x3  }
0x75: {  	s7 =	sshll.u32 s2, $0x9;
	s6 =	sshll.u32 s2, $0x7  }
0x76: {  	s5 =	sand.u32 $0x1000, s7;
	s6 =	sand.u32 $0x380, s6;
	v6 =	vld.idx.msk [tilespmem:v6+s21+$0x0], $0xffff  }
0x77: {  	s23 =	simm.s32 $0x0;
	s5 =	sor.u32 s6, s5  }
0x78: {  	s8 =	sand.u32 $0xC00, s23;
	s22 =	sor.u32 $0x1C400, s5  }
0x79: {  	s24 =	sand.u32 $0x70, s23;
	s5 =	sadd.s32 s8, s22  }
0x7a: {  	s5 =	sadd.s32 s24, s5  }
0x7b: {  	[tilespmem:s5+$0x0] =	vst v6;
	s5 =	simm.s32 $0x210  }
0x7c: {  	s6 =	simm.s32 $0x20;
	s24 =	simm.s32 $0x10;
	v6 =	vld [tilespmem:s5+$0x0]  }
.LBB2_3:
0x7d: {  	p0 =	sne.s32 s6, $0x1F0;
	_ =	sdelay $0x3  }
0x7e: {  	v7 =	vshll.u32 v6, $0x3  }
0x7f: {  	v7 =	vand.u32 $0xFFFFFC00, v7  }
0x80: {  	v6 =	vand.u32 $0x7F, v6;
	v7 =	vadd.s32 v5, v7  }
0x81: {  	v6 =	vor.u32 v6, v7;
	_ =	sdelay $0x4  }
0x82: {  	v6 =	vld.idx.msk [tilespmem:v6+s21+$0x0], $0xffff;
	_ =	sdelay $0x1  }
0x83: {  	s23 =	sadd.s32 $0x80, s23  }
.Ltmp0:
0x84: {  	s7 =	sand.u32 $0xC00, s23;
	(pc) =	sbr.rel @p0 .LBB2_3-.Ltmp0, $4  }
0x85: {  	s8 =	sand.u32 $0x70, s24;
	s24 =	smov.u32 s6;
	s7 =	sadd.s32 s7, s22  }
0x86: {  	s7 =	sadd.s32 s8, s7  }
0x87: {  	s5 =	sadd.s32 $0x10, s5;
	[tilespmem:s7+$0x0] =	vst v6  }
0x88: {  	s6 =	sadd.s32 $0x10, s6;
	v6 =	vld [tilespmem:s5+$0x0]  }
0x89: {  	_ =	sdelay $0x3  }
0x8a: {  	v7 =	vshll.u32 v6, $0x3  }
0x8b: {  	v7 =	vand.u32 $0xFFFFFC00, v7  }
0x8c: {  	v6 =	vand.u32 $0x7F, v6;
	v5 =	vadd.s32 v5, v7  }
0x8d: {  	v5 =	vor.u32 v6, v5;
	_ =	sdelay $0x3  }
0x8e: {  	s2 =	sadd.s32 $0x1, s2  }
0x8f: {  	p0 =	sne.s32 s2, $0x10;
	v5 =	vld.idx.msk [tilespmem:v5+s21+$0x0], $0xffff  }
.Ltmp1:
0x90: {  	s5 =	sadd.s32 $0x80, s23;
	(pc) =	sbr.rel @p0 .LBB2_2-.Ltmp1, $4  }
0x91: {  	s5 =	sand.u32 $0xC00, s5  }
0x92: {  	s6 =	sand.u32 $0x70, s24;
	s5 =	sadd.s32 s5, s22  }
0x93: {  	s5 =	sadd.s32 s6, s5  }
0x94: {  	[tilespmem:s5+$0x0] =	vst v5  }
0x95: {  	s2 =	rddreg [dreg:$0xa]  }
0x96: {  	s5 =	simm.s32 $0x1000;
	s6 =	simm.s32 $0x20000;
	s7 =	simm.s32 $0x1C400  }
0x97: {  	[hbm4b:s2+s5] =	stream.strided.scatter [tilespmem:s7], [sflag:$0x9], $0x2000, s6, s5, $0x38;
	[tilespmem:$0x1E400] =	vst v63  }
0x98: {  	_ =	swait.ge [sflag:s10], $0x2000  }
0x99: {  	[sflag:s10] =	ssyncset.done $0x0  }
0x9a: {  	s23 =	simm.s32 $0x0;
	s22 =	simm.s32 $0x0;
	[sflag:s10] =	ssyncadd.s32 $0xFFFFE000  }
.LBB2_6:
0x9b: {  	_ =	swait.ge [sflag:s25], $0x2000  }
0x9c: {  	[sflag:s25] =	ssyncset.done $0x0  }
0x9d: {  	s2 =	sand.u32 $0x1F0, s23;
	[sflag:s25] =	ssyncadd.s32 $0xFFFFE000  }
0x9e: {  	v5 =	vld [tilespmem:s2+$0x0];
	_ =	sdelay $0x1  }
0x9f: {  	s5 =	sand.u32 $0x8, s23  }
0xa0: {  	v6 =	vmov s5  }
0xa1: {  	vm1 =	veq.s32 v6, v0  }
0xa2: {  	v5 =	vnsel vm1, $0x0, v5  }
0xa3: {  	(xrf0) =	vadd.scan.msk.s32 $0xffff, v5;
	_ =	sdelay $0x5  }
0xa4: {  	v5, _, _ =	vpop (xrf0)  }
0xa5: {  	(v2sf) =	vpush v5, $0xF;
	_ =	sdelay $0xe  }
0xa6: {  	s24 =	spop (v2sf)  }
0xa7: {  	s5 =	sand.u32 $0x7F, s24  }
0xa8: {  	v5 =	vor.u32 s5, v1;
	_ =	sdelay $0x4  }
0xa9: {  	v5 =	vld.idx.msk [tilespmem:v5+s12+$0x0], $0xffff  }
0xaa: {  	v6 =	vor.u32 s5, v2;
	_ =	sdelay $0x2  }
0xab: {  	s6 =	sand.u32 $0x7C00, s22  }
0xac: {  	[tilespmem:s6+$0x10400] =	vst v5  }
0xad: {  	v5 =	vld.idx.msk [tilespmem:v6+s12+$0x0], $0xffff  }
0xae: {  	v6 =	vor.u32 s5, v3;
	_ =	sdelay $0x3  }
0xaf: {  	[tilespmem:s6+$0x10410] =	vst v5  }
0xb0: {  	v5 =	vld.idx.msk [tilespmem:v6+s12+$0x0], $0xffff  }
0xb1: {  	v6 =	vor.u32 s5, v4;
	_ =	sdelay $0x3  }
0xb2: {  	[tilespmem:s6+$0x10420] =	vst v5  }
0xb3: {  	v5 =	vld.idx.msk [tilespmem:v6+s12+$0x0], $0xffff;
	_ =	sdelay $0x3  }
0xb4: {  	s24 =	sadd.s32 $0x8, s23  }
0xb5: {  	[tilespmem:s6+$0x10430] =	vst v5;
	s6 =	sand.u32 $0x3F0, s24  }
0xb6: {  	v5 =	vld [tilespmem:s6+$0x0];
	_ =	sdelay $0x1  }
0xb7: {  	s7 =	sand.u32 $0x8, s24  }
0xb8: {  	v6 =	vmov s7  }
0xb9: {  	vm1 =	veq.s32 v6, v0  }
0xba: {  	v5 =	vnsel vm1, $0x0, v5  }
0xbb: {  	(xrf0) =	vadd.scan.msk.s32 $0xffff, v5;
	_ =	sdelay $0x5  }
0xbc: {  	v5, _, _ =	vpop (xrf0)  }
0xbd: {  	(v2sf) =	vpush v5, $0xF;
	_ =	sdelay $0xe  }
0xbe: {  	s8 =	spop (v2sf)  }
0xbf: {  	s5 =	sand.u32 $0xFFFFF80, s8  }
0xc0: {  	s5 =	sadd.s32 s0, s5  }
0xc1: {  	[tilespmem:s12], [sflag:$0x1] =	stream.strided.gather [hbm4b:s5+s12], $0x2000, s11, s12, $0x38;
	[tilespmem:$0x1E400] =	vst v63  }
0xc2: {  	_ =	swait.ge [sflag:s26], $0x2000  }
0xc3: {  	[sflag:s26] =	ssyncset.done $0x0  }
0xc4: {  	[sflag:s26] =	ssyncadd.s32 $0xFFFFE000  }
0xc5: {  	v5 =	vld [tilespmem:s2+$0x0]  }
0xc6: {  	s6 =	sadd.s32 $0x1, s23  }
0xc7: {  	s5 =	sand.u32 $0x9, s6  }
0xc8: {  	v6 =	vmov s5  }
0xc9: {  	vm1 =	veq.s32 v6, v0  }
0xca: {  	v5 =	vnsel vm1, $0x0, v5  }
0xcb: {  	(xrf0) =	vadd.scan.msk.s32 $0xffff, v5;
	_ =	sdelay $0x5  }
0xcc: {  	v5, _, _ =	vpop (xrf0)  }
0xcd: {  	(v2sf) =	vpush v5, $0xF;
	_ =	sdelay $0xe  }
0xce: {  	s7 =	spop (v2sf)  }
0xcf: {  	s5 =	sand.u32 $0x7F, s7  }
0xd0: {  	v5 =	vor.u32 s5, v1;
	_ =	sdelay $0x4  }
0xd1: {  	v5 =	vld.idx.msk [tilespmem:v5+s13+$0x0], $0xffff  }
0xd2: {  	v6 =	vor.u32 s5, v2;
	_ =	sdelay $0x1  }
0xd3: {  	s8 =	sadd.s32 $0x80, s22  }
0xd4: {  	s6 =	sand.u32 $0x7C80, s8  }
0xd5: {  	[tilespmem:s6+$0x10400] =	vst v5  }
0xd6: {  	v5 =	vld.idx.msk [tilespmem:v6+s13+$0x0], $0xffff  }
0xd7: {  	v6 =	vor.u32 s5, v3;
	_ =	sdelay $0x3  }
0xd8: {  	[tilespmem:s6+$0x10410] =	vst v5  }
0xd9: {  	v5 =	vld.idx.msk [tilespmem:v6+s13+$0x0], $0xffff  }
0xda: {  	v6 =	vor.u32 s5, v4;
	_ =	sdelay $0x3  }
0xdb: {  	[tilespmem:s6+$0x10420] =	vst v5  }
0xdc: {  	v5 =	vld.idx.msk [tilespmem:v6+s13+$0x0], $0xffff;
	_ =	sdelay $0x3  }
0xdd: {  	s7 =	sadd.s32 $0x9, s23  }
0xde: {  	s8 =	sand.u32 $0x3F0, s7;
	[tilespmem:s6+$0x10430] =	vst v5  }
0xdf: {  	v5 =	vld [tilespmem:s8+$0x0];
	_ =	sdelay $0x1  }
0xe0: {  	s5 =	sand.u32 $0x9, s7  }
0xe1: {  	v6 =	vmov s5  }
0xe2: {  	vm1 =	veq.s32 v6, v0  }
0xe3: {  	v5 =	vnsel vm1, $0x0, v5  }
0xe4: {  	(xrf0) =	vadd.scan.msk.s32 $0xffff, v5;
	_ =	sdelay $0x5  }
0xe5: {  	v5, _, _ =	vpop (xrf0)  }
0xe6: {  	(v2sf) =	vpush v5, $0xF;
	_ =	sdelay $0xe  }
0xe7: {  	s7 =	spop (v2sf)  }
0xe8: {  	s5 =	sand.u32 $0xFFFFF80, s7  }
0xe9: {  	s5 =	sadd.s32 s0, s5  }
0xea: {  	[tilespmem:s13], [sflag:$0x2] =	stream.strided.gather [hbm4b:s5+s12], $0x2000, s11, s12, $0x38;
	[tilespmem:$0x1E400] =	vst v63  }
0xeb: {  	_ =	swait.ge [sflag:s28], $0x2000  }
0xec: {  	[sflag:s28] =	ssyncset.done $0x0  }
0xed: {  	[sflag:s28] =	ssyncadd.s32 $0xFFFFE000  }
0xee: {  	v5 =	vld [tilespmem:s2+$0x0]  }
0xef: {  	s8 =	sadd.s32 $0x2, s23  }
0xf0: {  	s5 =	sand.u32 $0xA, s8  }
0xf1: {  	v6 =	vmov s5  }
0xf2: {  	vm1 =	veq.s32 v6, v0  }
0xf3: {  	v5 =	vnsel vm1, $0x0, v5  }
0xf4: {  	(xrf0) =	vadd.scan.msk.s32 $0xffff, v5;
	_ =	sdelay $0x5  }
0xf5: {  	v5, _, _ =	vpop (xrf0)  }
0xf6: {  	(v2sf) =	vpush v5, $0xF;
	_ =	sdelay $0xe  }
0xf7: {  	s6 =	spop (v2sf)  }
0xf8: {  	s5 =	sand.u32 $0x7F, s6  }
0xf9: {  	v5 =	vor.u32 s5, v1;
	_ =	sdelay $0x4  }
0xfa: {  	v5 =	vld.idx.msk [tilespmem:v5+s14+$0x0], $0xffff  }
0xfb: {  	v6 =	vor.u32 s5, v2;
	_ =	sdelay $0x1  }
0xfc: {  	s7 =	sadd.s32 $0x100, s22  }
0xfd: {  	s6 =	sand.u32 $0x7D00, s7  }
0xfe: {  	[tilespmem:s6+$0x10400] =	vst v5  }
0xff: {  	v5 =	vld.idx.msk [tilespmem:v6+s14+$0x0], $0xffff  }
0x100: {  	v6 =	vor.u32 s5, v3;
	_ =	sdelay $0x3  }
0x101: {  	[tilespmem:s6+$0x10410] =	vst v5  }
0x102: {  	v5 =	vld.idx.msk [tilespmem:v6+s14+$0x0], $0xffff  }
0x103: {  	v6 =	vor.u32 s5, v4;
	_ =	sdelay $0x3  }
0x104: {  	[tilespmem:s6+$0x10420] =	vst v5  }
0x105: {  	v5 =	vld.idx.msk [tilespmem:v6+s14+$0x0], $0xffff;
	_ =	sdelay $0x3  }
0x106: {  	s8 =	sadd.s32 $0xA, s23  }
0x107: {  	s7 =	sand.u32 $0x3F0, s8;
	[tilespmem:s6+$0x10430] =	vst v5  }
0x108: {  	v5 =	vld [tilespmem:s7+$0x0];
	_ =	sdelay $0x1  }
0x109: {  	s5 =	sand.u32 $0xA, s8  }
0x10a: {  	v6 =	vmov s5  }
0x10b: {  	vm1 =	veq.s32 v6, v0  }
0x10c: {  	v5 =	vnsel vm1, $0x0, v5  }
0x10d: {  	(xrf0) =	vadd.scan.msk.s32 $0xffff, v5;
	_ =	sdelay $0x5  }
0x10e: {  	v5, _, _ =	vpop (xrf0)  }
0x10f: {  	(v2sf) =	vpush v5, $0xF;
	_ =	sdelay $0xe  }
0x110: {  	s8 =	spop (v2sf)  }
0x111: {  	s5 =	sand.u32 $0xFFFFF80, s8  }
0x112: {  	s5 =	sadd.s32 s0, s5  }
0x113: {  	[tilespmem:s14], [sflag:$0x3] =	stream.strided.gather [hbm4b:s5+s12], $0x2000, s11, s12, $0x38;
	[tilespmem:$0x1E400] =	vst v63  }
0x114: {  	_ =	swait.ge [sflag:s29], $0x2000  }
0x115: {  	[sflag:s29] =	ssyncset.done $0x0  }
0x116: {  	[sflag:s29] =	ssyncadd.s32 $0xFFFFE000  }
0x117: {  	v5 =	vld [tilespmem:s2+$0x0]  }
0x118: {  	s6 =	sadd.s32 $0x3, s23  }
0x119: {  	s5 =	sand.u32 $0xB, s6  }
0x11a: {  	v6 =	vmov s5  }
0x11b: {  	vm1 =	veq.s32 v6, v0  }
0x11c: {  	v5 =	vnsel vm1, $0x0, v5  }
0x11d: {  	(xrf0) =	vadd.scan.msk.s32 $0xffff, v5;
	_ =	sdelay $0x5  }
0x11e: {  	v5, _, _ =	vpop (xrf0)  }
0x11f: {  	(v2sf) =	vpush v5, $0xF;
	_ =	sdelay $0xe  }
0x120: {  	s7 =	spop (v2sf)  }
0x121: {  	s5 =	sand.u32 $0x7F, s7  }
0x122: {  	v5 =	vor.u32 s5, v1;
	_ =	sdelay $0x4  }
0x123: {  	v5 =	vld.idx.msk [tilespmem:v5+s15+$0x0], $0xffff  }
0x124: {  	v6 =	vor.u32 s5, v2;
	_ =	sdelay $0x1  }
0x125: {  	s8 =	sadd.s32 $0x180, s22  }
0x126: {  	s6 =	sand.u32 $0x7D80, s8  }
0x127: {  	[tilespmem:s6+$0x10400] =	vst v5  }
0x128: {  	v5 =	vld.idx.msk [tilespmem:v6+s15+$0x0], $0xffff  }
0x129: {  	v6 =	vor.u32 s5, v3;
	_ =	sdelay $0x3  }
0x12a: {  	[tilespmem:s6+$0x10410] =	vst v5  }
0x12b: {  	v5 =	vld.idx.msk [tilespmem:v6+s15+$0x0], $0xffff  }
0x12c: {  	v6 =	vor.u32 s5, v4;
	_ =	sdelay $0x3  }
0x12d: {  	[tilespmem:s6+$0x10420] =	vst v5  }
0x12e: {  	v5 =	vld.idx.msk [tilespmem:v6+s15+$0x0], $0xffff;
	_ =	sdelay $0x3  }
0x12f: {  	s7 =	sadd.s32 $0xB, s23  }
0x130: {  	s8 =	sand.u32 $0x3F0, s7;
	[tilespmem:s6+$0x10430] =	vst v5  }
0x131: {  	v5 =	vld [tilespmem:s8+$0x0];
	_ =	sdelay $0x1  }
0x132: {  	s5 =	sand.u32 $0xB, s7  }
0x133: {  	v6 =	vmov s5  }
0x134: {  	vm1 =	veq.s32 v6, v0  }
0x135: {  	v5 =	vnsel vm1, $0x0, v5  }
0x136: {  	(xrf0) =	vadd.scan.msk.s32 $0xffff, v5;
	_ =	sdelay $0x5  }
0x137: {  	v5, _, _ =	vpop (xrf0)  }
0x138: {  	(v2sf) =	vpush v5, $0xF;
	_ =	sdelay $0xe  }
0x139: {  	s7 =	spop (v2sf)  }
0x13a: {  	s5 =	sand.u32 $0xFFFFF80, s7  }
0x13b: {  	s5 =	sadd.s32 s0, s5  }
0x13c: {  	[tilespmem:s15], [sflag:$0x4] =	stream.strided.gather [hbm4b:s5+s12], $0x2000, s11, s12, $0x38;
	[tilespmem:$0x1E400] =	vst v63  }
0x13d: {  	_ =	swait.ge [sflag:s30], $0x2000  }
0x13e: {  	[sflag:s30] =	ssyncset.done $0x0  }
0x13f: {  	[sflag:s30] =	ssyncadd.s32 $0xFFFFE000  }
0x140: {  	v5 =	vld [tilespmem:s2+$0x0]  }
0x141: {  	s8 =	sadd.s32 $0x4, s23  }
0x142: {  	s5 =	sand.u32 $0xC, s8  }
0x143: {  	v6 =	vmov s5  }
0x144: {  	vm1 =	veq.s32 v6, v0  }
0x145: {  	v5 =	vnsel vm1, $0x0, v5  }
0x146: {  	(xrf0) =	vadd.scan.msk.s32 $0xffff, v5;
	_ =	sdelay $0x5  }
0x147: {  	v5, _, _ =	vpop (xrf0)  }
0x148: {  	(v2sf) =	vpush v5, $0xF;
	_ =	sdelay $0xe  }
0x149: {  	s6 =	spop (v2sf)  }
0x14a: {  	s5 =	sand.u32 $0x7F, s6  }
0x14b: {  	v5 =	vor.u32 s5, v1;
	_ =	sdelay $0x4  }
0x14c: {  	v5 =	vld.idx.msk [tilespmem:v5+s16+$0x0], $0xffff  }
0x14d: {  	v6 =	vor.u32 s5, v2;
	_ =	sdelay $0x1  }
0x14e: {  	s7 =	sadd.s32 $0x200, s22  }
0x14f: {  	s6 =	sand.u32 $0x7E00, s7  }
0x150: {  	[tilespmem:s6+$0x10400] =	vst v5  }
0x151: {  	v5 =	vld.idx.msk [tilespmem:v6+s16+$0x0], $0xffff  }
0x152: {  	v6 =	vor.u32 s5, v3;
	_ =	sdelay $0x3  }
0x153: {  	[tilespmem:s6+$0x10410] =	vst v5  }
0x154: {  	v5 =	vld.idx.msk [tilespmem:v6+s16+$0x0], $0xffff  }
0x155: {  	v6 =	vor.u32 s5, v4;
	_ =	sdelay $0x3  }
0x156: {  	[tilespmem:s6+$0x10420] =	vst v5  }
0x157: {  	v5 =	vld.idx.msk [tilespmem:v6+s16+$0x0], $0xffff;
	_ =	sdelay $0x3  }
0x158: {  	s8 =	sadd.s32 $0xC, s23  }
0x159: {  	s7 =	sand.u32 $0x3F0, s8;
	[tilespmem:s6+$0x10430] =	vst v5  }
0x15a: {  	v5 =	vld [tilespmem:s7+$0x0];
	_ =	sdelay $0x1  }
0x15b: {  	s5 =	sand.u32 $0xC, s8  }
0x15c: {  	v6 =	vmov s5  }
0x15d: {  	vm1 =	veq.s32 v6, v0  }
0x15e: {  	v5 =	vnsel vm1, $0x0, v5  }
0x15f: {  	(xrf0) =	vadd.scan.msk.s32 $0xffff, v5;
	_ =	sdelay $0x5  }
0x160: {  	v5, _, _ =	vpop (xrf0)  }
0x161: {  	(v2sf) =	vpush v5, $0xF;
	_ =	sdelay $0xe  }
0x162: {  	s8 =	spop (v2sf)  }
0x163: {  	s5 =	sand.u32 $0xFFFFF80, s8  }
0x164: {  	s5 =	sadd.s32 s0, s5  }
0x165: {  	[tilespmem:s16], [sflag:$0x5] =	stream.strided.gather [hbm4b:s5+s12], $0x2000, s11, s12, $0x38;
	[tilespmem:$0x1E400] =	vst v63  }
0x166: {  	_ =	swait.ge [sflag:s31], $0x2000  }
0x167: {  	[sflag:s31] =	ssyncset.done $0x0  }
0x168: {  	[sflag:s31] =	ssyncadd.s32 $0xFFFFE000  }
0x169: {  	v5 =	vld [tilespmem:s2+$0x0]  }
0x16a: {  	s6 =	sadd.s32 $0x5, s23  }
0x16b: {  	s5 =	sand.u32 $0xD, s6  }
0x16c: {  	v6 =	vmov s5  }
0x16d: {  	vm1 =	veq.s32 v6, v0  }
0x16e: {  	v5 =	vnsel vm1, $0x0, v5  }
0x16f: {  	(xrf0) =	vadd.scan.msk.s32 $0xffff, v5;
	_ =	sdelay $0x5  }
0x170: {  	v5, _, _ =	vpop (xrf0)  }
0x171: {  	(v2sf) =	vpush v5, $0xF;
	_ =	sdelay $0xe  }
0x172: {  	s7 =	spop (v2sf)  }
0x173: {  	s5 =	sand.u32 $0x7F, s7  }
0x174: {  	v5 =	vor.u32 s5, v1;
	_ =	sdelay $0x4  }
0x175: {  	v5 =	vld.idx.msk [tilespmem:v5+s17+$0x0], $0xffff  }
0x176: {  	v6 =	vor.u32 s5, v2;
	_ =	sdelay $0x1  }
0x177: {  	s8 =	sadd.s32 $0x280, s22  }
0x178: {  	s6 =	sand.u32 $0x7E80, s8  }
0x179: {  	[tilespmem:s6+$0x10400] =	vst v5  }
0x17a: {  	v5 =	vld.idx.msk [tilespmem:v6+s17+$0x0], $0xffff  }
0x17b: {  	v6 =	vor.u32 s5, v3;
	_ =	sdelay $0x3  }
0x17c: {  	[tilespmem:s6+$0x10410] =	vst v5  }
0x17d: {  	v5 =	vld.idx.msk [tilespmem:v6+s17+$0x0], $0xffff  }
0x17e: {  	v6 =	vor.u32 s5, v4;
	_ =	sdelay $0x3  }
0x17f: {  	[tilespmem:s6+$0x10420] =	vst v5  }
0x180: {  	v5 =	vld.idx.msk [tilespmem:v6+s17+$0x0], $0xffff;
	_ =	sdelay $0x3  }
0x181: {  	s7 =	sadd.s32 $0xD, s23  }
0x182: {  	s8 =	sand.u32 $0x3F0, s7;
	[tilespmem:s6+$0x10430] =	vst v5  }
0x183: {  	v5 =	vld [tilespmem:s8+$0x0];
	_ =	sdelay $0x1  }
0x184: {  	s5 =	sand.u32 $0xD, s7  }
0x185: {  	v6 =	vmov s5  }
0x186: {  	vm1 =	veq.s32 v6, v0  }
0x187: {  	v5 =	vnsel vm1, $0x0, v5  }
0x188: {  	(xrf0) =	vadd.scan.msk.s32 $0xffff, v5;
	_ =	sdelay $0x5  }
0x189: {  	v5, _, _ =	vpop (xrf0)  }
0x18a: {  	(v2sf) =	vpush v5, $0xF;
	_ =	sdelay $0xe  }
0x18b: {  	s7 =	spop (v2sf)  }
0x18c: {  	s5 =	sand.u32 $0xFFFFF80, s7  }
0x18d: {  	s5 =	sadd.s32 s0, s5  }
0x18e: {  	[tilespmem:s17], [sflag:$0x6] =	stream.strided.gather [hbm4b:s5+s12], $0x2000, s11, s12, $0x38;
	[tilespmem:$0x1E400] =	vst v63  }
0x18f: {  	_ =	swait.ge [sflag:s1], $0x2000  }
0x190: {  	[sflag:s1] =	ssyncset.done $0x0  }
0x191: {  	[sflag:s1] =	ssyncadd.s32 $0xFFFFE000  }
0x192: {  	v5 =	vld [tilespmem:s2+$0x0]  }
0x193: {  	s8 =	sadd.s32 $0x6, s23  }
0x194: {  	s5 =	sand.u32 $0xE, s8  }
0x195: {  	v6 =	vmov s5  }
0x196: {  	vm1 =	veq.s32 v6, v0  }
0x197: {  	v5 =	vnsel vm1, $0x0, v5  }
0x198: {  	(xrf0) =	vadd.scan.msk.s32 $0xffff, v5;
	_ =	sdelay $0x5  }
0x199: {  	v5, _, _ =	vpop (xrf0)  }
0x19a: {  	(v2sf) =	vpush v5, $0xF;
	_ =	sdelay $0xe  }
0x19b: {  	s6 =	spop (v2sf)  }
0x19c: {  	s5 =	sand.u32 $0x7F, s6  }
0x19d: {  	v5 =	vor.u32 s5, v1;
	_ =	sdelay $0x4  }
0x19e: {  	v5 =	vld.idx.msk [tilespmem:v5+s18+$0x0], $0xffff  }
0x19f: {  	v6 =	vor.u32 s5, v2;
	_ =	sdelay $0x1  }
0x1a0: {  	s7 =	sadd.s32 $0x300, s22  }
0x1a1: {  	s6 =	sand.u32 $0x7F00, s7  }
0x1a2: {  	[tilespmem:s6+$0x10400] =	vst v5  }
0x1a3: {  	v5 =	vld.idx.msk [tilespmem:v6+s18+$0x0], $0xffff  }
0x1a4: {  	v6 =	vor.u32 s5, v3;
	_ =	sdelay $0x3  }
0x1a5: {  	[tilespmem:s6+$0x10410] =	vst v5  }
0x1a6: {  	v5 =	vld.idx.msk [tilespmem:v6+s18+$0x0], $0xffff  }
0x1a7: {  	v6 =	vor.u32 s5, v4;
	_ =	sdelay $0x3  }
0x1a8: {  	[tilespmem:s6+$0x10420] =	vst v5  }
0x1a9: {  	v5 =	vld.idx.msk [tilespmem:v6+s18+$0x0], $0xffff;
	_ =	sdelay $0x3  }
0x1aa: {  	s8 =	sadd.s32 $0xE, s23  }
0x1ab: {  	s7 =	sand.u32 $0x3F0, s8;
	[tilespmem:s6+$0x10430] =	vst v5  }
0x1ac: {  	v5 =	vld [tilespmem:s7+$0x0];
	_ =	sdelay $0x1  }
0x1ad: {  	s5 =	sand.u32 $0xE, s8  }
0x1ae: {  	v6 =	vmov s5  }
0x1af: {  	vm1 =	veq.s32 v6, v0  }
0x1b0: {  	v5 =	vnsel vm1, $0x0, v5  }
0x1b1: {  	(xrf0) =	vadd.scan.msk.s32 $0xffff, v5;
	_ =	sdelay $0x5  }
0x1b2: {  	v5, _, _ =	vpop (xrf0)  }
0x1b3: {  	(v2sf) =	vpush v5, $0xF;
	_ =	sdelay $0xe  }
0x1b4: {  	s8 =	spop (v2sf)  }
0x1b5: {  	s5 =	sand.u32 $0xFFFFF80, s8  }
0x1b6: {  	s5 =	sadd.s32 s0, s5  }
0x1b7: {  	[tilespmem:s18], [sflag:$0x7] =	stream.strided.gather [hbm4b:s5+s12], $0x2000, s11, s12, $0x38;
	[tilespmem:$0x1E400] =	vst v63  }
0x1b8: {  	_ =	swait.ge [sflag:s3], $0x2000  }
0x1b9: {  	[sflag:s3] =	ssyncset.done $0x0  }
0x1ba: {  	[sflag:s3] =	ssyncadd.s32 $0xFFFFE000  }
0x1bb: {  	v5 =	vld [tilespmem:s2+$0x0]  }
0x1bc: {  	s6 =	sadd.s32 $0x7, s23  }
0x1bd: {  	s2 =	sand.u32 $0xF, s6  }
0x1be: {  	v6 =	vmov s2  }
0x1bf: {  	vm1 =	veq.s32 v6, v0  }
0x1c0: {  	v5 =	vnsel vm1, $0x0, v5  }
0x1c1: {  	(xrf0) =	vadd.scan.msk.s32 $0xffff, v5;
	_ =	sdelay $0x5  }
0x1c2: {  	v5, _, _ =	vpop (xrf0)  }
0x1c3: {  	(v2sf) =	vpush v5, $0xF;
	_ =	sdelay $0xe  }
0x1c4: {  	s7 =	spop (v2sf)  }
0x1c5: {  	s2 =	sand.u32 $0x7F, s7  }
0x1c6: {  	v5 =	vor.u32 s2, v1;
	_ =	sdelay $0x4  }
0x1c7: {  	v5 =	vld.idx.msk [tilespmem:v5+s19+$0x0], $0xffff  }
0x1c8: {  	v6 =	vor.u32 s2, v2;
	_ =	sdelay $0x1  }
0x1c9: {  	s8 =	sadd.s32 $0x380, s22  }
0x1ca: {  	s5 =	sand.u32 $0x7F80, s8  }
0x1cb: {  	[tilespmem:s5+$0x10400] =	vst v5  }
0x1cc: {  	v5 =	vld.idx.msk [tilespmem:v6+s19+$0x0], $0xffff  }
0x1cd: {  	v6 =	vor.u32 s2, v3;
	_ =	sdelay $0x3  }
0x1ce: {  	[tilespmem:s5+$0x10410] =	vst v5  }
0x1cf: {  	v5 =	vld.idx.msk [tilespmem:v6+s19+$0x0], $0xffff  }
0x1d0: {  	v6 =	vor.u32 s2, v4;
	_ =	sdelay $0x3  }
0x1d1: {  	[tilespmem:s5+$0x10420] =	vst v5  }
0x1d2: {  	v5 =	vld.idx.msk [tilespmem:v6+s19+$0x0], $0xffff;
	_ =	sdelay $0x3  }
0x1d3: {  	s6 =	sadd.s32 $0xF, s23  }
0x1d4: {  	s7 =	sand.u32 $0x3F0, s6;
	[tilespmem:s5+$0x10430] =	vst v5  }
0x1d5: {  	v5 =	vld [tilespmem:s7+$0x0];
	_ =	sdelay $0x1  }
0x1d6: {  	s2 =	sand.u32 $0xF, s6  }
0x1d7: {  	v6 =	vmov s2  }
0x1d8: {  	vm1 =	veq.s32 v6, v0  }
0x1d9: {  	v5 =	vnsel vm1, $0x0, v5  }
0x1da: {  	(xrf0) =	vadd.scan.msk.s32 $0xffff, v5;
	_ =	sdelay $0x5  }
0x1db: {  	v5, _, _ =	vpop (xrf0)  }
0x1dc: {  	(v2sf) =	vpush v5, $0xF;
	_ =	sdelay $0xe  }
0x1dd: {  	s8 =	spop (v2sf)  }
0x1de: {  	s2 =	sand.u32 $0xFFFFF80, s8  }
0x1df: {  	p0 =	sne.s32 s23, $0xF8;
	p1 =	sne.s32 s24, $0x1F8;
	s2 =	sadd.s32 s0, s2  }
0x1e0: {  	[tilespmem:s19], [sflag:$0x8] =	stream.strided.gather [hbm4b:s2+s12], $0x2000, s11, s12, $0x38;
	[tilespmem:$0x1E400] =	vst v63  }
0x1e1: {  	s6 =	simm.s32 @!p0 $0x10400;
	s5 =	simm.s32 @!p0 $0x0;
	s2 =	rddreg [dreg:$0x7]  }
0x1e2: {  	[hbm4b:s2+s5] =	stream.linear.scatter @!p0 [tilespmem:s6], [sflag:$0x9], $0x8000, $0x38;
	[tilespmem:$0x1E400] =	vst v63  }
.Ltmp2:
0x1e3: {  	_ = 	snop;
	(pc) =	sbr.rel @p1 .LBB2_6-.Ltmp2, $4  }
0x1e4: {  	s2 =	simm.s32 @!p0 $0x9  }
0x1e5: {  	_ =	swait.ge @!p0 [sflag:s2], $0x8000  }
0x1e6: {  	[sflag:s2] =	ssyncset.done @!p0 $0x0  }
0x1e7: {  	s22 =	sadd.s32 $0x400, s22;
	s23 =	smov.u32 s24;
	[sflag:s2] =	ssyncadd.s32 @!p0 $0xFFFF8000  }
0x1e8: {  	_ =	swait.ge [sflag:s25], $0x2000  }
0x1e9: {  	[sflag:s25] =	ssyncset.done $0x0  }
0x1ea: {  	[sflag:s25] =	ssyncadd.s32 $0xFFFFE000  }
0x1eb: {  	v5 =	vld [tilespmem:$0x1F0];
	_ =	sdelay $0x4  }
0x1ec: {  	v5 =	vsel vm8, $0x0, v5  }
0x1ed: {  	(xrf0) =	vadd.scan.msk.s32 $0xffff, v5;
	_ =	sdelay $0x5  }
0x1ee: {  	v5, _, _ =	vpop (xrf0)  }
0x1ef: {  	(v2sf) =	vpush v5, $0xF;
	_ =	sdelay $0xe  }
0x1f0: {  	s2 =	spop (v2sf)  }
0x1f1: {  	s2 =	sand.u32 $0x7F, s2  }
0x1f2: {  	v5 =	vor.u32 s2, v1;
	_ =	sdelay $0x4  }
0x1f3: {  	v5 =	vld.idx.msk [tilespmem:v5+s12+$0x0], $0xffff  }
0x1f4: {  	v6 =	vor.u32 s2, v2;
	_ =	sdelay $0x3  }
0x1f5: {  	[tilespmem:$0x18000] =	vst v5  }
0x1f6: {  	v5 =	vld.idx.msk [tilespmem:v6+s12+$0x0], $0xffff  }
0x1f7: {  	v6 =	vor.u32 s2, v3;
	_ =	sdelay $0x3  }
0x1f8: {  	[tilespmem:$0x18010] =	vst v5  }
0x1f9: {  	v5 =	vld.idx.msk [tilespmem:v6+s12+$0x0], $0xffff  }
0x1fa: {  	v6 =	vor.u32 s2, v4;
	_ =	sdelay $0x3  }
0x1fb: {  	[tilespmem:$0x18020] =	vst v5  }
0x1fc: {  	v5 =	vld.idx.msk [tilespmem:v6+s12+$0x0], $0xffff;
	_ =	sdelay $0x4  }
0x1fd: {  	[tilespmem:$0x18030] =	vst v5  }
0x1fe: {  	_ =	swait.ge [sflag:s26], $0x2000  }
0x1ff: {  	[sflag:s26] =	ssyncset.done $0x0  }
0x200: {  	[sflag:s26] =	ssyncadd.s32 $0xFFFFE000  }
0x201: {  	v5 =	vld [tilespmem:$0x1F0];
	_ =	sdelay $0x4  }
0x202: {  	v5 =	vsel vm9, $0x0, v5  }
0x203: {  	(xrf0) =	vadd.scan.msk.s32 $0xffff, v5;
	_ =	sdelay $0x5  }
0x204: {  	v5, _, _ =	vpop (xrf0)  }
0x205: {  	(v2sf) =	vpush v5, $0xF;
	_ =	sdelay $0xe  }
0x206: {  	s24 =	spop (v2sf)  }
0x207: {  	s2 =	sand.u32 $0x7F, s24  }
0x208: {  	v5 =	vor.u32 s2, v1;
	_ =	sdelay $0x4  }
0x209: {  	v5 =	vld.idx.msk [tilespmem:v5+s13+$0x0], $0xffff  }
0x20a: {  	v6 =	vor.u32 s2, v2;
	_ =	sdelay $0x3  }
0x20b: {  	[tilespmem:$0x18080] =	vst v5  }
0x20c: {  	v5 =	vld.idx.msk [tilespmem:v6+s13+$0x0], $0xffff  }
0x20d: {  	v6 =	vor.u32 s2, v3;
	_ =	sdelay $0x3  }
0x20e: {  	[tilespmem:$0x18090] =	vst v5  }
0x20f: {  	v5 =	vld.idx.msk [tilespmem:v6+s13+$0x0], $0xffff  }
0x210: {  	v6 =	vor.u32 s2, v4;
	_ =	sdelay $0x3  }
0x211: {  	[tilespmem:$0x180A0] =	vst v5  }
0x212: {  	v5 =	vld.idx.msk [tilespmem:v6+s13+$0x0], $0xffff;
	_ =	sdelay $0x4  }
0x213: {  	[tilespmem:$0x180B0] =	vst v5  }
0x214: {  	_ =	swait.ge [sflag:s28], $0x2000  }
0x215: {  	[sflag:s28] =	ssyncset.done $0x0  }
0x216: {  	[sflag:s28] =	ssyncadd.s32 $0xFFFFE000  }
0x217: {  	v5 =	vld [tilespmem:$0x1F0];
	_ =	sdelay $0x4  }
0x218: {  	v5 =	vsel vm10, $0x0, v5  }
0x219: {  	(xrf0) =	vadd.scan.msk.s32 $0xffff, v5;
	_ =	sdelay $0x5  }
0x21a: {  	v5, _, _ =	vpop (xrf0)  }
0x21b: {  	(v2sf) =	vpush v5, $0xF;
	_ =	sdelay $0xe  }
0x21c: {  	s5 =	spop (v2sf)  }
0x21d: {  	s2 =	sand.u32 $0x7F, s5  }
0x21e: {  	v5 =	vor.u32 s2, v1;
	_ =	sdelay $0x4  }
0x21f: {  	v5 =	vld.idx.msk [tilespmem:v5+s14+$0x0], $0xffff  }
0x220: {  	v6 =	vor.u32 s2, v2;
	_ =	sdelay $0x3  }
0x221: {  	[tilespmem:$0x18100] =	vst v5  }
0x222: {  	v5 =	vld.idx.msk [tilespmem:v6+s14+$0x0], $0xffff  }
0x223: {  	v6 =	vor.u32 s2, v3;
	_ =	sdelay $0x3  }
0x224: {  	[tilespmem:$0x18110] =	vst v5  }
0x225: {  	v5 =	vld.idx.msk [tilespmem:v6+s14+$0x0], $0xffff  }
0x226: {  	v6 =	vor.u32 s2, v4;
	_ =	sdelay $0x3  }
0x227: {  	[tilespmem:$0x18120] =	vst v5  }
0x228: {  	v5 =	vld.idx.msk [tilespmem:v6+s14+$0x0], $0xffff;
	_ =	sdelay $0x4  }
0x229: {  	[tilespmem:$0x18130] =	vst v5  }
0x22a: {  	_ =	swait.ge [sflag:s29], $0x2000  }
0x22b: {  	[sflag:s29] =	ssyncset.done $0x0  }
0x22c: {  	[sflag:s29] =	ssyncadd.s32 $0xFFFFE000  }
0x22d: {  	v5 =	vld [tilespmem:$0x1F0];
	_ =	sdelay $0x4  }
0x22e: {  	v5 =	vsel vm11, $0x0, v5  }
0x22f: {  	(xrf0) =	vadd.scan.msk.s32 $0xffff, v5;
	_ =	sdelay $0x5  }
0x230: {  	v5, _, _ =	vpop (xrf0)  }
0x231: {  	(v2sf) =	vpush v5, $0xF;
	_ =	sdelay $0xe  }
0x232: {  	s6 =	spop (v2sf)  }
0x233: {  	s2 =	sand.u32 $0x7F, s6  }
0x234: {  	v5 =	vor.u32 s2, v1;
	_ =	sdelay $0x4  }
0x235: {  	v5 =	vld.idx.msk [tilespmem:v5+s15+$0x0], $0xffff  }
0x236: {  	v6 =	vor.u32 s2, v2;
	_ =	sdelay $0x3  }
0x237: {  	[tilespmem:$0x18180] =	vst v5  }
0x238: {  	v5 =	vld.idx.msk [tilespmem:v6+s15+$0x0], $0xffff  }
0x239: {  	v6 =	vor.u32 s2, v3;
	_ =	sdelay $0x3  }
0x23a: {  	[tilespmem:$0x18190] =	vst v5  }
0x23b: {  	v5 =	vld.idx.msk [tilespmem:v6+s15+$0x0], $0xffff  }
0x23c: {  	v6 =	vor.u32 s2, v4;
	_ =	sdelay $0x3  }
0x23d: {  	[tilespmem:$0x181A0] =	vst v5  }
0x23e: {  	v5 =	vld.idx.msk [tilespmem:v6+s15+$0x0], $0xffff;
	_ =	sdelay $0x4  }
0x23f: {  	[tilespmem:$0x181B0] =	vst v5  }
0x240: {  	_ =	swait.ge [sflag:s30], $0x2000  }
0x241: {  	[sflag:s30] =	ssyncset.done $0x0  }
0x242: {  	[sflag:s30] =	ssyncadd.s32 $0xFFFFE000  }
0x243: {  	v5 =	vld [tilespmem:$0x1F0];
	_ =	sdelay $0x4  }
0x244: {  	v5 =	vsel vm12, $0x0, v5  }
0x245: {  	(xrf0) =	vadd.scan.msk.s32 $0xffff, v5;
	_ =	sdelay $0x5  }
0x246: {  	v5, _, _ =	vpop (xrf0)  }
0x247: {  	(v2sf) =	vpush v5, $0xF;
	_ =	sdelay $0xe  }
0x248: {  	s7 =	spop (v2sf)  }
0x249: {  	s2 =	sand.u32 $0x7F, s7  }
0x24a: {  	v5 =	vor.u32 s2, v1;
	_ =	sdelay $0x4  }
0x24b: {  	v5 =	vld.idx.msk [tilespmem:v5+s16+$0x0], $0xffff  }
0x24c: {  	v6 =	vor.u32 s2, v2;
	_ =	sdelay $0x3  }
0x24d: {  	[tilespmem:$0x18200] =	vst v5  }
0x24e: {  	v5 =	vld.idx.msk [tilespmem:v6+s16+$0x0], $0xffff  }
0x24f: {  	v6 =	vor.u32 s2, v3;
	_ =	sdelay $0x3  }
0x250: {  	[tilespmem:$0x18210] =	vst v5  }
0x251: {  	v5 =	vld.idx.msk [tilespmem:v6+s16+$0x0], $0xffff  }
0x252: {  	v6 =	vor.u32 s2, v4;
	_ =	sdelay $0x3  }
0x253: {  	[tilespmem:$0x18220] =	vst v5  }
0x254: {  	v5 =	vld.idx.msk [tilespmem:v6+s16+$0x0], $0xffff;
	_ =	sdelay $0x4  }
0x255: {  	[tilespmem:$0x18230] =	vst v5  }
0x256: {  	_ =	swait.ge [sflag:s31], $0x2000  }
0x257: {  	[sflag:s31] =	ssyncset.done $0x0  }
0x258: {  	[sflag:s31] =	ssyncadd.s32 $0xFFFFE000  }
0x259: {  	v5 =	vld [tilespmem:$0x1F0];
	_ =	sdelay $0x4  }
0x25a: {  	v5 =	vsel vm13, $0x0, v5  }
0x25b: {  	(xrf0) =	vadd.scan.msk.s32 $0xffff, v5;
	_ =	sdelay $0x5  }
0x25c: {  	v5, _, _ =	vpop (xrf0)  }
0x25d: {  	(v2sf) =	vpush v5, $0xF;
	_ =	sdelay $0xe  }
0x25e: {  	s8 =	spop (v2sf)  }
0x25f: {  	s2 =	sand.u32 $0x7F, s8  }
0x260: {  	v5 =	vor.u32 s2, v1;
	_ =	sdelay $0x4  }
0x261: {  	v5 =	vld.idx.msk [tilespmem:v5+s17+$0x0], $0xffff  }
0x262: {  	v6 =	vor.u32 s2, v2;
	_ =	sdelay $0x3  }
0x263: {  	[tilespmem:$0x18280] =	vst v5  }
0x264: {  	v5 =	vld.idx.msk [tilespmem:v6+s17+$0x0], $0xffff  }
0x265: {  	v6 =	vor.u32 s2, v3;
	_ =	sdelay $0x3  }
0x266: {  	[tilespmem:$0x18290] =	vst v5  }
0x267: {  	v5 =	vld.idx.msk [tilespmem:v6+s17+$0x0], $0xffff  }
0x268: {  	v6 =	vor.u32 s2, v4;
	_ =	sdelay $0x3  }
0x269: {  	[tilespmem:$0x182A0] =	vst v5  }
0x26a: {  	v5 =	vld.idx.msk [tilespmem:v6+s17+$0x0], $0xffff;
	_ =	sdelay $0x4  }
0x26b: {  	[tilespmem:$0x182B0] =	vst v5  }
0x26c: {  	_ =	swait.ge [sflag:s1], $0x2000  }
0x26d: {  	[sflag:s1] =	ssyncset.done $0x0  }
0x26e: {  	[sflag:s1] =	ssyncadd.s32 $0xFFFFE000  }
0x26f: {  	v5 =	vld [tilespmem:$0x1F0];
	_ =	sdelay $0x4  }
0x270: {  	v5 =	vsel vm14, $0x0, v5  }
0x271: {  	(xrf0) =	vadd.scan.msk.s32 $0xffff, v5;
	_ =	sdelay $0x5  }
0x272: {  	v5, _, _ =	vpop (xrf0)  }
0x273: {  	(v2sf) =	vpush v5, $0xF;
	_ =	sdelay $0xe  }
0x274: {  	s22 =	spop (v2sf)  }
0x275: {  	s2 =	sand.u32 $0x7F, s22  }
0x276: {  	v5 =	vor.u32 s2, v1;
	_ =	sdelay $0x4  }
0x277: {  	v5 =	vld.idx.msk [tilespmem:v5+s18+$0x0], $0xffff  }
0x278: {  	v6 =	vor.u32 s2, v2;
	_ =	sdelay $0x3  }
0x279: {  	[tilespmem:$0x18300] =	vst v5  }
0x27a: {  	v5 =	vld.idx.msk [tilespmem:v6+s18+$0x0], $0xffff  }
0x27b: {  	v6 =	vor.u32 s2, v3;
	_ =	sdelay $0x3  }
0x27c: {  	[tilespmem:$0x18310] =	vst v5  }
0x27d: {  	v5 =	vld.idx.msk [tilespmem:v6+s18+$0x0], $0xffff  }
0x27e: {  	v6 =	vor.u32 s2, v4;
	_ =	sdelay $0x3  }
0x27f: {  	[tilespmem:$0x18320] =	vst v5  }
0x280: {  	v5 =	vld.idx.msk [tilespmem:v6+s18+$0x0], $0xffff;
	_ =	sdelay $0x4  }
0x281: {  	[tilespmem:$0x18330] =	vst v5  }
0x282: {  	_ =	swait.ge [sflag:s3], $0x2000  }
0x283: {  	[sflag:s3] =	ssyncset.done $0x0  }
0x284: {  	[sflag:s3] =	ssyncadd.s32 $0xFFFFE000  }
0x285: {  	v5 =	vld [tilespmem:$0x1F0];
	_ =	sdelay $0x4  }
0x286: {  	v5 =	vsel vm15, $0x0, v5  }
0x287: {  	(xrf0) =	vadd.scan.msk.s32 $0xffff, v5;
	_ =	sdelay $0x5  }
0x288: {  	v5, _, _ =	vpop (xrf0)  }
0x289: {  	(v2sf) =	vpush v5, $0xF;
	_ =	sdelay $0xe  }
0x28a: {  	s23 =	spop (v2sf)  }
0x28b: {  	s2 =	sand.u32 $0x7F, s23  }
0x28c: {  	v5 =	vor.u32 s2, v1;
	_ =	sdelay $0x4  }
0x28d: {  	v5 =	vld.idx.msk [tilespmem:v5+s19+$0x0], $0xffff  }
0x28e: {  	v6 =	vor.u32 s2, v2;
	_ =	sdelay $0x3  }
0x28f: {  	[tilespmem:$0x18380] =	vst v5  }
0x290: {  	v5 =	vld.idx.msk [tilespmem:v6+s19+$0x0], $0xffff  }
0x291: {  	v6 =	vor.u32 s2, v3;
	_ =	sdelay $0x3  }
0x292: {  	[tilespmem:$0x18390] =	vst v5  }
0x293: {  	v5 =	vld.idx.msk [tilespmem:v6+s19+$0x0], $0xffff  }
0x294: {  	v6 =	vor.u32 s2, v4;
	_ =	sdelay $0x3  }
0x295: {  	[tilespmem:$0x183A0] =	vst v5  }
0x296: {  	v5 =	vld.idx.msk [tilespmem:v6+s19+$0x0], $0xffff;
	_ =	sdelay $0x2  }
0x297: {  	s20 =	sadd.s32 $0x1, s20  }
0x298: {  	p0 =	sne.s32 s20, s9  }
.Ltmp3:
0x299: {  	s5 =	simm.s32 $0x10400;
	s24 =	rddreg [dreg:$0xb];
	[tilespmem:$0x183B0] =	vst v5;
	(pc) =	sbr.rel @p0 .LBB2_1-.Ltmp3, $4  }
0x29a: {  	[hbm4b:s24+s4] =	stream.linear.scatter [tilespmem:s5], [sflag:$0x9], $0x8000, $0x38;
	[tilespmem:$0x1E400] =	vst v63  }
0x29b: {  	_ =	swait.ge [sflag:s10], $0x8000  }
0x29c: {  	[sflag:s10] =	ssyncset.done $0x0  }
0x29d: {  	[sflag:s10] =	ssyncadd.s32 $0xFFFF8000  }
0x29e: {  	_ =	sfence.sel $0x180000  }
0x29f: {  	[bflag:$0x0] =	sbarrier.arrive $0xFFFF  }
0x2a0: {  	_ =	strace $0x90000047  }
0x2a1: {  	s0 =	stileid.u32;
	[bflag:$0x2] =	sbarrier.arrive $0xFFFF  }
0x2a2: {  	p0 =	sne.s32 s0, $0x0;
	s0 =	rddreg [dreg:$0x6]  }
0x2a3: {  	s0 =	sadd.s32 @!p0 $0x100000, s0  }
0x2a4: {  	[sflag:s0] =	ssyncadd.tile.s32 @!p0 $0x1;
	_ =	shalt  }
.Lfunc_end2:
_tile_overlayer_lowered:
.L_overlay_start_2:
0x2a5: {  	(tag) =	ssettag $0x2  }
0x2a6: {  	s0 =	rddreg [dreg:$0x0];
	s2 =	stileid.u32  }
0x2a7: {  	s1 =	rddreg [dreg:$0x1];
	p0 =	sne.s32 s2, $0x0  }
0x2a8: {  	s3 =	rddreg [dreg:$0x2];
	[bflag:$0x3] =	sbarrier.arrive $0xFFFF;
	s2 =	simm.s32 @!p0 $0x1C09  }
0x2a9: {  	[timem:s3], [sflag:s2] =	dma.local @!p0 [hbm:s0], s1  }
0x2aa: {  	s0 =	simm.s32 @!p0 $0x9  }
0x2ab: {  	_ =	swait.ge @!p0 [sflag:s0], s1  }
0x2ac: {  	s1 =	ssub.s32 @!p0 $0x0, s1;
	[sflag:s0] =	ssyncset.done @!p0 $0x0  }
0x2ad: {  	[sflag:s0] =	ssyncadd.s32 @!p0 s1  }
0x2ae: {  	[bflag:$0x3] =	sbarrier.arrive $0xFFFF  }
0x2af: {  	_ =	shalt  }

</sc_bundles>
